<compile_context>
chip_gen: v7x
topology: tpu7x:2x2x1
jax: 0.10.2.dev20260603
libtpu: 0.0.44.dev20260713+nightly
codegen_flags: <defaults>
</compile_context>

<pallas_src>
import functools

import jax
import jax.numpy as jnp
from jax import lax
from jax.experimental import pallas as pl
from jax.experimental.pallas import tpu as pltpu
from jax.experimental.pallas import tpu_sc as plsc

NC = 2
NS = 16
D = 128

_SIZES = [(50000, 20000), (20000, 8000), (8000, 2048)]


def _sc_segment_sum(x, src, dst, n_dst, w, dst_split):
    n_edges = src.shape[0]
    half = n_dst // 2 if dst_split else n_dst
    pad = ((half + (128 if dst_split else 0) + 1023) // 1024) * 1024
    per_sub_zero = pad // NS
    chunk = n_edges // NS if dst_split else n_edges // (NC * NS)
    nwin = chunk // w
    assert nwin % 2 == 0 and nwin >= 2
    out_rows = (half // NS) // 8 * 8
    out_rem = half - NS * out_rows
    mesh = plsc.VectorSubcoreMesh(core_axis_name="c", subcore_axis_name="s")

    z128 = jnp.zeros((64, D), jnp.float32)
    z1d = jnp.zeros((per_sub_zero,), jnp.float32)
    ones = jnp.ones((w,), jnp.float32)

    if dst_split:
        out_type = (jax.ShapeDtypeStruct((n_dst, D), jnp.float32),
                    jax.ShapeDtypeStruct((n_dst,), jnp.float32))
    else:
        out_type = (jax.ShapeDtypeStruct((NC, n_dst, D), jnp.float32),
                    jax.ShapeDtypeStruct((NC * n_dst,), jnp.float32))

    @functools.partial(
        pl.kernel,
        out_type=out_type,
        mesh=mesh,
        scratch_types=[
            pltpu.VMEM((w,), jnp.int32),
            pltpu.VMEM((w,), jnp.int32),
            pltpu.VMEM((w, D), jnp.float32),
            pltpu.VMEM((w,), jnp.int32),
            pltpu.VMEM((w,), jnp.int32),
            pltpu.VMEM((w, D), jnp.float32),
            pltpu.VMEM((64, D), jnp.float32),
            pltpu.VMEM((w,), jnp.float32),
            pltpu.VMEM((per_sub_zero,), jnp.float32),
            pltpu.VMEM_SHARED((pad, D), jnp.float32),
            pltpu.VMEM_SHARED((pad,), jnp.float32),
            pltpu.SemaphoreType.DMA,
            pltpu.SemaphoreType.DMA,
            pltpu.SemaphoreType.DMA,
            pltpu.SemaphoreType.DMA,
            pltpu.SemaphoreType.DMA,
            pltpu.SemaphoreType.DMA,
            pltpu.SemaphoreType.DMA,
            pltpu.SemaphoreType.DMA,
        ],
    )
    def k(x_hbm, src_hbm, dst_hbm, z128_hbm, z1d_hbm, ones_hbm,
          sums_hbm, cnt_hbm,
          srcw0, dstw0, rows0, srcw1, dstw1, rows1, zblk, ovec, cvec,
          accum, cacc,
          s_i0, s_i1, s_g0, s_g1, s_sr0, s_sr1, s_sc0, s_sc1):
        c = lax.axis_index("c")
        s = lax.axis_index("s")
        lo = c * half if dst_split else 0
        pltpu.sync_copy(z128_hbm, zblk)
        pltpu.sync_copy(ones_hbm, ovec)

        zb = s * per_sub_zero
        pltpu.sync_copy(z1d_hbm, cvec)
        pltpu.sync_copy(cvec, cacc.at[pl.ds(zb, per_sub_zero)])

        @pl.loop(0, per_sub_zero, step=64)
        def _(r):
            pltpu.sync_copy(zblk, accum.at[pl.ds(zb + r, 64)])

        plsc.subcore_barrier()

        base = s * chunk if dst_split else (c * NS + s) * chunk
        bufs = [(srcw0, dstw0, rows0, s_i0, s_g0, s_sr0, s_sc0),
                (srcw1, dstw1, rows1, s_i1, s_g1, s_sr1, s_sc1)]

        def fire_idx(i, sb, db, si):
            eb = base + i * w
            pltpu.async_copy(src_hbm.at[pl.ds(eb, w)], sb, si)
            pltpu.async_copy(dst_hbm.at[pl.ds(eb, w)], db, si)

        def wait_idx(sb, db, si):
            pltpu.make_async_copy(src_hbm.at[pl.ds(0, w)], sb, si).wait()
            pltpu.make_async_copy(dst_hbm.at[pl.ds(0, w)], db, si).wait()

        def fire_scatter(rb, db, ssr, ssc):
            pltpu.async_copy(rb, accum.at[db], ssr, add=True)
            pltpu.async_copy(ovec, cacc.at[db], ssc, add=True)

        def wait_scatter(rb, db, ssr, ssc):
            pltpu.make_async_copy(rb, accum.at[db], ssr).wait()
            pltpu.make_async_copy(ovec, cacc.at[db], ssc).wait()

        def remap(db, i):
            trash_base = half + ((s + i) % 8) * 16

            @pl.loop(0, w, step=16)
            def _(j):
                d = db[pl.ds(j, 16)]
                local = d - lo
                oob = (local < 0) | (local >= half)
                trash = trash_base + lax.iota(jnp.int32, 16)
                db[pl.ds(j, 16)] = jnp.where(oob, trash, local)

        fire_idx(0, srcw0, dstw0, s_i0)

        @pl.loop(0, nwin, step=2)
        def _(wi):
            for off in (0, 1):
                sb, db, rb, si, sg, ssr, ssc = bufs[off]
                osb, odb, orb, osi, osg, ossr, ossc = bufs[1 - off]
                i = wi + off
                wait_idx(sb, db, si)
                gd = pltpu.async_copy(x_hbm.at[sb], rb, sg)
                if dst_split:
                    remap(db, i)

                @pl.when(i > 0)
                def _():
                    wait_scatter(orb, odb, ossr, ossc)

                @pl.when(i + 1 < nwin)
                def _():
                    fire_idx(i + 1, osb, odb, osi)

                gd.wait()
                fire_scatter(rb, db, ssr, ssc)

        wait_scatter(rows1, dstw1, s_sr1, s_sc1)

        plsc.subcore_barrier()
        rw = s * out_rows
        if dst_split:
            sums_slice = lambda a, n: sums_hbm.at[pl.ds(lo + a, n)]
            cnt_off = lo
        else:
            sums_slice = lambda a, n: sums_hbm.at[c, pl.ds(a, n)]
            cnt_off = c * n_dst
        pltpu.sync_copy(accum.at[pl.ds(rw, out_rows)],
                        sums_slice(rw, out_rows))
        pltpu.sync_copy(cacc.at[pl.ds(rw, out_rows)],
                        cvec.at[pl.ds(0, out_rows)])
        pltpu.sync_copy(cvec.at[pl.ds(0, out_rows)],
                        cnt_hbm.at[pl.ds(cnt_off + rw, out_rows)])
        if out_rem:
            @pl.when(s == 0)
            def _():
                rr = NS * out_rows
                pltpu.sync_copy(accum.at[pl.ds(rr, out_rem)],
                                sums_slice(rr, out_rem))
                pltpu.sync_copy(cacc.at[pl.ds(rr, out_rem)],
                                cvec.at[pl.ds(0, out_rem)])
                pltpu.sync_copy(cvec.at[pl.ds(0, out_rem)],
                                cnt_hbm.at[pl.ds(cnt_off + rr, out_rem)])

    return k(x, src, dst, z128, z1d, ones)


def _tc_combine(sums, cnt, x_dst, Wl, Wr, b, relu):
    n_dst = x_dst.shape[0]
    partial = sums.ndim == 3
    br = 2000 if n_dst % 2000 == 0 else (1024 if n_dst % 1024 == 0 else n_dst)
    b2 = b.reshape(1, D)

    def body(s_ref, c_ref, xd_ref, wl_ref, wr_ref, b_ref, o_ref):
        if partial:
            s = s_ref[0] + s_ref[1]
            ctot = c_ref[0] + c_ref[1]
        else:
            s = s_ref[...]
            ctot = c_ref[...]
        mean = s / jnp.maximum(ctot, 1.0)
        o = (jnp.dot(mean, wl_ref[...], preferred_element_type=jnp.float32)
             + jnp.dot(xd_ref[...], wr_ref[...],
                       preferred_element_type=jnp.float32)
             + b_ref[...])
        if relu:
            o = jnp.maximum(o, 0.0)
        o_ref[...] = o

    if partial:
        s_spec = pl.BlockSpec((NC, br, D), lambda i: (0, i, 0))
        c_spec = pl.BlockSpec((NC, br, 1), lambda i: (0, i, 0))
    else:
        s_spec = pl.BlockSpec((br, D), lambda i: (i, 0))
        c_spec = pl.BlockSpec((br, 1), lambda i: (i, 0))

    return pl.pallas_call(
        body,
        grid=(n_dst // br,),
        in_specs=[
            s_spec,
            c_spec,
            pl.BlockSpec((br, D), lambda i: (i, 0)),
            pl.BlockSpec((D, D), lambda i: (0, 0)),
            pl.BlockSpec((D, D), lambda i: (0, 0)),
            pl.BlockSpec((1, D), lambda i: (0, 0)),
        ],
        out_specs=pl.BlockSpec((br, D), lambda i: (i, 0)),
        out_shape=jax.ShapeDtypeStruct((n_dst, D), jnp.float32),
    )(sums, cnt, x_dst, Wl, Wr, b2)


def kernel(x, edge_index0, edge_index1, edge_index2,
           Wl0, Wr0, b0, Wl1, Wr1, b1, Wl2, Wr2, b2):
    edges = [edge_index0, edge_index1, edge_index2]
    params = [(Wl0, Wr0, b0), (Wl1, Wr1, b1), (Wl2, Wr2, b2)]
    ws = [80, 80, 64]
    h = x
    for i, (ei, (ns, nd)) in enumerate(zip(edges, _SIZES)):
        src, dst = ei[0], ei[1]
        Wl, Wr, b = params[i]
        sums, cnt = _sc_segment_sum(h, src, dst, nd, ws[i], dst_split=(i == 0))
        if i == 0:
            cnt = cnt.reshape(nd, 1)
        else:
            cnt = cnt.reshape(NC, nd, 1)
        h = _tc_combine(sums, cnt, h[:nd], Wl, Wr, b, relu=(i != 2))
    return h

# --- scband reference (transcript-rebuilt; emitter-appended) ---
"""Pipeline reference for scband-graph-sage-16638703305427 (READ-ONLY COPY).

The authoritative reference and input builder live on the scoring server;
editing this copy changes nothing except your own understanding.
"""

import jax, jax.numpy as jnp
import numpy as np

SIZES = [(50000, 20000), (20000, 8000), (8000, 2048)]
EDGES = [320000, 128000, 32768]
D = 128


def _make_edge_index(key, n_src, n_dst, n_edges):
    k1, k2 = jax.random.split(key)
    src = jax.random.randint(k1, (n_edges,), 0, n_src, dtype=jnp.int32)
    dst = jax.random.randint(k2, (n_edges,), 0, n_dst, dtype=jnp.int32)
    return jnp.stack([src, dst], axis=0)


def _glorot(key, shape):
    s = 1.0 / np.sqrt(shape[0])
    return jax.random.uniform(key, shape, dtype=jnp.float32, minval=-s, maxval=s)


def setup_inputs(seed: int = 0) -> dict:
    key = jax.random.key(seed)
    ks = jax.random.split(key, 16)
    inp = {}
    inp['x'] = jax.random.normal(ks[0], (SIZES[0][0], D), dtype=jnp.float32)
    for i, ((ns, nd), ne) in enumerate(zip(SIZES, EDGES)):
        inp[f'edge_index{i}'] = _make_edge_index(ks[1 + i], ns, nd, ne)
    for i in range(3):
        inp[f'Wl{i}'] = _glorot(ks[4 + 3 * i], (D, D))
        inp[f'Wr{i}'] = _glorot(ks[5 + 3 * i], (D, D))
        inp[f'b{i}'] = jnp.zeros((D,), dtype=jnp.float32)
    return inp


def _sage_conv(x_src, x_dst, edge_index, Wl, Wr, b, n_dst):
    src = edge_index[0]
    dst = edge_index[1]
    msgs = jnp.take(x_src, src, axis=0)
    summed = jax.ops.segment_sum(msgs, dst, num_segments=n_dst)
    cnt = jax.ops.segment_sum(jnp.ones((msgs.shape[0],), jnp.float32), dst, num_segments=n_dst)
    mean = summed / jnp.maximum(cnt, 1.0)[:, None]
    return mean @ Wl + x_dst @ Wr + b


def reference(x, edge_index0, edge_index1, edge_index2, Wl0, Wr0, b0, Wl1, Wr1, b1, Wl2, Wr2, b2):
    edges = [edge_index0, edge_index1, edge_index2]
    params = [(Wl0, Wr0, b0), (Wl1, Wr1, b1), (Wl2, Wr2, b2)]
    h = x
    for i, (ei, (ns, nd)) in enumerate(zip(edges, SIZES)):
        h_target = h[:nd]
        Wl, Wr, b = params[i]
        h = _sage_conv(h, h_target, ei, Wl, Wr, b, nd)
        if i != len(SIZES) - 1:
            h = jax.nn.relu(h)
    return h

if __name__ == "__main__":
    import jax
    _d = setup_inputs()
    print(jax.jit(kernel)(*tuple(_d.values())))

</pallas_src>

<mosaic_0001>
#map = affine_map<(d0, d1) -> (0, 0)>
#map1 = affine_map<(d0, d1) -> (0)>
#map2 = affine_map<(d0, d1) -> (0, 0, 0)>
module attributes {stable_mosaic.version = 14 : i64} {
  func.func @k(%arg0: i32, %arg1: i32, %arg2: memref<8000x128xf32, #tpu.memory_space<hbm>>, %arg3: memref<32768xi32, #tpu.memory_space<hbm>>, %arg4: memref<32768xi32, #tpu.memory_space<hbm>>, %arg5: memref<64x128xf32, #tpu.memory_space<hbm>>, %arg6: memref<128xf32, #tpu.memory_space<hbm>>, %arg7: memref<64xf32, #tpu.memory_space<hbm>>, %arg8: memref<2x2048x128xf32, #tpu.memory_space<hbm>>, %arg9: memref<4096xf32, #tpu.memory_space<hbm>>, %arg10: memref<64xi32, #tpu.memory_space<vmem>>, %arg11: memref<64xi32, #tpu.memory_space<vmem>>, %arg12: memref<64x128xf32, #tpu.memory_space<vmem>>, %arg13: memref<64xi32, #tpu.memory_space<vmem>>, %arg14: memref<64xi32, #tpu.memory_space<vmem>>, %arg15: memref<64x128xf32, #tpu.memory_space<vmem>>, %arg16: memref<64x128xf32, #tpu.memory_space<vmem>>, %arg17: memref<64xf32, #tpu.memory_space<vmem>>, %arg18: memref<128xf32, #tpu.memory_space<vmem>>, %arg19: memref<2048x128xf32, #tpu.memory_space<vmem_shared>>, %arg20: memref<2048xf32, #tpu.memory_space<vmem_shared>>, %arg21: memref<!tpu.dma_semaphore, #tpu.memory_space<semaphore_mem>>, %arg22: memref<!tpu.dma_semaphore, #tpu.memory_space<semaphore_mem>>, %arg23: memref<!tpu.dma_semaphore, #tpu.memory_space<semaphore_mem>>, %arg24: memref<!tpu.dma_semaphore, #tpu.memory_space<semaphore_mem>>, %arg25: memref<!tpu.dma_semaphore, #tpu.memory_space<semaphore_mem>>, %arg26: memref<!tpu.dma_semaphore, #tpu.memory_space<semaphore_mem>>, %arg27: memref<!tpu.dma_semaphore, #tpu.memory_space<semaphore_mem>>, %arg28: memref<!tpu.dma_semaphore, #tpu.memory_space<semaphore_mem>>) attributes {dimension_semantics = [#tpu.dimension_semantics<core_parallel>, #tpu.dimension_semantics<subcore_parallel>], iteration_bounds = array<i64: 2, 16>, scalar_prefetch = 0 : i64, scratch_operands = 19 : i64, tpu.core_type = #tpu.core_type<sc_vector_subcore>, window_params = [{transform_indices = #map}, {transform_indices = #map1}, {transform_indices = #map1}, {transform_indices = #map}, {transform_indices = #map1}, {transform_indices = #map1}, {transform_indices = #map2}, {transform_indices = #map1}]} {
    "tpu.region"() ({
      %run_scoped3A = tpu.sem_alloc : memref<!tpu.dma_semaphore, #tpu.memory_space<semaphore_mem>>
      tpu.enqueue_dma source(%arg5 : memref<64x128xf32, #tpu.memory_space<hbm>>) target(%arg16 : memref<64x128xf32, #tpu.memory_space<vmem>>) target_semaphore(%run_scoped3A : memref<!tpu.dma_semaphore, #tpu.memory_space<semaphore_mem>>)
      tpu.wait_dma2 semaphore(%run_scoped3A : memref<!tpu.dma_semaphore, #tpu.memory_space<semaphore_mem>>) src(%arg5 : memref<64x128xf32, #tpu.memory_space<hbm>>) dst(%arg16 : memref<64x128xf32, #tpu.memory_space<vmem>>)
      tpu.yield
    }) : () -> ()
    "tpu.region"() ({
      %run_scoped3A = tpu.sem_alloc : memref<!tpu.dma_semaphore, #tpu.memory_space<semaphore_mem>>
      tpu.enqueue_dma source(%arg7 : memref<64xf32, #tpu.memory_space<hbm>>) target(%arg17 : memref<64xf32, #tpu.memory_space<vmem>>) target_semaphore(%run_scoped3A : memref<!tpu.dma_semaphore, #tpu.memory_space<semaphore_mem>>)
      tpu.wait_dma2 semaphore(%run_scoped3A : memref<!tpu.dma_semaphore, #tpu.memory_space<semaphore_mem>>) src(%arg7 : memref<64xf32, #tpu.memory_space<hbm>>) dst(%arg17 : memref<64xf32, #tpu.memory_space<vmem>>)
      tpu.yield
    }) : () -> ()
    %mul3A = arith.constant 128 : i32
    %mul3A_0 = arith.muli %arg1, %mul3A : i32
    "tpu.region"() ({
      %run_scoped3A = tpu.sem_alloc : memref<!tpu.dma_semaphore, #tpu.memory_space<semaphore_mem>>
      tpu.enqueue_dma source(%arg6 : memref<128xf32, #tpu.memory_space<hbm>>) target(%arg18 : memref<128xf32, #tpu.memory_space<vmem>>) target_semaphore(%run_scoped3A : memref<!tpu.dma_semaphore, #tpu.memory_space<semaphore_mem>>)
      tpu.wait_dma2 semaphore(%run_scoped3A : memref<!tpu.dma_semaphore, #tpu.memory_space<semaphore_mem>>) src(%arg6 : memref<128xf32, #tpu.memory_space<hbm>>) dst(%arg18 : memref<128xf32, #tpu.memory_space<vmem>>)
      tpu.yield
    }) : () -> ()
    "tpu.region"() ({
      %run_scoped3A = tpu.sem_alloc : memref<!tpu.dma_semaphore, #tpu.memory_space<semaphore_mem>>
      %dma_start3A_29 = tpu.memref_slice %arg20[%mul3A_0] : memref<2048xf32, #tpu.memory_space<vmem_shared>> -> memref<128xf32, #tpu.memory_space<vmem_shared>>
      %dma_start3A_30 = tpu.memref_slice %arg20[%mul3A_0] : memref<2048xf32, #tpu.memory_space<vmem_shared>> -> memref<128xf32, #tpu.memory_space<vmem_shared>>
      tpu.enqueue_dma source(%arg18 : memref<128xf32, #tpu.memory_space<vmem>>) target(%dma_start3A_30 : memref<128xf32, #tpu.memory_space<vmem_shared>>) target_semaphore(%run_scoped3A : memref<!tpu.dma_semaphore, #tpu.memory_space<semaphore_mem>>)
      %dma_wait3A_31 = tpu.memref_slice %arg20[%mul3A_0] : memref<2048xf32, #tpu.memory_space<vmem_shared>> -> memref<128xf32, #tpu.memory_space<vmem_shared>>
      %dma_wait3A_32 = tpu.memref_slice %arg20[%mul3A_0] : memref<2048xf32, #tpu.memory_space<vmem_shared>> -> memref<128xf32, #tpu.memory_space<vmem_shared>>
      tpu.wait_dma2 semaphore(%run_scoped3A : memref<!tpu.dma_semaphore, #tpu.memory_space<semaphore_mem>>) src(%arg18 : memref<128xf32, #tpu.memory_space<vmem>>) dst(%dma_wait3A_32 : memref<128xf32, #tpu.memory_space<vmem_shared>>)
      tpu.yield
    }) : () -> ()
    %scan3A = arith.constant 0 : i32
    %scan3A_1 = arith.constant 2 : i32
    %scan3A_2 = arith.addi %scan3A, %scan3A_1 : i32
    %scan3A_3 = arith.constant 1 : i32
    scf.for %scan3A_29 = %scan3A to %scan3A_2 step %scan3A_3  : i32 {
      %mul3A_30 = arith.constant 64 : i32
      %mul3A_31 = arith.muli %scan3A_29, %mul3A_30 : i32
      %add3A_32 = arith.constant 0 : i32
      %add3A_33 = arith.addi %add3A_32, %mul3A_31 : i32
      %add3A_34 = arith.addi %mul3A_0, %add3A_33 : i32
      "tpu.region"() ({
        %run_scoped3A = tpu.sem_alloc : memref<!tpu.dma_semaphore, #tpu.memory_space<semaphore_mem>>
        %dma_start3A_35 = arith.constant 0 : i32
        %dma_start3A_36 = tpu.memref_slice %arg19[%add3A_34, %dma_start3A_35] : memref<2048x128xf32, #tpu.memory_space<vmem_shared>> -> memref<64x128xf32, #tpu.memory_space<vmem_shared>>
        %dma_start3A_37 = arith.constant 0 : i32
        %dma_start3A_38 = tpu.memref_slice %arg19[%add3A_34, %dma_start3A_37] : memref<2048x128xf32, #tpu.memory_space<vmem_shared>> -> memref<64x128xf32, #tpu.memory_space<vmem_shared>>
        tpu.enqueue_dma source(%arg16 : memref<64x128xf32, #tpu.memory_space<vmem>>) target(%dma_start3A_38 : memref<64x128xf32, #tpu.memory_space<vmem_shared>>) target_semaphore(%run_scoped3A : memref<!tpu.dma_semaphore, #tpu.memory_space<semaphore_mem>>)
        %dma_wait3A_39 = arith.constant 0 : i32
        %dma_wait3A_40 = tpu.memref_slice %arg19[%add3A_34, %dma_wait3A_39] : memref<2048x128xf32, #tpu.memory_space<vmem_shared>> -> memref<64x128xf32, #tpu.memory_space<vmem_shared>>
        %dma_wait3A_41 = arith.constant 0 : i32
        %dma_wait3A_42 = tpu.memref_slice %arg19[%add3A_34, %dma_wait3A_41] : memref<2048x128xf32, #tpu.memory_space<vmem_shared>> -> memref<64x128xf32, #tpu.memory_space<vmem_shared>>
        tpu.wait_dma2 semaphore(%run_scoped3A : memref<!tpu.dma_semaphore, #tpu.memory_space<semaphore_mem>>) src(%arg16 : memref<64x128xf32, #tpu.memory_space<vmem>>) dst(%dma_wait3A_42 : memref<64x128xf32, #tpu.memory_space<vmem_shared>>)
        tpu.yield
      }) : () -> ()
    }
    %scan3A_4 = arith.constant 2 : i32
    %barrier3A = arith.constant 0 : index
    tpu.barrier barrier_id(%barrier3A)
    %mul3A_5 = arith.constant 16 : i32
    %mul3A_6 = arith.muli %arg0, %mul3A_5 : i32
    %add3A = arith.addi %mul3A_6, %arg1 : i32
    %mul3A_7 = arith.constant 1024 : i32
    %mul3A_8 = arith.muli %add3A, %mul3A_7 : i32
    %add3A_9 = arith.constant 0 : i32
    %add3A_10 = arith.addi %mul3A_8, %add3A_9 : i32
    %dma_start3A = tpu.memref_slice %arg3[%add3A_10] : memref<32768xi32, #tpu.memory_space<hbm>> -> memref<64xi32, #tpu.memory_space<hbm>>
    %dma_start3A_11 = tpu.memref_slice %arg3[%add3A_10] : memref<32768xi32, #tpu.memory_space<hbm>> -> memref<64xi32, #tpu.memory_space<hbm>>
    tpu.enqueue_dma source(%dma_start3A_11 : memref<64xi32, #tpu.memory_space<hbm>>) target(%arg10 : memref<64xi32, #tpu.memory_space<vmem>>) target_semaphore(%arg21 : memref<!tpu.dma_semaphore, #tpu.memory_space<semaphore_mem>>)
    %dma_start3A_12 = tpu.memref_slice %arg4[%add3A_10] : memref<32768xi32, #tpu.memory_space<hbm>> -> memref<64xi32, #tpu.memory_space<hbm>>
    %dma_start3A_13 = tpu.memref_slice %arg4[%add3A_10] : memref<32768xi32, #tpu.memory_space<hbm>> -> memref<64xi32, #tpu.memory_space<hbm>>
    tpu.enqueue_dma source(%dma_start3A_13 : memref<64xi32, #tpu.memory_space<hbm>>) target(%arg11 : memref<64xi32, #tpu.memory_space<vmem>>) target_semaphore(%arg21 : memref<!tpu.dma_semaphore, #tpu.memory_space<semaphore_mem>>)
    %scan3A_14 = arith.constant 0 : i32
    %scan3A_15 = arith.constant 8 : i32
    %scan3A_16 = arith.addi %scan3A_14, %scan3A_15 : i32
    %scan3A_17 = arith.constant 1 : i32
    scf.for %scan3A_29 = %scan3A_14 to %scan3A_16 step %scan3A_17  : i32 {
      %mul3A_30 = arith.constant 2 : i32
      %mul3A_31 = arith.muli %scan3A_29, %mul3A_30 : i32
      %add3A_32 = arith.constant 0 : i32
      %add3A_33 = arith.addi %add3A_32, %mul3A_31 : i32
      %add3A_34 = arith.constant 0 : i32
      %add3A_35 = arith.addi %add3A_33, %add3A_34 : i32
      %dma_wait3A_36 = arith.constant 0 : i32
      %dma_wait3A_37 = tpu.memref_slice %arg3[%dma_wait3A_36] : memref<32768xi32, #tpu.memory_space<hbm>> -> memref<64xi32, #tpu.memory_space<hbm>>
      %dma_wait3A_38 = arith.constant 0 : i32
      %dma_wait3A_39 = tpu.memref_slice %arg3[%dma_wait3A_38] : memref<32768xi32, #tpu.memory_space<hbm>> -> memref<64xi32, #tpu.memory_space<hbm>>
      tpu.wait_dma2 semaphore(%arg21 : memref<!tpu.dma_semaphore, #tpu.memory_space<semaphore_mem>>) src(%dma_wait3A_39 : memref<64xi32, #tpu.memory_space<hbm>>) dst(%arg10 : memref<64xi32, #tpu.memory_space<vmem>>)
      %dma_wait3A_40 = arith.constant 0 : i32
      %dma_wait3A_41 = tpu.memref_slice %arg4[%dma_wait3A_40] : memref<32768xi32, #tpu.memory_space<hbm>> -> memref<64xi32, #tpu.memory_space<hbm>>
      %dma_wait3A_42 = arith.constant 0 : i32
      %dma_wait3A_43 = tpu.memref_slice %arg4[%dma_wait3A_42] : memref<32768xi32, #tpu.memory_space<hbm>> -> memref<64xi32, #tpu.memory_space<hbm>>
      tpu.wait_dma2 semaphore(%arg21 : memref<!tpu.dma_semaphore, #tpu.memory_space<semaphore_mem>>) src(%dma_wait3A_43 : memref<64xi32, #tpu.memory_space<hbm>>) dst(%arg11 : memref<64xi32, #tpu.memory_space<vmem>>)
      %dma_start3A_44 = arith.constant 0 : i32
      %dma_start3A_45 = arith.constant 0 : i32
      %dma_start3A_46 = tpu.memref_slice %arg2[%dma_start3A_44, %dma_start3A_45] : memref<8000x128xf32, #tpu.memory_space<hbm>> -> memref<8000x128xf32, #tpu.memory_space<hbm>>
      tpu.enqueue_indirect_dma source(%dma_start3A_46 : memref<8000x128xf32, #tpu.memory_space<hbm>>) target(%arg12 : memref<64x128xf32, #tpu.memory_space<vmem>>) offsets(%arg10 : memref<64xi32, #tpu.memory_space<vmem>>) semaphore(%arg23 : memref<!tpu.dma_semaphore, #tpu.memory_space<semaphore_mem>>)
      %gt3A = arith.constant 0 : i32
      %gt3A_47 = arith.cmpi sgt, %add3A_35, %gt3A : i32
      %convert_element_type3A = arith.extui %gt3A_47 : i1 to i32
      %cond3A = arith.constant 0 : i32
      %cond3A_48 = arith.cmpi ne, %convert_element_type3A, %cond3A : i32
      scf.if %cond3A_48 {
        %dma_wait3A_96 = arith.constant 0 : i32
        %dma_wait3A_97 = arith.constant 0 : i32
        %dma_wait3A_98 = tpu.memref_slice %arg19[%dma_wait3A_96, %dma_wait3A_97] : memref<2048x128xf32, #tpu.memory_space<vmem_shared>> -> memref<2048x128xf32, #tpu.memory_space<vmem_shared>>
        tpu.wait_indirect_dma semaphore(%arg26 : memref<!tpu.dma_semaphore, #tpu.memory_space<semaphore_mem>>) src(%arg15 : memref<64x128xf32, #tpu.memory_space<vmem>>) dst(%dma_wait3A_98 : memref<2048x128xf32, #tpu.memory_space<vmem_shared>>)
        %dma_wait3A_99 = arith.constant 0 : i32
        %dma_wait3A_100 = tpu.memref_slice %arg20[%dma_wait3A_99] : memref<2048xf32, #tpu.memory_space<vmem_shared>> -> memref<2048xf32, #tpu.memory_space<vmem_shared>>
        tpu.wait_indirect_dma semaphore(%arg28 : memref<!tpu.dma_semaphore, #tpu.memory_space<semaphore_mem>>) src(%arg17 : memref<64xf32, #tpu.memory_space<vmem>>) dst(%dma_wait3A_100 : memref<2048xf32, #tpu.memory_space<vmem_shared>>)
      } else {
      }
      %add3A_49 = arith.constant 1 : i32
      %add3A_50 = arith.addi %add3A_35, %add3A_49 : i32
      %lt3A = arith.constant 16 : i32
      %lt3A_51 = arith.cmpi slt, %add3A_50, %lt3A : i32
      %convert_element_type3A_52 = arith.extui %lt3A_51 : i1 to i32
      %cond3A_53 = arith.constant 0 : i32
      %cond3A_54 = arith.cmpi ne, %convert_element_type3A_52, %cond3A_53 : i32
      scf.if %cond3A_54 {
        %add3A_96 = arith.constant 1 : i32
        %add3A_97 = arith.addi %add3A_35, %add3A_96 : i32
        %mul3A_98 = arith.constant 64 : i32
        %mul3A_99 = arith.muli %add3A_97, %mul3A_98 : i32
        %add3A_100 = arith.addi %mul3A_8, %mul3A_99 : i32
        %dma_start3A_101 = tpu.memref_slice %arg3[%add3A_100] : memref<32768xi32, #tpu.memory_space<hbm>> -> memref<64xi32, #tpu.memory_space<hbm>>
        %dma_start3A_102 = tpu.memref_slice %arg3[%add3A_100] : memref<32768xi32, #tpu.memory_space<hbm>> -> memref<64xi32, #tpu.memory_space<hbm>>
        tpu.enqueue_dma source(%dma_start3A_102 : memref<64xi32, #tpu.memory_space<hbm>>) target(%arg13 : memref<64xi32, #tpu.memory_space<vmem>>) target_semaphore(%arg22 : memref<!tpu.dma_semaphore, #tpu.memory_space<semaphore_mem>>)
        %dma_start3A_103 = tpu.memref_slice %arg4[%add3A_100] : memref<32768xi32, #tpu.memory_space<hbm>> -> memref<64xi32, #tpu.memory_space<hbm>>
        %dma_start3A_104 = tpu.memref_slice %arg4[%add3A_100] : memref<32768xi32, #tpu.memory_space<hbm>> -> memref<64xi32, #tpu.memory_space<hbm>>
        tpu.enqueue_dma source(%dma_start3A_104 : memref<64xi32, #tpu.memory_space<hbm>>) target(%arg14 : memref<64xi32, #tpu.memory_space<vmem>>) target_semaphore(%arg22 : memref<!tpu.dma_semaphore, #tpu.memory_space<semaphore_mem>>)
      } else {
      }
      %dma_wait3A_55 = arith.constant 0 : i32
      %dma_wait3A_56 = arith.constant 0 : i32
      %dma_wait3A_57 = tpu.memref_slice %arg2[%dma_wait3A_55, %dma_wait3A_56] : memref<8000x128xf32, #tpu.memory_space<hbm>> -> memref<8000x128xf32, #tpu.memory_space<hbm>>
      tpu.wait_indirect_dma semaphore(%arg23 : memref<!tpu.dma_semaphore, #tpu.memory_space<semaphore_mem>>) src(%dma_wait3A_57 : memref<8000x128xf32, #tpu.memory_space<hbm>>) dst(%arg12 : memref<64x128xf32, #tpu.memory_space<vmem>>)
      %dma_start3A_58 = arith.constant 0 : i32
      %dma_start3A_59 = arith.constant 0 : i32
      %dma_start3A_60 = tpu.memref_slice %arg19[%dma_start3A_58, %dma_start3A_59] : memref<2048x128xf32, #tpu.memory_space<vmem_shared>> -> memref<2048x128xf32, #tpu.memory_space<vmem_shared>>
      tpu.enqueue_indirect_dma source(%arg12 : memref<64x128xf32, #tpu.memory_space<vmem>>) target(%dma_start3A_60 : memref<2048x128xf32, #tpu.memory_space<vmem_shared>>) offsets(%arg11 : memref<64xi32, #tpu.memory_space<vmem>>) semaphore(%arg25 : memref<!tpu.dma_semaphore, #tpu.memory_space<semaphore_mem>>) {add = true}
      %dma_start3A_61 = arith.constant 0 : i32
      %dma_start3A_62 = tpu.memref_slice %arg20[%dma_start3A_61] : memref<2048xf32, #tpu.memory_space<vmem_shared>> -> memref<2048xf32, #tpu.memory_space<vmem_shared>>
      tpu.enqueue_indirect_dma source(%arg17 : memref<64xf32, #tpu.memory_space<vmem>>) target(%dma_start3A_62 : memref<2048xf32, #tpu.memory_space<vmem_shared>>) offsets(%arg11 : memref<64xi32, #tpu.memory_space<vmem>>) semaphore(%arg27 : memref<!tpu.dma_semaphore, #tpu.memory_space<semaphore_mem>>) {add = true}
      %add3A_63 = arith.constant 1 : i32
      %add3A_64 = arith.addi %add3A_33, %add3A_63 : i32
      %dma_wait3A_65 = arith.constant 0 : i32
      %dma_wait3A_66 = tpu.memref_slice %arg3[%dma_wait3A_65] : memref<32768xi32, #tpu.memory_space<hbm>> -> memref<64xi32, #tpu.memory_space<hbm>>
      %dma_wait3A_67 = arith.constant 0 : i32
      %dma_wait3A_68 = tpu.memref_slice %arg3[%dma_wait3A_67] : memref<32768xi32, #tpu.memory_space<hbm>> -> memref<64xi32, #tpu.memory_space<hbm>>
      tpu.wait_dma2 semaphore(%arg22 : memref<!tpu.dma_semaphore, #tpu.memory_space<semaphore_mem>>) src(%dma_wait3A_68 : memref<64xi32, #tpu.memory_space<hbm>>) dst(%arg13 : memref<64xi32, #tpu.memory_space<vmem>>)
      %dma_wait3A_69 = arith.constant 0 : i32
      %dma_wait3A_70 = tpu.memref_slice %arg4[%dma_wait3A_69] : memref<32768xi32, #tpu.memory_space<hbm>> -> memref<64xi32, #tpu.memory_space<hbm>>
      %dma_wait3A_71 = arith.constant 0 : i32
      %dma_wait3A_72 = tpu.memref_slice %arg4[%dma_wait3A_71] : memref<32768xi32, #tpu.memory_space<hbm>> -> memref<64xi32, #tpu.memory_space<hbm>>
      tpu.wait_dma2 semaphore(%arg22 : memref<!tpu.dma_semaphore, #tpu.memory_space<semaphore_mem>>) src(%dma_wait3A_72 : memref<64xi32, #tpu.memory_space<hbm>>) dst(%arg14 : memref<64xi32, #tpu.memory_space<vmem>>)
      %dma_start3A_73 = arith.constant 0 : i32
      %dma_start3A_74 = arith.constant 0 : i32
      %dma_start3A_75 = tpu.memref_slice %arg2[%dma_start3A_73, %dma_start3A_74] : memref<8000x128xf32, #tpu.memory_space<hbm>> -> memref<8000x128xf32, #tpu.memory_space<hbm>>
      tpu.enqueue_indirect_dma source(%dma_start3A_75 : memref<8000x128xf32, #tpu.memory_space<hbm>>) target(%arg15 : memref<64x128xf32, #tpu.memory_space<vmem>>) offsets(%arg13 : memref<64xi32, #tpu.memory_space<vmem>>) semaphore(%arg24 : memref<!tpu.dma_semaphore, #tpu.memory_space<semaphore_mem>>)
      %gt3A_76 = arith.constant 0 : i32
      %gt3A_77 = arith.cmpi sgt, %add3A_64, %gt3A_76 : i32
      %convert_element_type3A_78 = arith.extui %gt3A_77 : i1 to i32
      %cond3A_79 = arith.constant 0 : i32
      %cond3A_80 = arith.cmpi ne, %convert_element_type3A_78, %cond3A_79 : i32
      scf.if %cond3A_80 {
        %dma_wait3A_96 = arith.constant 0 : i32
        %dma_wait3A_97 = arith.constant 0 : i32
        %dma_wait3A_98 = tpu.memref_slice %arg19[%dma_wait3A_96, %dma_wait3A_97] : memref<2048x128xf32, #tpu.memory_space<vmem_shared>> -> memref<2048x128xf32, #tpu.memory_space<vmem_shared>>
        tpu.wait_indirect_dma semaphore(%arg25 : memref<!tpu.dma_semaphore, #tpu.memory_space<semaphore_mem>>) src(%arg12 : memref<64x128xf32, #tpu.memory_space<vmem>>) dst(%dma_wait3A_98 : memref<2048x128xf32, #tpu.memory_space<vmem_shared>>)
        %dma_wait3A_99 = arith.constant 0 : i32
        %dma_wait3A_100 = tpu.memref_slice %arg20[%dma_wait3A_99] : memref<2048xf32, #tpu.memory_space<vmem_shared>> -> memref<2048xf32, #tpu.memory_space<vmem_shared>>
        tpu.wait_indirect_dma semaphore(%arg27 : memref<!tpu.dma_semaphore, #tpu.memory_space<semaphore_mem>>) src(%arg17 : memref<64xf32, #tpu.memory_space<vmem>>) dst(%dma_wait3A_100 : memref<2048xf32, #tpu.memory_space<vmem_shared>>)
      } else {
      }
      %add3A_81 = arith.constant 1 : i32
      %add3A_82 = arith.addi %add3A_64, %add3A_81 : i32
      %lt3A_83 = arith.constant 16 : i32
      %lt3A_84 = arith.cmpi slt, %add3A_82, %lt3A_83 : i32
      %convert_element_type3A_85 = arith.extui %lt3A_84 : i1 to i32
      %cond3A_86 = arith.constant 0 : i32
      %cond3A_87 = arith.cmpi ne, %convert_element_type3A_85, %cond3A_86 : i32
      scf.if %cond3A_87 {
        %add3A_96 = arith.constant 1 : i32
        %add3A_97 = arith.addi %add3A_64, %add3A_96 : i32
        %mul3A_98 = arith.constant 64 : i32
        %mul3A_99 = arith.muli %add3A_97, %mul3A_98 : i32
        %add3A_100 = arith.addi %mul3A_8, %mul3A_99 : i32
        %dma_start3A_101 = tpu.memref_slice %arg3[%add3A_100] : memref<32768xi32, #tpu.memory_space<hbm>> -> memref<64xi32, #tpu.memory_space<hbm>>
        %dma_start3A_102 = tpu.memref_slice %arg3[%add3A_100] : memref<32768xi32, #tpu.memory_space<hbm>> -> memref<64xi32, #tpu.memory_space<hbm>>
        tpu.enqueue_dma source(%dma_start3A_102 : memref<64xi32, #tpu.memory_space<hbm>>) target(%arg10 : memref<64xi32, #tpu.memory_space<vmem>>) target_semaphore(%arg21 : memref<!tpu.dma_semaphore, #tpu.memory_space<semaphore_mem>>)
        %dma_start3A_103 = tpu.memref_slice %arg4[%add3A_100] : memref<32768xi32, #tpu.memory_space<hbm>> -> memref<64xi32, #tpu.memory_space<hbm>>
        %dma_start3A_104 = tpu.memref_slice %arg4[%add3A_100] : memref<32768xi32, #tpu.memory_space<hbm>> -> memref<64xi32, #tpu.memory_space<hbm>>
        tpu.enqueue_dma source(%dma_start3A_104 : memref<64xi32, #tpu.memory_space<hbm>>) target(%arg11 : memref<64xi32, #tpu.memory_space<vmem>>) target_semaphore(%arg21 : memref<!tpu.dma_semaphore, #tpu.memory_space<semaphore_mem>>)
      } else {
      }
      %dma_wait3A_88 = arith.constant 0 : i32
      %dma_wait3A_89 = arith.constant 0 : i32
      %dma_wait3A_90 = tpu.memref_slice %arg2[%dma_wait3A_88, %dma_wait3A_89] : memref<8000x128xf32, #tpu.memory_space<hbm>> -> memref<8000x128xf32, #tpu.memory_space<hbm>>
      tpu.wait_indirect_dma semaphore(%arg24 : memref<!tpu.dma_semaphore, #tpu.memory_space<semaphore_mem>>) src(%dma_wait3A_90 : memref<8000x128xf32, #tpu.memory_space<hbm>>) dst(%arg15 : memref<64x128xf32, #tpu.memory_space<vmem>>)
      %dma_start3A_91 = arith.constant 0 : i32
      %dma_start3A_92 = arith.constant 0 : i32
      %dma_start3A_93 = tpu.memref_slice %arg19[%dma_start3A_91, %dma_start3A_92] : memref<2048x128xf32, #tpu.memory_space<vmem_shared>> -> memref<2048x128xf32, #tpu.memory_space<vmem_shared>>
      tpu.enqueue_indirect_dma source(%arg15 : memref<64x128xf32, #tpu.memory_space<vmem>>) target(%dma_start3A_93 : memref<2048x128xf32, #tpu.memory_space<vmem_shared>>) offsets(%arg14 : memref<64xi32, #tpu.memory_space<vmem>>) semaphore(%arg26 : memref<!tpu.dma_semaphore, #tpu.memory_space<semaphore_mem>>) {add = true}
      %dma_start3A_94 = arith.constant 0 : i32
      %dma_start3A_95 = tpu.memref_slice %arg20[%dma_start3A_94] : memref<2048xf32, #tpu.memory_space<vmem_shared>> -> memref<2048xf32, #tpu.memory_space<vmem_shared>>
      tpu.enqueue_indirect_dma source(%arg17 : memref<64xf32, #tpu.memory_space<vmem>>) target(%dma_start3A_95 : memref<2048xf32, #tpu.memory_space<vmem_shared>>) offsets(%arg14 : memref<64xi32, #tpu.memory_space<vmem>>) semaphore(%arg28 : memref<!tpu.dma_semaphore, #tpu.memory_space<semaphore_mem>>) {add = true}
    }
    %scan3A_18 = arith.constant 8 : i32
    %dma_wait3A = arith.constant 0 : i32
    %dma_wait3A_19 = arith.constant 0 : i32
    %dma_wait3A_20 = tpu.memref_slice %arg19[%dma_wait3A, %dma_wait3A_19] : memref<2048x128xf32, #tpu.memory_space<vmem_shared>> -> memref<2048x128xf32, #tpu.memory_space<vmem_shared>>
    tpu.wait_indirect_dma semaphore(%arg26 : memref<!tpu.dma_semaphore, #tpu.memory_space<semaphore_mem>>) src(%arg15 : memref<64x128xf32, #tpu.memory_space<vmem>>) dst(%dma_wait3A_20 : memref<2048x128xf32, #tpu.memory_space<vmem_shared>>)
    %dma_wait3A_21 = arith.constant 0 : i32
    %dma_wait3A_22 = tpu.memref_slice %arg20[%dma_wait3A_21] : memref<2048xf32, #tpu.memory_space<vmem_shared>> -> memref<2048xf32, #tpu.memory_space<vmem_shared>>
    tpu.wait_indirect_dma semaphore(%arg28 : memref<!tpu.dma_semaphore, #tpu.memory_space<semaphore_mem>>) src(%arg17 : memref<64xf32, #tpu.memory_space<vmem>>) dst(%dma_wait3A_22 : memref<2048xf32, #tpu.memory_space<vmem_shared>>)
    %barrier3A_23 = arith.constant 0 : index
    tpu.barrier barrier_id(%barrier3A_23)
    %mul3A_24 = arith.constant 128 : i32
    %mul3A_25 = arith.muli %arg1, %mul3A_24 : i32
    %mul3A_26 = arith.constant 2048 : i32
    %mul3A_27 = arith.muli %arg0, %mul3A_26 : i32
    "tpu.region"() ({
      %run_scoped3A = tpu.sem_alloc : memref<!tpu.dma_semaphore, #tpu.memory_space<semaphore_mem>>
      %dma_start3A_29 = arith.constant 0 : i32
      %dma_start3A_30 = tpu.memref_slice %arg8[%arg0, %mul3A_25, %dma_start3A_29] : memref<2x2048x128xf32, #tpu.memory_space<hbm>> -> memref<1x128x128xf32, #tpu.memory_space<hbm>>
      %dma_start3A_31 = tpu.memref_squeeze %dma_start3A_30 : memref<1x128x128xf32, #tpu.memory_space<hbm>> -> memref<128x128xf32, #tpu.memory_space<hbm>>
      %dma_start3A_32 = arith.constant 0 : i32
      %dma_start3A_33 = tpu.memref_slice %arg19[%mul3A_25, %dma_start3A_32] : memref<2048x128xf32, #tpu.memory_space<vmem_shared>> -> memref<128x128xf32, #tpu.memory_space<vmem_shared>>
      tpu.enqueue_dma source(%dma_start3A_33 : memref<128x128xf32, #tpu.memory_space<vmem_shared>>) target(%dma_start3A_31 : memref<128x128xf32, #tpu.memory_space<hbm>>) target_semaphore(%run_scoped3A : memref<!tpu.dma_semaphore, #tpu.memory_space<semaphore_mem>>)
      %dma_wait3A_34 = arith.constant 0 : i32
      %dma_wait3A_35 = tpu.memref_slice %arg8[%arg0, %mul3A_25, %dma_wait3A_34] : memref<2x2048x128xf32, #tpu.memory_space<hbm>> -> memref<1x128x128xf32, #tpu.memory_space<hbm>>
      %dma_wait3A_36 = tpu.memref_squeeze %dma_wait3A_35 : memref<1x128x128xf32, #tpu.memory_space<hbm>> -> memref<128x128xf32, #tpu.memory_space<hbm>>
      %dma_wait3A_37 = arith.constant 0 : i32
      %dma_wait3A_38 = tpu.memref_slice %arg19[%mul3A_25, %dma_wait3A_37] : memref<2048x128xf32, #tpu.memory_space<vmem_shared>> -> memref<128x128xf32, #tpu.memory_space<vmem_shared>>
      tpu.wait_dma2 semaphore(%run_scoped3A : memref<!tpu.dma_semaphore, #tpu.memory_space<semaphore_mem>>) src(%dma_wait3A_38 : memref<128x128xf32, #tpu.memory_space<vmem_shared>>) dst(%dma_wait3A_36 : memref<128x128xf32, #tpu.memory_space<hbm>>)
      tpu.yield
    }) : () -> ()
    "tpu.region"() ({
      %run_scoped3A = tpu.sem_alloc : memref<!tpu.dma_semaphore, #tpu.memory_space<semaphore_mem>>
      %dma_start3A_29 = arith.constant 0 : i32
      %dma_start3A_30 = tpu.memref_slice %arg18[%dma_start3A_29] : memref<128xf32, #tpu.memory_space<vmem>> -> memref<128xf32, #tpu.memory_space<vmem>>
      %dma_start3A_31 = tpu.memref_slice %arg20[%mul3A_25] : memref<2048xf32, #tpu.memory_space<vmem_shared>> -> memref<128xf32, #tpu.memory_space<vmem_shared>>
      %dma_start3A_32 = arith.constant 0 : i32
      %dma_start3A_33 = tpu.memref_slice %arg18[%dma_start3A_32] : memref<128xf32, #tpu.memory_space<vmem>> -> memref<128xf32, #tpu.memory_space<vmem>>
      %dma_start3A_34 = tpu.memref_slice %arg20[%mul3A_25] : memref<2048xf32, #tpu.memory_space<vmem_shared>> -> memref<128xf32, #tpu.memory_space<vmem_shared>>
      tpu.enqueue_dma source(%dma_start3A_34 : memref<128xf32, #tpu.memory_space<vmem_shared>>) target(%dma_start3A_33 : memref<128xf32, #tpu.memory_space<vmem>>) target_semaphore(%run_scoped3A : memref<!tpu.dma_semaphore, #tpu.memory_space<semaphore_mem>>)
      %dma_wait3A_35 = arith.constant 0 : i32
      %dma_wait3A_36 = tpu.memref_slice %arg18[%dma_wait3A_35] : memref<128xf32, #tpu.memory_space<vmem>> -> memref<128xf32, #tpu.memory_space<vmem>>
      %dma_wait3A_37 = tpu.memref_slice %arg20[%mul3A_25] : memref<2048xf32, #tpu.memory_space<vmem_shared>> -> memref<128xf32, #tpu.memory_space<vmem_shared>>
      %dma_wait3A_38 = arith.constant 0 : i32
      %dma_wait3A_39 = tpu.memref_slice %arg18[%dma_wait3A_38] : memref<128xf32, #tpu.memory_space<vmem>> -> memref<128xf32, #tpu.memory_space<vmem>>
      %dma_wait3A_40 = tpu.memref_slice %arg20[%mul3A_25] : memref<2048xf32, #tpu.memory_space<vmem_shared>> -> memref<128xf32, #tpu.memory_space<vmem_shared>>
      tpu.wait_dma2 semaphore(%run_scoped3A : memref<!tpu.dma_semaphore, #tpu.memory_space<semaphore_mem>>) src(%dma_wait3A_40 : memref<128xf32, #tpu.memory_space<vmem_shared>>) dst(%dma_wait3A_39 : memref<128xf32, #tpu.memory_space<vmem>>)
      tpu.yield
    }) : () -> ()
    %add3A_28 = arith.addi %mul3A_27, %mul3A_25 : i32
    "tpu.region"() ({
      %run_scoped3A = tpu.sem_alloc : memref<!tpu.dma_semaphore, #tpu.memory_space<semaphore_mem>>
      %dma_start3A_29 = arith.constant 0 : i32
      %dma_start3A_30 = tpu.memref_slice %arg18[%dma_start3A_29] : memref<128xf32, #tpu.memory_space<vmem>> -> memref<128xf32, #tpu.memory_space<vmem>>
      %dma_start3A_31 = tpu.memref_slice %arg9[%add3A_28] : memref<4096xf32, #tpu.memory_space<hbm>> -> memref<128xf32, #tpu.memory_space<hbm>>
      %dma_start3A_32 = tpu.memref_slice %arg9[%add3A_28] : memref<4096xf32, #tpu.memory_space<hbm>> -> memref<128xf32, #tpu.memory_space<hbm>>
      %dma_start3A_33 = arith.constant 0 : i32
      %dma_start3A_34 = tpu.memref_slice %arg18[%dma_start3A_33] : memref<128xf32, #tpu.memory_space<vmem>> -> memref<128xf32, #tpu.memory_space<vmem>>
      tpu.enqueue_dma source(%dma_start3A_34 : memref<128xf32, #tpu.memory_space<vmem>>) target(%dma_start3A_32 : memref<128xf32, #tpu.memory_space<hbm>>) target_semaphore(%run_scoped3A : memref<!tpu.dma_semaphore, #tpu.memory_space<semaphore_mem>>)
      %dma_wait3A_35 = arith.constant 0 : i32
      %dma_wait3A_36 = tpu.memref_slice %arg18[%dma_wait3A_35] : memref<128xf32, #tpu.memory_space<vmem>> -> memref<128xf32, #tpu.memory_space<vmem>>
      %dma_wait3A_37 = tpu.memref_slice %arg9[%add3A_28] : memref<4096xf32, #tpu.memory_space<hbm>> -> memref<128xf32, #tpu.memory_space<hbm>>
      %dma_wait3A_38 = tpu.memref_slice %arg9[%add3A_28] : memref<4096xf32, #tpu.memory_space<hbm>> -> memref<128xf32, #tpu.memory_space<hbm>>
      %dma_wait3A_39 = arith.constant 0 : i32
      %dma_wait3A_40 = tpu.memref_slice %arg18[%dma_wait3A_39] : memref<128xf32, #tpu.memory_space<vmem>> -> memref<128xf32, #tpu.memory_space<vmem>>
      tpu.wait_dma2 semaphore(%run_scoped3A : memref<!tpu.dma_semaphore, #tpu.memory_space<semaphore_mem>>) src(%dma_wait3A_40 : memref<128xf32, #tpu.memory_space<vmem>>) dst(%dma_wait3A_38 : memref<128xf32, #tpu.memory_space<hbm>>)
      tpu.yield
    }) : () -> ()
    return
  }
}

#map = affine_map<(d0, d1) -> (0, 0)>
#map1 = affine_map<(d0, d1) -> (0)>
module attributes {stable_mosaic.version = 14 : i64} {
  func.func @k(%arg0: i32, %arg1: i32, %arg2: memref<50000x128xf32, #tpu.memory_space<hbm>>, %arg3: memref<320000xi32, #tpu.memory_space<hbm>>, %arg4: memref<320000xi32, #tpu.memory_space<hbm>>, %arg5: memref<64x128xf32, #tpu.memory_space<hbm>>, %arg6: memref<640xf32, #tpu.memory_space<hbm>>, %arg7: memref<80xf32, #tpu.memory_space<hbm>>, %arg8: memref<20000x128xf32, #tpu.memory_space<hbm>>, %arg9: memref<20000xf32, #tpu.memory_space<hbm>>, %arg10: memref<80xi32, #tpu.memory_space<vmem>>, %arg11: memref<80xi32, #tpu.memory_space<vmem>>, %arg12: memref<80x128xf32, #tpu.memory_space<vmem>>, %arg13: memref<80xi32, #tpu.memory_space<vmem>>, %arg14: memref<80xi32, #tpu.memory_space<vmem>>, %arg15: memref<80x128xf32, #tpu.memory_space<vmem>>, %arg16: memref<64x128xf32, #tpu.memory_space<vmem>>, %arg17: memref<80xf32, #tpu.memory_space<vmem>>, %arg18: memref<640xf32, #tpu.memory_space<vmem>>, %arg19: memref<10240x128xf32, #tpu.memory_space<vmem_shared>>, %arg20: memref<10240xf32, #tpu.memory_space<vmem_shared>>, %arg21: memref<!tpu.dma_semaphore, #tpu.memory_space<semaphore_mem>>, %arg22: memref<!tpu.dma_semaphore, #tpu.memory_space<semaphore_mem>>, %arg23: memref<!tpu.dma_semaphore, #tpu.memory_space<semaphore_mem>>, %arg24: memref<!tpu.dma_semaphore, #tpu.memory_space<semaphore_mem>>, %arg25: memref<!tpu.dma_semaphore, #tpu.memory_space<semaphore_mem>>, %arg26: memref<!tpu.dma_semaphore, #tpu.memory_space<semaphore_mem>>, %arg27: memref<!tpu.dma_semaphore, #tpu.memory_space<semaphore_mem>>, %arg28: memref<!tpu.dma_semaphore, #tpu.memory_space<semaphore_mem>>) attributes {dimension_semantics = [#tpu.dimension_semantics<core_parallel>, #tpu.dimension_semantics<subcore_parallel>], iteration_bounds = array<i64: 2, 16>, scalar_prefetch = 0 : i64, scratch_operands = 19 : i64, tpu.core_type = #tpu.core_type<sc_vector_subcore>, window_params = [{transform_indices = #map}, {transform_indices = #map1}, {transform_indices = #map1}, {transform_indices = #map}, {transform_indices = #map1}, {transform_indices = #map1}, {transform_indices = #map}, {transform_indices = #map1}]} {
    %mul3A = arith.constant 10000 : i32
    %mul3A_0 = arith.muli %arg0, %mul3A : i32
    "tpu.region"() ({
      %run_scoped3A = tpu.sem_alloc : memref<!tpu.dma_semaphore, #tpu.memory_space<semaphore_mem>>
      tpu.enqueue_dma source(%arg5 : memref<64x128xf32, #tpu.memory_space<hbm>>) target(%arg16 : memref<64x128xf32, #tpu.memory_space<vmem>>) target_semaphore(%run_scoped3A : memref<!tpu.dma_semaphore, #tpu.memory_space<semaphore_mem>>)
      tpu.wait_dma2 semaphore(%run_scoped3A : memref<!tpu.dma_semaphore, #tpu.memory_space<semaphore_mem>>) src(%arg5 : memref<64x128xf32, #tpu.memory_space<hbm>>) dst(%arg16 : memref<64x128xf32, #tpu.memory_space<vmem>>)
      tpu.yield
    }) : () -> ()
    "tpu.region"() ({
      %run_scoped3A = tpu.sem_alloc : memref<!tpu.dma_semaphore, #tpu.memory_space<semaphore_mem>>
      tpu.enqueue_dma source(%arg7 : memref<80xf32, #tpu.memory_space<hbm>>) target(%arg17 : memref<80xf32, #tpu.memory_space<vmem>>) target_semaphore(%run_scoped3A : memref<!tpu.dma_semaphore, #tpu.memory_space<semaphore_mem>>)
      tpu.wait_dma2 semaphore(%run_scoped3A : memref<!tpu.dma_semaphore, #tpu.memory_space<semaphore_mem>>) src(%arg7 : memref<80xf32, #tpu.memory_space<hbm>>) dst(%arg17 : memref<80xf32, #tpu.memory_space<vmem>>)
      tpu.yield
    }) : () -> ()
    %mul3A_1 = arith.constant 640 : i32
    %mul3A_2 = arith.muli %arg1, %mul3A_1 : i32
    "tpu.region"() ({
      %run_scoped3A = tpu.sem_alloc : memref<!tpu.dma_semaphore, #tpu.memory_space<semaphore_mem>>
      tpu.enqueue_dma source(%arg6 : memref<640xf32, #tpu.memory_space<hbm>>) target(%arg18 : memref<640xf32, #tpu.memory_space<vmem>>) target_semaphore(%run_scoped3A : memref<!tpu.dma_semaphore, #tpu.memory_space<semaphore_mem>>)
      tpu.wait_dma2 semaphore(%run_scoped3A : memref<!tpu.dma_semaphore, #tpu.memory_space<semaphore_mem>>) src(%arg6 : memref<640xf32, #tpu.memory_space<hbm>>) dst(%arg18 : memref<640xf32, #tpu.memory_space<vmem>>)
      tpu.yield
    }) : () -> ()
    "tpu.region"() ({
      %run_scoped3A = tpu.sem_alloc : memref<!tpu.dma_semaphore, #tpu.memory_space<semaphore_mem>>
      %dma_start3A_29 = tpu.memref_slice %arg20[%mul3A_2] : memref<10240xf32, #tpu.memory_space<vmem_shared>> -> memref<640xf32, #tpu.memory_space<vmem_shared>>
      %dma_start3A_30 = tpu.memref_slice %arg20[%mul3A_2] : memref<10240xf32, #tpu.memory_space<vmem_shared>> -> memref<640xf32, #tpu.memory_space<vmem_shared>>
      tpu.enqueue_dma source(%arg18 : memref<640xf32, #tpu.memory_space<vmem>>) target(%dma_start3A_30 : memref<640xf32, #tpu.memory_space<vmem_shared>>) target_semaphore(%run_scoped3A : memref<!tpu.dma_semaphore, #tpu.memory_space<semaphore_mem>>)
      %dma_wait3A_31 = tpu.memref_slice %arg20[%mul3A_2] : memref<10240xf32, #tpu.memory_space<vmem_shared>> -> memref<640xf32, #tpu.memory_space<vmem_shared>>
      %dma_wait3A_32 = tpu.memref_slice %arg20[%mul3A_2] : memref<10240xf32, #tpu.memory_space<vmem_shared>> -> memref<640xf32, #tpu.memory_space<vmem_shared>>
      tpu.wait_dma2 semaphore(%run_scoped3A : memref<!tpu.dma_semaphore, #tpu.memory_space<semaphore_mem>>) src(%arg18 : memref<640xf32, #tpu.memory_space<vmem>>) dst(%dma_wait3A_32 : memref<640xf32, #tpu.memory_space<vmem_shared>>)
      tpu.yield
    }) : () -> ()
    %scan3A = arith.constant 0 : i32
    %scan3A_3 = arith.constant 10 : i32
    %scan3A_4 = arith.addi %scan3A, %scan3A_3 : i32
    %scan3A_5 = arith.constant 1 : i32
    scf.for %scan3A_29 = %scan3A to %scan3A_4 step %scan3A_5  : i32 {
      %mul3A_30 = arith.constant 64 : i32
      %mul3A_31 = arith.muli %scan3A_29, %mul3A_30 : i32
      %add3A_32 = arith.constant 0 : i32
      %add3A_33 = arith.addi %add3A_32, %mul3A_31 : i32
      %add3A_34 = arith.addi %mul3A_2, %add3A_33 : i32
      "tpu.region"() ({
        %run_scoped3A = tpu.sem_alloc : memref<!tpu.dma_semaphore, #tpu.memory_space<semaphore_mem>>
        %dma_start3A_35 = arith.constant 0 : i32
        %dma_start3A_36 = tpu.memref_slice %arg19[%add3A_34, %dma_start3A_35] : memref<10240x128xf32, #tpu.memory_space<vmem_shared>> -> memref<64x128xf32, #tpu.memory_space<vmem_shared>>
        %dma_start3A_37 = arith.constant 0 : i32
        %dma_start3A_38 = tpu.memref_slice %arg19[%add3A_34, %dma_start3A_37] : memref<10240x128xf32, #tpu.memory_space<vmem_shared>> -> memref<64x128xf32, #tpu.memory_space<vmem_shared>>
        tpu.enqueue_dma source(%arg16 : memref<64x128xf32, #tpu.memory_space<vmem>>) target(%dma_start3A_38 : memref<64x128xf32, #tpu.memory_space<vmem_shared>>) target_semaphore(%run_scoped3A : memref<!tpu.dma_semaphore, #tpu.memory_space<semaphore_mem>>)
        %dma_wait3A_39 = arith.constant 0 : i32
        %dma_wait3A_40 = tpu.memref_slice %arg19[%add3A_34, %dma_wait3A_39] : memref<10240x128xf32, #tpu.memory_space<vmem_shared>> -> memref<64x128xf32, #tpu.memory_space<vmem_shared>>
        %dma_wait3A_41 = arith.constant 0 : i32
        %dma_wait3A_42 = tpu.memref_slice %arg19[%add3A_34, %dma_wait3A_41] : memref<10240x128xf32, #tpu.memory_space<vmem_shared>> -> memref<64x128xf32, #tpu.memory_space<vmem_shared>>
        tpu.wait_dma2 semaphore(%run_scoped3A : memref<!tpu.dma_semaphore, #tpu.memory_space<semaphore_mem>>) src(%arg16 : memref<64x128xf32, #tpu.memory_space<vmem>>) dst(%dma_wait3A_42 : memref<64x128xf32, #tpu.memory_space<vmem_shared>>)
        tpu.yield
      }) : () -> ()
    }
    %scan3A_6 = arith.constant 10 : i32
    %barrier3A = arith.constant 0 : index
    tpu.barrier barrier_id(%barrier3A)
    %mul3A_7 = arith.constant 20000 : i32
    %mul3A_8 = arith.muli %arg1, %mul3A_7 : i32
    %add3A = arith.constant 0 : i32
    %add3A_9 = arith.addi %mul3A_8, %add3A : i32
    %dma_start3A = tpu.memref_slice %arg3[%add3A_9] : memref<320000xi32, #tpu.memory_space<hbm>> -> memref<80xi32, #tpu.memory_space<hbm>>
    %dma_start3A_10 = tpu.memref_slice %arg3[%add3A_9] : memref<320000xi32, #tpu.memory_space<hbm>> -> memref<80xi32, #tpu.memory_space<hbm>>
    tpu.enqueue_dma source(%dma_start3A_10 : memref<80xi32, #tpu.memory_space<hbm>>) target(%arg10 : memref<80xi32, #tpu.memory_space<vmem>>) target_semaphore(%arg21 : memref<!tpu.dma_semaphore, #tpu.memory_space<semaphore_mem>>)
    %dma_start3A_11 = tpu.memref_slice %arg4[%add3A_9] : memref<320000xi32, #tpu.memory_space<hbm>> -> memref<80xi32, #tpu.memory_space<hbm>>
    %dma_start3A_12 = tpu.memref_slice %arg4[%add3A_9] : memref<320000xi32, #tpu.memory_space<hbm>> -> memref<80xi32, #tpu.memory_space<hbm>>
    tpu.enqueue_dma source(%dma_start3A_12 : memref<80xi32, #tpu.memory_space<hbm>>) target(%arg11 : memref<80xi32, #tpu.memory_space<vmem>>) target_semaphore(%arg21 : memref<!tpu.dma_semaphore, #tpu.memory_space<semaphore_mem>>)
    %scan3A_13 = arith.constant 0 : i32
    %scan3A_14 = arith.constant 125 : i32
    %scan3A_15 = arith.addi %scan3A_13, %scan3A_14 : i32
    %scan3A_16 = arith.constant 1 : i32
    scf.for %scan3A_29 = %scan3A_13 to %scan3A_15 step %scan3A_16  : i32 {
      %mul3A_30 = arith.constant 2 : i32
      %mul3A_31 = arith.muli %scan3A_29, %mul3A_30 : i32
      %add3A_32 = arith.constant 0 : i32
      %add3A_33 = arith.addi %add3A_32, %mul3A_31 : i32
      %add3A_34 = arith.constant 0 : i32
      %add3A_35 = arith.addi %add3A_33, %add3A_34 : i32
      %dma_wait3A_36 = arith.constant 0 : i32
      %dma_wait3A_37 = tpu.memref_slice %arg3[%dma_wait3A_36] : memref<320000xi32, #tpu.memory_space<hbm>> -> memref<80xi32, #tpu.memory_space<hbm>>
      %dma_wait3A_38 = arith.constant 0 : i32
      %dma_wait3A_39 = tpu.memref_slice %arg3[%dma_wait3A_38] : memref<320000xi32, #tpu.memory_space<hbm>> -> memref<80xi32, #tpu.memory_space<hbm>>
      tpu.wait_dma2 semaphore(%arg21 : memref<!tpu.dma_semaphore, #tpu.memory_space<semaphore_mem>>) src(%dma_wait3A_39 : memref<80xi32, #tpu.memory_space<hbm>>) dst(%arg10 : memref<80xi32, #tpu.memory_space<vmem>>)
      %dma_wait3A_40 = arith.constant 0 : i32
      %dma_wait3A_41 = tpu.memref_slice %arg4[%dma_wait3A_40] : memref<320000xi32, #tpu.memory_space<hbm>> -> memref<80xi32, #tpu.memory_space<hbm>>
      %dma_wait3A_42 = arith.constant 0 : i32
      %dma_wait3A_43 = tpu.memref_slice %arg4[%dma_wait3A_42] : memref<320000xi32, #tpu.memory_space<hbm>> -> memref<80xi32, #tpu.memory_space<hbm>>
      tpu.wait_dma2 semaphore(%arg21 : memref<!tpu.dma_semaphore, #tpu.memory_space<semaphore_mem>>) src(%dma_wait3A_43 : memref<80xi32, #tpu.memory_space<hbm>>) dst(%arg11 : memref<80xi32, #tpu.memory_space<vmem>>)
      %dma_start3A_44 = arith.constant 0 : i32
      %dma_start3A_45 = arith.constant 0 : i32
      %dma_start3A_46 = tpu.memref_slice %arg2[%dma_start3A_44, %dma_start3A_45] : memref<50000x128xf32, #tpu.memory_space<hbm>> -> memref<50000x128xf32, #tpu.memory_space<hbm>>
      tpu.enqueue_indirect_dma source(%dma_start3A_46 : memref<50000x128xf32, #tpu.memory_space<hbm>>) target(%arg12 : memref<80x128xf32, #tpu.memory_space<vmem>>) offsets(%arg10 : memref<80xi32, #tpu.memory_space<vmem>>) semaphore(%arg23 : memref<!tpu.dma_semaphore, #tpu.memory_space<semaphore_mem>>)
      %add3A_47 = arith.addi %arg1, %add3A_35 : i32
      %jit3A = arith.constant 8 : i32
      %eq3A_48 = arith.constant 0 : i32
      %eq3A_49 = arith.cmpi eq, %jit3A, %eq3A_48 : i32
      %jit3A_50 = arith.constant 1 : i32
      %select_n3A = arith.select %eq3A_49, %jit3A_50, %jit3A : i32
      %rem3A = arith.remsi %add3A_47, %select_n3A : i32
      %ne3A = arith.constant 0 : i32
      %ne3A_51 = arith.cmpi ne, %rem3A, %ne3A : i32
      %lt3A = arith.constant 0 : i32
      %lt3A_52 = arith.cmpi slt, %rem3A, %lt3A : i32
      %lt3A_53 = arith.constant 0 : i32
      %lt3A_54 = arith.cmpi slt, %select_n3A, %lt3A_53 : i32
      %ne3A_55 = arith.xori %lt3A_52, %lt3A_54 : i1
      %and3A = arith.andi %ne3A_55, %ne3A_51 : i1
      %add3A_56 = arith.addi %rem3A, %select_n3A : i32
      %select_n3A_57 = arith.select %and3A, %add3A_56, %rem3A : i32
      %mul3A_58 = arith.constant 16 : i32
      %mul3A_59 = arith.muli %select_n3A_57, %mul3A_58 : i32
      %add3A_60 = arith.constant 10000 : i32
      %add3A_61 = arith.addi %add3A_60, %mul3A_59 : i32
      %scan3A_62 = arith.constant 0 : i32
      %scan3A_63 = arith.constant 5 : i32
      %scan3A_64 = arith.addi %scan3A_62, %scan3A_63 : i32
      %scan3A_65 = arith.constant 1 : i32
      scf.for %scan3A_145 = %scan3A_62 to %scan3A_64 step %scan3A_65  : i32 {
        %mul3A_146 = arith.constant 16 : i32
        %mul3A_147 = arith.muli %scan3A_145, %mul3A_146 : i32
        %add3A_148 = arith.constant 0 : i32
        %add3A_149 = arith.addi %add3A_148, %mul3A_147 : i32
        %get3A = arith.index_cast %add3A_149 : i32 to index
        %get3A_150 = tpu.vector_load %arg11[%get3A] {strides = array<i32>} : memref<80xi32, #tpu.memory_space<vmem>>, vector<16xi32>,
        %get3A_151 = vector.shape_cast %get3A_150 : vector<16xi32> to vector<16xi32>
        %sub3A = vector.broadcast %mul3A_0 : i32 to vector<16xi32>
        %sub3A_152 = arith.subi %get3A_151, %sub3A : vector<16xi32>
        %lt3A_153 = arith.constant 0 : i32
        %lt3A_154 = vector.broadcast %lt3A_153 : i32 to vector<16xi32>
        %lt3A_155 = arith.cmpi slt, %sub3A_152, %lt3A_154 : vector<16xi32>
        %ge3A = arith.constant 10000 : i32
        %ge3A_156 = vector.broadcast %ge3A : i32 to vector<16xi32>
        %ge3A_157 = arith.cmpi sge, %sub3A_152, %ge3A_156 : vector<16xi32>
        %or3A = arith.ori %lt3A_155, %ge3A_157 : vector<16xi1>
        %iota3A = tpu.iota {dimensions = array<i32: 0>} : vector<16xi32>
        %add3A_158 = vector.broadcast %add3A_61 : i32 to vector<16xi32>
        %add3A_159 = arith.addi %add3A_158, %iota3A : vector<16xi32>
        %select_n3A_160 = arith.select %or3A, %add3A_159, %sub3A_152 : vector<16xi1>, vector<16xi32>
        %swap3A = arith.index_cast %add3A_149 : i32 to index
        %swap3A_161 = tpu.vector_load %arg11[%swap3A] {strides = array<i32>} : memref<80xi32, #tpu.memory_space<vmem>>, vector<16xi32>,
        %swap3A_162 = vector.shape_cast %swap3A_161 : vector<16xi32> to vector<16xi32>
        %swap3A_163 = vector.shape_cast %select_n3A_160 : vector<16xi32> to vector<16xi32>
        tpu.vector_store %arg11[%swap3A], %swap3A_163 {strides = array<i32>} : memref<80xi32, #tpu.memory_space<vmem>>, vector<16xi32>,
      }
      %scan3A_66 = arith.constant 5 : i32
      %gt3A = arith.constant 0 : i32
      %gt3A_67 = arith.cmpi sgt, %add3A_35, %gt3A : i32
      %convert_element_type3A_68 = arith.extui %gt3A_67 : i1 to i32
      %cond3A_69 = arith.constant 0 : i32
      %cond3A_70 = arith.cmpi ne, %convert_element_type3A_68, %cond3A_69 : i32
      scf.if %cond3A_70 {
        %dma_wait3A_145 = arith.constant 0 : i32
        %dma_wait3A_146 = arith.constant 0 : i32
        %dma_wait3A_147 = tpu.memref_slice %arg19[%dma_wait3A_145, %dma_wait3A_146] : memref<10240x128xf32, #tpu.memory_space<vmem_shared>> -> memref<10240x128xf32, #tpu.memory_space<vmem_shared>>
        tpu.wait_indirect_dma semaphore(%arg26 : memref<!tpu.dma_semaphore, #tpu.memory_space<semaphore_mem>>) src(%arg15 : memref<80x128xf32, #tpu.memory_space<vmem>>) dst(%dma_wait3A_147 : memref<10240x128xf32, #tpu.memory_space<vmem_shared>>)
        %dma_wait3A_148 = arith.constant 0 : i32
        %dma_wait3A_149 = tpu.memref_slice %arg20[%dma_wait3A_148] : memref<10240xf32, #tpu.memory_space<vmem_shared>> -> memref<10240xf32, #tpu.memory_space<vmem_shared>>
        tpu.wait_indirect_dma semaphore(%arg28 : memref<!tpu.dma_semaphore, #tpu.memory_space<semaphore_mem>>) src(%arg17 : memref<80xf32, #tpu.memory_space<vmem>>) dst(%dma_wait3A_149 : memref<10240xf32, #tpu.memory_space<vmem_shared>>)
      } else {
      }
      %add3A_71 = arith.constant 1 : i32
      %add3A_72 = arith.addi %add3A_35, %add3A_71 : i32
      %lt3A_73 = arith.constant 250 : i32
      %lt3A_74 = arith.cmpi slt, %add3A_72, %lt3A_73 : i32
      %convert_element_type3A_75 = arith.extui %lt3A_74 : i1 to i32
      %cond3A_76 = arith.constant 0 : i32
      %cond3A_77 = arith.cmpi ne, %convert_element_type3A_75, %cond3A_76 : i32
      scf.if %cond3A_77 {
        %add3A_145 = arith.constant 1 : i32
        %add3A_146 = arith.addi %add3A_35, %add3A_145 : i32
        %mul3A_147 = arith.constant 80 : i32
        %mul3A_148 = arith.muli %add3A_146, %mul3A_147 : i32
        %add3A_149 = arith.addi %mul3A_8, %mul3A_148 : i32
        %dma_start3A_150 = tpu.memref_slice %arg3[%add3A_149] : memref<320000xi32, #tpu.memory_space<hbm>> -> memref<80xi32, #tpu.memory_space<hbm>>
        %dma_start3A_151 = tpu.memref_slice %arg3[%add3A_149] : memref<320000xi32, #tpu.memory_space<hbm>> -> memref<80xi32, #tpu.memory_space<hbm>>
        tpu.enqueue_dma source(%dma_start3A_151 : memref<80xi32, #tpu.memory_space<hbm>>) target(%arg13 : memref<80xi32, #tpu.memory_space<vmem>>) target_semaphore(%arg22 : memref<!tpu.dma_semaphore, #tpu.memory_space<semaphore_mem>>)
        %dma_start3A_152 = tpu.memref_slice %arg4[%add3A_149] : memref<320000xi32, #tpu.memory_space<hbm>> -> memref<80xi32, #tpu.memory_space<hbm>>
        %dma_start3A_153 = tpu.memref_slice %arg4[%add3A_149] : memref<320000xi32, #tpu.memory_space<hbm>> -> memref<80xi32, #tpu.memory_space<hbm>>
        tpu.enqueue_dma source(%dma_start3A_153 : memref<80xi32, #tpu.memory_space<hbm>>) target(%arg14 : memref<80xi32, #tpu.memory_space<vmem>>) target_semaphore(%arg22 : memref<!tpu.dma_semaphore, #tpu.memory_space<semaphore_mem>>)
      } else {
      }
      %dma_wait3A_78 = arith.constant 0 : i32
      %dma_wait3A_79 = arith.constant 0 : i32
      %dma_wait3A_80 = tpu.memref_slice %arg2[%dma_wait3A_78, %dma_wait3A_79] : memref<50000x128xf32, #tpu.memory_space<hbm>> -> memref<50000x128xf32, #tpu.memory_space<hbm>>
      tpu.wait_indirect_dma semaphore(%arg23 : memref<!tpu.dma_semaphore, #tpu.memory_space<semaphore_mem>>) src(%dma_wait3A_80 : memref<50000x128xf32, #tpu.memory_space<hbm>>) dst(%arg12 : memref<80x128xf32, #tpu.memory_space<vmem>>)
      %dma_start3A_81 = arith.constant 0 : i32
      %dma_start3A_82 = arith.constant 0 : i32
      %dma_start3A_83 = tpu.memref_slice %arg19[%dma_start3A_81, %dma_start3A_82] : memref<10240x128xf32, #tpu.memory_space<vmem_shared>> -> memref<10240x128xf32, #tpu.memory_space<vmem_shared>>
      tpu.enqueue_indirect_dma source(%arg12 : memref<80x128xf32, #tpu.memory_space<vmem>>) target(%dma_start3A_83 : memref<10240x128xf32, #tpu.memory_space<vmem_shared>>) offsets(%arg11 : memref<80xi32, #tpu.memory_space<vmem>>) semaphore(%arg25 : memref<!tpu.dma_semaphore, #tpu.memory_space<semaphore_mem>>) {add = true}
      %dma_start3A_84 = arith.constant 0 : i32
      %dma_start3A_85 = tpu.memref_slice %arg20[%dma_start3A_84] : memref<10240xf32, #tpu.memory_space<vmem_shared>> -> memref<10240xf32, #tpu.memory_space<vmem_shared>>
      tpu.enqueue_indirect_dma source(%arg17 : memref<80xf32, #tpu.memory_space<vmem>>) target(%dma_start3A_85 : memref<10240xf32, #tpu.memory_space<vmem_shared>>) offsets(%arg11 : memref<80xi32, #tpu.memory_space<vmem>>) semaphore(%arg27 : memref<!tpu.dma_semaphore, #tpu.memory_space<semaphore_mem>>) {add = true}
      %add3A_86 = arith.constant 1 : i32
      %add3A_87 = arith.addi %add3A_33, %add3A_86 : i32
      %dma_wait3A_88 = arith.constant 0 : i32
      %dma_wait3A_89 = tpu.memref_slice %arg3[%dma_wait3A_88] : memref<320000xi32, #tpu.memory_space<hbm>> -> memref<80xi32, #tpu.memory_space<hbm>>
      %dma_wait3A_90 = arith.constant 0 : i32
      %dma_wait3A_91 = tpu.memref_slice %arg3[%dma_wait3A_90] : memref<320000xi32, #tpu.memory_space<hbm>> -> memref<80xi32, #tpu.memory_space<hbm>>
      tpu.wait_dma2 semaphore(%arg22 : memref<!tpu.dma_semaphore, #tpu.memory_space<semaphore_mem>>) src(%dma_wait3A_91 : memref<80xi32, #tpu.memory_space<hbm>>) dst(%arg13 : memref<80xi32, #tpu.memory_space<vmem>>)
      %dma_wait3A_92 = arith.constant 0 : i32
      %dma_wait3A_93 = tpu.memref_slice %arg4[%dma_wait3A_92] : memref<320000xi32, #tpu.memory_space<hbm>> -> memref<80xi32, #tpu.memory_space<hbm>>
      %dma_wait3A_94 = arith.constant 0 : i32
      %dma_wait3A_95 = tpu.memref_slice %arg4[%dma_wait3A_94] : memref<320000xi32, #tpu.memory_space<hbm>> -> memref<80xi32, #tpu.memory_space<hbm>>
      tpu.wait_dma2 semaphore(%arg22 : memref<!tpu.dma_semaphore, #tpu.memory_space<semaphore_mem>>) src(%dma_wait3A_95 : memref<80xi32, #tpu.memory_space<hbm>>) dst(%arg14 : memref<80xi32, #tpu.memory_space<vmem>>)
      %dma_start3A_96 = arith.constant 0 : i32
      %dma_start3A_97 = arith.constant 0 : i32
      %dma_start3A_98 = tpu.memref_slice %arg2[%dma_start3A_96, %dma_start3A_97] : memref<50000x128xf32, #tpu.memory_space<hbm>> -> memref<50000x128xf32, #tpu.memory_space<hbm>>
      tpu.enqueue_indirect_dma source(%dma_start3A_98 : memref<50000x128xf32, #tpu.memory_space<hbm>>) target(%arg15 : memref<80x128xf32, #tpu.memory_space<vmem>>) offsets(%arg13 : memref<80xi32, #tpu.memory_space<vmem>>) semaphore(%arg24 : memref<!tpu.dma_semaphore, #tpu.memory_space<semaphore_mem>>)
      %add3A_99 = arith.addi %arg1, %add3A_87 : i32
      %jit3A_100 = arith.constant 8 : i32
      %eq3A_101 = arith.constant 0 : i32
      %eq3A_102 = arith.cmpi eq, %jit3A_100, %eq3A_101 : i32
      %jit3A_103 = arith.constant 1 : i32
      %select_n3A_104 = arith.select %eq3A_102, %jit3A_103, %jit3A_100 : i32
      %rem3A_105 = arith.remsi %add3A_99, %select_n3A_104 : i32
      %ne3A_106 = arith.constant 0 : i32
      %ne3A_107 = arith.cmpi ne, %rem3A_105, %ne3A_106 : i32
      %lt3A_108 = arith.constant 0 : i32
      %lt3A_109 = arith.cmpi slt, %rem3A_105, %lt3A_108 : i32
      %lt3A_110 = arith.constant 0 : i32
      %lt3A_111 = arith.cmpi slt, %select_n3A_104, %lt3A_110 : i32
      %ne3A_112 = arith.xori %lt3A_109, %lt3A_111 : i1
      %and3A_113 = arith.andi %ne3A_112, %ne3A_107 : i1
      %add3A_114 = arith.addi %rem3A_105, %select_n3A_104 : i32
      %select_n3A_115 = arith.select %and3A_113, %add3A_114, %rem3A_105 : i32
      %mul3A_116 = arith.constant 16 : i32
      %mul3A_117 = arith.muli %select_n3A_115, %mul3A_116 : i32
      %add3A_118 = arith.constant 10000 : i32
      %add3A_119 = arith.addi %add3A_118, %mul3A_117 : i32
      %scan3A_120 = arith.constant 0 : i32
      %scan3A_121 = arith.constant 5 : i32
      %scan3A_122 = arith.addi %scan3A_120, %scan3A_121 : i32
      %scan3A_123 = arith.constant 1 : i32
      scf.for %scan3A_145 = %scan3A_120 to %scan3A_122 step %scan3A_123  : i32 {
        %mul3A_146 = arith.constant 16 : i32
        %mul3A_147 = arith.muli %scan3A_145, %mul3A_146 : i32
        %add3A_148 = arith.constant 0 : i32
        %add3A_149 = arith.addi %add3A_148, %mul3A_147 : i32
        %get3A = arith.index_cast %add3A_149 : i32 to index
        %get3A_150 = tpu.vector_load %arg14[%get3A] {strides = array<i32>} : memref<80xi32, #tpu.memory_space<vmem>>, vector<16xi32>,
        %get3A_151 = vector.shape_cast %get3A_150 : vector<16xi32> to vector<16xi32>
        %sub3A = vector.broadcast %mul3A_0 : i32 to vector<16xi32>
        %sub3A_152 = arith.subi %get3A_151, %sub3A : vector<16xi32>
        %lt3A_153 = arith.constant 0 : i32
        %lt3A_154 = vector.broadcast %lt3A_153 : i32 to vector<16xi32>
        %lt3A_155 = arith.cmpi slt, %sub3A_152, %lt3A_154 : vector<16xi32>
        %ge3A = arith.constant 10000 : i32
        %ge3A_156 = vector.broadcast %ge3A : i32 to vector<16xi32>
        %ge3A_157 = arith.cmpi sge, %sub3A_152, %ge3A_156 : vector<16xi32>
        %or3A = arith.ori %lt3A_155, %ge3A_157 : vector<16xi1>
        %iota3A = tpu.iota {dimensions = array<i32: 0>} : vector<16xi32>
        %add3A_158 = vector.broadcast %add3A_119 : i32 to vector<16xi32>
        %add3A_159 = arith.addi %add3A_158, %iota3A : vector<16xi32>
        %select_n3A_160 = arith.select %or3A, %add3A_159, %sub3A_152 : vector<16xi1>, vector<16xi32>
        %swap3A = arith.index_cast %add3A_149 : i32 to index
        %swap3A_161 = tpu.vector_load %arg14[%swap3A] {strides = array<i32>} : memref<80xi32, #tpu.memory_space<vmem>>, vector<16xi32>,
        %swap3A_162 = vector.shape_cast %swap3A_161 : vector<16xi32> to vector<16xi32>
        %swap3A_163 = vector.shape_cast %select_n3A_160 : vector<16xi32> to vector<16xi32>
        tpu.vector_store %arg14[%swap3A], %swap3A_163 {strides = array<i32>} : memref<80xi32, #tpu.memory_space<vmem>>, vector<16xi32>,
      }
      %scan3A_124 = arith.constant 5 : i32
      %gt3A_125 = arith.constant 0 : i32
      %gt3A_126 = arith.cmpi sgt, %add3A_87, %gt3A_125 : i32
      %convert_element_type3A_127 = arith.extui %gt3A_126 : i1 to i32
      %cond3A_128 = arith.constant 0 : i32
      %cond3A_129 = arith.cmpi ne, %convert_element_type3A_127, %cond3A_128 : i32
      scf.if %cond3A_129 {
        %dma_wait3A_145 = arith.constant 0 : i32
        %dma_wait3A_146 = arith.constant 0 : i32
        %dma_wait3A_147 = tpu.memref_slice %arg19[%dma_wait3A_145, %dma_wait3A_146] : memref<10240x128xf32, #tpu.memory_space<vmem_shared>> -> memref<10240x128xf32, #tpu.memory_space<vmem_shared>>
        tpu.wait_indirect_dma semaphore(%arg25 : memref<!tpu.dma_semaphore, #tpu.memory_space<semaphore_mem>>) src(%arg12 : memref<80x128xf32, #tpu.memory_space<vmem>>) dst(%dma_wait3A_147 : memref<10240x128xf32, #tpu.memory_space<vmem_shared>>)
        %dma_wait3A_148 = arith.constant 0 : i32
        %dma_wait3A_149 = tpu.memref_slice %arg20[%dma_wait3A_148] : memref<10240xf32, #tpu.memory_space<vmem_shared>> -> memref<10240xf32, #tpu.memory_space<vmem_shared>>
        tpu.wait_indirect_dma semaphore(%arg27 : memref<!tpu.dma_semaphore, #tpu.memory_space<semaphore_mem>>) src(%arg17 : memref<80xf32, #tpu.memory_space<vmem>>) dst(%dma_wait3A_149 : memref<10240xf32, #tpu.memory_space<vmem_shared>>)
      } else {
      }
      %add3A_130 = arith.constant 1 : i32
      %add3A_131 = arith.addi %add3A_87, %add3A_130 : i32
      %lt3A_132 = arith.constant 250 : i32
      %lt3A_133 = arith.cmpi slt, %add3A_131, %lt3A_132 : i32
      %convert_element_type3A_134 = arith.extui %lt3A_133 : i1 to i32
      %cond3A_135 = arith.constant 0 : i32
      %cond3A_136 = arith.cmpi ne, %convert_element_type3A_134, %cond3A_135 : i32
      scf.if %cond3A_136 {
        %add3A_145 = arith.constant 1 : i32
        %add3A_146 = arith.addi %add3A_87, %add3A_145 : i32
        %mul3A_147 = arith.constant 80 : i32
        %mul3A_148 = arith.muli %add3A_146, %mul3A_147 : i32
        %add3A_149 = arith.addi %mul3A_8, %mul3A_148 : i32
        %dma_start3A_150 = tpu.memref_slice %arg3[%add3A_149] : memref<320000xi32, #tpu.memory_space<hbm>> -> memref<80xi32, #tpu.memory_space<hbm>>
        %dma_start3A_151 = tpu.memref_slice %arg3[%add3A_149] : memref<320000xi32, #tpu.memory_space<hbm>> -> memref<80xi32, #tpu.memory_space<hbm>>
        tpu.enqueue_dma source(%dma_start3A_151 : memref<80xi32, #tpu.memory_space<hbm>>) target(%arg10 : memref<80xi32, #tpu.memory_space<vmem>>) target_semaphore(%arg21 : memref<!tpu.dma_semaphore, #tpu.memory_space<semaphore_mem>>)
        %dma_start3A_152 = tpu.memref_slice %arg4[%add3A_149] : memref<320000xi32, #tpu.memory_space<hbm>> -> memref<80xi32, #tpu.memory_space<hbm>>
        %dma_start3A_153 = tpu.memref_slice %arg4[%add3A_149] : memref<320000xi32, #tpu.memory_space<hbm>> -> memref<80xi32, #tpu.memory_space<hbm>>
        tpu.enqueue_dma source(%dma_start3A_153 : memref<80xi32, #tpu.memory_space<hbm>>) target(%arg11 : memref<80xi32, #tpu.memory_space<vmem>>) target_semaphore(%arg21 : memref<!tpu.dma_semaphore, #tpu.memory_space<semaphore_mem>>)
      } else {
      }
      %dma_wait3A_137 = arith.constant 0 : i32
      %dma_wait3A_138 = arith.constant 0 : i32
      %dma_wait3A_139 = tpu.memref_slice %arg2[%dma_wait3A_137, %dma_wait3A_138] : memref<50000x128xf32, #tpu.memory_space<hbm>> -> memref<50000x128xf32, #tpu.memory_space<hbm>>
      tpu.wait_indirect_dma semaphore(%arg24 : memref<!tpu.dma_semaphore, #tpu.memory_space<semaphore_mem>>) src(%dma_wait3A_139 : memref<50000x128xf32, #tpu.memory_space<hbm>>) dst(%arg15 : memref<80x128xf32, #tpu.memory_space<vmem>>)
      %dma_start3A_140 = arith.constant 0 : i32
      %dma_start3A_141 = arith.constant 0 : i32
      %dma_start3A_142 = tpu.memref_slice %arg19[%dma_start3A_140, %dma_start3A_141] : memref<10240x128xf32, #tpu.memory_space<vmem_shared>> -> memref<10240x128xf32, #tpu.memory_space<vmem_shared>>
      tpu.enqueue_indirect_dma source(%arg15 : memref<80x128xf32, #tpu.memory_space<vmem>>) target(%dma_start3A_142 : memref<10240x128xf32, #tpu.memory_space<vmem_shared>>) offsets(%arg14 : memref<80xi32, #tpu.memory_space<vmem>>) semaphore(%arg26 : memref<!tpu.dma_semaphore, #tpu.memory_space<semaphore_mem>>) {add = true}
      %dma_start3A_143 = arith.constant 0 : i32
      %dma_start3A_144 = tpu.memref_slice %arg20[%dma_start3A_143] : memref<10240xf32, #tpu.memory_space<vmem_shared>> -> memref<10240xf32, #tpu.memory_space<vmem_shared>>
      tpu.enqueue_indirect_dma source(%arg17 : memref<80xf32, #tpu.memory_space<vmem>>) target(%dma_start3A_144 : memref<10240xf32, #tpu.memory_space<vmem_shared>>) offsets(%arg14 : memref<80xi32, #tpu.memory_space<vmem>>) semaphore(%arg28 : memref<!tpu.dma_semaphore, #tpu.memory_space<semaphore_mem>>) {add = true}
    }
    %scan3A_17 = arith.constant 125 : i32
    %dma_wait3A = arith.constant 0 : i32
    %dma_wait3A_18 = arith.constant 0 : i32
    %dma_wait3A_19 = tpu.memref_slice %arg19[%dma_wait3A, %dma_wait3A_18] : memref<10240x128xf32, #tpu.memory_space<vmem_shared>> -> memref<10240x128xf32, #tpu.memory_space<vmem_shared>>
    tpu.wait_indirect_dma semaphore(%arg26 : memref<!tpu.dma_semaphore, #tpu.memory_space<semaphore_mem>>) src(%arg15 : memref<80x128xf32, #tpu.memory_space<vmem>>) dst(%dma_wait3A_19 : memref<10240x128xf32, #tpu.memory_space<vmem_shared>>)
    %dma_wait3A_20 = arith.constant 0 : i32
    %dma_wait3A_21 = tpu.memref_slice %arg20[%dma_wait3A_20] : memref<10240xf32, #tpu.memory_space<vmem_shared>> -> memref<10240xf32, #tpu.memory_space<vmem_shared>>
    tpu.wait_indirect_dma semaphore(%arg28 : memref<!tpu.dma_semaphore, #tpu.memory_space<semaphore_mem>>) src(%arg17 : memref<80xf32, #tpu.memory_space<vmem>>) dst(%dma_wait3A_21 : memref<10240xf32, #tpu.memory_space<vmem_shared>>)
    %barrier3A_22 = arith.constant 0 : index
    tpu.barrier barrier_id(%barrier3A_22)
    %mul3A_23 = arith.constant 624 : i32
    %mul3A_24 = arith.muli %arg1, %mul3A_23 : i32
    %add3A_25 = arith.addi %mul3A_0, %mul3A_24 : i32
    "tpu.region"() ({
      %run_scoped3A = tpu.sem_alloc : memref<!tpu.dma_semaphore, #tpu.memory_space<semaphore_mem>>
      %dma_start3A_29 = arith.constant 0 : i32
      %dma_start3A_30 = tpu.memref_slice %arg8[%add3A_25, %dma_start3A_29] : memref<20000x128xf32, #tpu.memory_space<hbm>> -> memref<624x128xf32, #tpu.memory_space<hbm>>
      %dma_start3A_31 = arith.constant 0 : i32
      %dma_start3A_32 = tpu.memref_slice %arg19[%mul3A_24, %dma_start3A_31] : memref<10240x128xf32, #tpu.memory_space<vmem_shared>> -> memref<624x128xf32, #tpu.memory_space<vmem_shared>>
      tpu.enqueue_dma source(%dma_start3A_32 : memref<624x128xf32, #tpu.memory_space<vmem_shared>>) target(%dma_start3A_30 : memref<624x128xf32, #tpu.memory_space<hbm>>) target_semaphore(%run_scoped3A : memref<!tpu.dma_semaphore, #tpu.memory_space<semaphore_mem>>)
      %dma_wait3A_33 = arith.constant 0 : i32
      %dma_wait3A_34 = tpu.memref_slice %arg8[%add3A_25, %dma_wait3A_33] : memref<20000x128xf32, #tpu.memory_space<hbm>> -> memref<624x128xf32, #tpu.memory_space<hbm>>
      %dma_wait3A_35 = arith.constant 0 : i32
      %dma_wait3A_36 = tpu.memref_slice %arg19[%mul3A_24, %dma_wait3A_35] : memref<10240x128xf32, #tpu.memory_space<vmem_shared>> -> memref<624x128xf32, #tpu.memory_space<vmem_shared>>
      tpu.wait_dma2 semaphore(%run_scoped3A : memref<!tpu.dma_semaphore, #tpu.memory_space<semaphore_mem>>) src(%dma_wait3A_36 : memref<624x128xf32, #tpu.memory_space<vmem_shared>>) dst(%dma_wait3A_34 : memref<624x128xf32, #tpu.memory_space<hbm>>)
      tpu.yield
    }) : () -> ()
    "tpu.region"() ({
      %run_scoped3A = tpu.sem_alloc : memref<!tpu.dma_semaphore, #tpu.memory_space<semaphore_mem>>
      %dma_start3A_29 = arith.constant 0 : i32
      %dma_start3A_30 = tpu.memref_slice %arg18[%dma_start3A_29] : memref<640xf32, #tpu.memory_space<vmem>> -> memref<624xf32, #tpu.memory_space<vmem>>
      %dma_start3A_31 = tpu.memref_slice %arg20[%mul3A_24] : memref<10240xf32, #tpu.memory_space<vmem_shared>> -> memref<624xf32, #tpu.memory_space<vmem_shared>>
      %dma_start3A_32 = arith.constant 0 : i32
      %dma_start3A_33 = tpu.memref_slice %arg18[%dma_start3A_32] : memref<640xf32, #tpu.memory_space<vmem>> -> memref<624xf32, #tpu.memory_space<vmem>>
      %dma_start3A_34 = tpu.memref_slice %arg20[%mul3A_24] : memref<10240xf32, #tpu.memory_space<vmem_shared>> -> memref<624xf32, #tpu.memory_space<vmem_shared>>
      tpu.enqueue_dma source(%dma_start3A_34 : memref<624xf32, #tpu.memory_space<vmem_shared>>) target(%dma_start3A_33 : memref<624xf32, #tpu.memory_space<vmem>>) target_semaphore(%run_scoped3A : memref<!tpu.dma_semaphore, #tpu.memory_space<semaphore_mem>>)
      %dma_wait3A_35 = arith.constant 0 : i32
      %dma_wait3A_36 = tpu.memref_slice %arg18[%dma_wait3A_35] : memref<640xf32, #tpu.memory_space<vmem>> -> memref<624xf32, #tpu.memory_space<vmem>>
      %dma_wait3A_37 = tpu.memref_slice %arg20[%mul3A_24] : memref<10240xf32, #tpu.memory_space<vmem_shared>> -> memref<624xf32, #tpu.memory_space<vmem_shared>>
      %dma_wait3A_38 = arith.constant 0 : i32
      %dma_wait3A_39 = tpu.memref_slice %arg18[%dma_wait3A_38] : memref<640xf32, #tpu.memory_space<vmem>> -> memref<624xf32, #tpu.memory_space<vmem>>
      %dma_wait3A_40 = tpu.memref_slice %arg20[%mul3A_24] : memref<10240xf32, #tpu.memory_space<vmem_shared>> -> memref<624xf32, #tpu.memory_space<vmem_shared>>
      tpu.wait_dma2 semaphore(%run_scoped3A : memref<!tpu.dma_semaphore, #tpu.memory_space<semaphore_mem>>) src(%dma_wait3A_40 : memref<624xf32, #tpu.memory_space<vmem_shared>>) dst(%dma_wait3A_39 : memref<624xf32, #tpu.memory_space<vmem>>)
      tpu.yield
    }) : () -> ()
    %add3A_26 = arith.addi %mul3A_0, %mul3A_24 : i32
    "tpu.region"() ({
      %run_scoped3A = tpu.sem_alloc : memref<!tpu.dma_semaphore, #tpu.memory_space<semaphore_mem>>
      %dma_start3A_29 = arith.constant 0 : i32
      %dma_start3A_30 = tpu.memref_slice %arg18[%dma_start3A_29] : memref<640xf32, #tpu.memory_space<vmem>> -> memref<624xf32, #tpu.memory_space<vmem>>
      %dma_start3A_31 = tpu.memref_slice %arg9[%add3A_26] : memref<20000xf32, #tpu.memory_space<hbm>> -> memref<624xf32, #tpu.memory_space<hbm>>
      %dma_start3A_32 = tpu.memref_slice %arg9[%add3A_26] : memref<20000xf32, #tpu.memory_space<hbm>> -> memref<624xf32, #tpu.memory_space<hbm>>
      %dma_start3A_33 = arith.constant 0 : i32
      %dma_start3A_34 = tpu.memref_slice %arg18[%dma_start3A_33] : memref<640xf32, #tpu.memory_space<vmem>> -> memref<624xf32, #tpu.memory_space<vmem>>
      tpu.enqueue_dma source(%dma_start3A_34 : memref<624xf32, #tpu.memory_space<vmem>>) target(%dma_start3A_32 : memref<624xf32, #tpu.memory_space<hbm>>) target_semaphore(%run_scoped3A : memref<!tpu.dma_semaphore, #tpu.memory_space<semaphore_mem>>)
      %dma_wait3A_35 = arith.constant 0 : i32
      %dma_wait3A_36 = tpu.memref_slice %arg18[%dma_wait3A_35] : memref<640xf32, #tpu.memory_space<vmem>> -> memref<624xf32, #tpu.memory_space<vmem>>
      %dma_wait3A_37 = tpu.memref_slice %arg9[%add3A_26] : memref<20000xf32, #tpu.memory_space<hbm>> -> memref<624xf32, #tpu.memory_space<hbm>>
      %dma_wait3A_38 = tpu.memref_slice %arg9[%add3A_26] : memref<20000xf32, #tpu.memory_space<hbm>> -> memref<624xf32, #tpu.memory_space<hbm>>
      %dma_wait3A_39 = arith.constant 0 : i32
      %dma_wait3A_40 = tpu.memref_slice %arg18[%dma_wait3A_39] : memref<640xf32, #tpu.memory_space<vmem>> -> memref<624xf32, #tpu.memory_space<vmem>>
      tpu.wait_dma2 semaphore(%run_scoped3A : memref<!tpu.dma_semaphore, #tpu.memory_space<semaphore_mem>>) src(%dma_wait3A_40 : memref<624xf32, #tpu.memory_space<vmem>>) dst(%dma_wait3A_38 : memref<624xf32, #tpu.memory_space<hbm>>)
      tpu.yield
    }) : () -> ()
    %eq3A = arith.constant 0 : i32
    %eq3A_27 = arith.cmpi eq, %arg1, %eq3A : i32
    %convert_element_type3A = arith.extui %eq3A_27 : i1 to i32
    %cond3A = arith.constant 0 : i32
    %cond3A_28 = arith.cmpi ne, %convert_element_type3A, %cond3A : i32
    scf.if %cond3A_28 {
      %add3A_29 = arith.constant 9984 : i32
      %add3A_30 = arith.addi %mul3A_0, %add3A_29 : i32
      "tpu.region"() ({
        %run_scoped3A = tpu.sem_alloc : memref<!tpu.dma_semaphore, #tpu.memory_space<semaphore_mem>>
        %dma_start3A_33 = arith.constant 0 : i32
        %dma_start3A_34 = tpu.memref_slice %arg8[%add3A_30, %dma_start3A_33] : memref<20000x128xf32, #tpu.memory_space<hbm>> -> memref<16x128xf32, #tpu.memory_space<hbm>>
        %dma_start3A_35 = arith.constant 9984 : i32
        %dma_start3A_36 = arith.constant 0 : i32
        %dma_start3A_37 = tpu.memref_slice %arg19[%dma_start3A_35, %dma_start3A_36] : memref<10240x128xf32, #tpu.memory_space<vmem_shared>> -> memref<16x128xf32, #tpu.memory_space<vmem_shared>>
        tpu.enqueue_dma source(%dma_start3A_37 : memref<16x128xf32, #tpu.memory_space<vmem_shared>>) target(%dma_start3A_34 : memref<16x128xf32, #tpu.memory_space<hbm>>) target_semaphore(%run_scoped3A : memref<!tpu.dma_semaphore, #tpu.memory_space<semaphore_mem>>)
        %dma_wait3A_38 = arith.constant 0 : i32
        %dma_wait3A_39 = tpu.memref_slice %arg8[%add3A_30, %dma_wait3A_38] : memref<20000x128xf32, #tpu.memory_space<hbm>> -> memref<16x128xf32, #tpu.memory_space<hbm>>
        %dma_wait3A_40 = arith.constant 9984 : i32
        %dma_wait3A_41 = arith.constant 0 : i32
        %dma_wait3A_42 = tpu.memref_slice %arg19[%dma_wait3A_40, %dma_wait3A_41] : memref<10240x128xf32, #tpu.memory_space<vmem_shared>> -> memref<16x128xf32, #tpu.memory_space<vmem_shared>>
        tpu.wait_dma2 semaphore(%run_scoped3A : memref<!tpu.dma_semaphore, #tpu.memory_space<semaphore_mem>>) src(%dma_wait3A_42 : memref<16x128xf32, #tpu.memory_space<vmem_shared>>) dst(%dma_wait3A_39 : memref<16x128xf32, #tpu.memory_space<hbm>>)
        tpu.yield
      }) : () -> ()
      "tpu.region"() ({
        %run_scoped3A = tpu.sem_alloc : memref<!tpu.dma_semaphore, #tpu.memory_space<semaphore_mem>>
        %dma_start3A_33 = arith.constant 0 : i32
        %dma_start3A_34 = tpu.memref_slice %arg18[%dma_start3A_33] : memref<640xf32, #tpu.memory_space<vmem>> -> memref<16xf32, #tpu.memory_space<vmem>>
        %dma_start3A_35 = arith.constant 9984 : i32
        %dma_start3A_36 = tpu.memref_slice %arg20[%dma_start3A_35] : memref<10240xf32, #tpu.memory_space<vmem_shared>> -> memref<16xf32, #tpu.memory_space<vmem_shared>>
        %dma_start3A_37 = arith.constant 0 : i32
        %dma_start3A_38 = tpu.memref_slice %arg18[%dma_start3A_37] : memref<640xf32, #tpu.memory_space<vmem>> -> memref<16xf32, #tpu.memory_space<vmem>>
        %dma_start3A_39 = arith.constant 9984 : i32
        %dma_start3A_40 = tpu.memref_slice %arg20[%dma_start3A_39] : memref<10240xf32, #tpu.memory_space<vmem_shared>> -> memref<16xf32, #tpu.memory_space<vmem_shared>>
        tpu.enqueue_dma source(%dma_start3A_40 : memref<16xf32, #tpu.memory_space<vmem_shared>>) target(%dma_start3A_38 : memref<16xf32, #tpu.memory_space<vmem>>) target_semaphore(%run_scoped3A : memref<!tpu.dma_semaphore, #tpu.memory_space<semaphore_mem>>)
        %dma_wait3A_41 = arith.constant 0 : i32
        %dma_wait3A_42 = tpu.memref_slice %arg18[%dma_wait3A_41] : memref<640xf32, #tpu.memory_space<vmem>> -> memref<16xf32, #tpu.memory_space<vmem>>
        %dma_wait3A_43 = arith.constant 9984 : i32
        %dma_wait3A_44 = tpu.memref_slice %arg20[%dma_wait3A_43] : memref<10240xf32, #tpu.memory_space<vmem_shared>> -> memref<16xf32, #tpu.memory_space<vmem_shared>>
        %dma_wait3A_45 = arith.constant 0 : i32
        %dma_wait3A_46 = tpu.memref_slice %arg18[%dma_wait3A_45] : memref<640xf32, #tpu.memory_space<vmem>> -> memref<16xf32, #tpu.memory_space<vmem>>
        %dma_wait3A_47 = arith.constant 9984 : i32
        %dma_wait3A_48 = tpu.memref_slice %arg20[%dma_wait3A_47] : memref<10240xf32, #tpu.memory_space<vmem_shared>> -> memref<16xf32, #tpu.memory_space<vmem_shared>>
        tpu.wait_dma2 semaphore(%run_scoped3A : memref<!tpu.dma_semaphore, #tpu.memory_space<semaphore_mem>>) src(%dma_wait3A_48 : memref<16xf32, #tpu.memory_space<vmem_shared>>) dst(%dma_wait3A_46 : memref<16xf32, #tpu.memory_space<vmem>>)
        tpu.yield
      }) : () -> ()
      %add3A_31 = arith.constant 9984 : i32
      %add3A_32 = arith.addi %mul3A_0, %add3A_31 : i32
      "tpu.region"() ({
        %run_scoped3A = tpu.sem_alloc : memref<!tpu.dma_semaphore, #tpu.memory_space<semaphore_mem>>
        %dma_start3A_33 = arith.constant 0 : i32
        %dma_start3A_34 = tpu.memref_slice %arg18[%dma_start3A_33] : memref<640xf32, #tpu.memory_space<vmem>> -> memref<16xf32, #tpu.memory_space<vmem>>
        %dma_start3A_35 = tpu.memref_slice %arg9[%add3A_32] : memref<20000xf32, #tpu.memory_space<hbm>> -> memref<16xf32, #tpu.memory_space<hbm>>
        %dma_start3A_36 = tpu.memref_slice %arg9[%add3A_32] : memref<20000xf32, #tpu.memory_space<hbm>> -> memref<16xf32, #tpu.memory_space<hbm>>
        %dma_start3A_37 = arith.constant 0 : i32
        %dma_start3A_38 = tpu.memref_slice %arg18[%dma_start3A_37] : memref<640xf32, #tpu.memory_space<vmem>> -> memref<16xf32, #tpu.memory_space<vmem>>
        tpu.enqueue_dma source(%dma_start3A_38 : memref<16xf32, #tpu.memory_space<vmem>>) target(%dma_start3A_36 : memref<16xf32, #tpu.memory_space<hbm>>) target_semaphore(%run_scoped3A : memref<!tpu.dma_semaphore, #tpu.memory_space<semaphore_mem>>)
        %dma_wait3A_39 = arith.constant 0 : i32
        %dma_wait3A_40 = tpu.memref_slice %arg18[%dma_wait3A_39] : memref<640xf32, #tpu.memory_space<vmem>> -> memref<16xf32, #tpu.memory_space<vmem>>
        %dma_wait3A_41 = tpu.memref_slice %arg9[%add3A_32] : memref<20000xf32, #tpu.memory_space<hbm>> -> memref<16xf32, #tpu.memory_space<hbm>>
        %dma_wait3A_42 = tpu.memref_slice %arg9[%add3A_32] : memref<20000xf32, #tpu.memory_space<hbm>> -> memref<16xf32, #tpu.memory_space<hbm>>
        %dma_wait3A_43 = arith.constant 0 : i32
        %dma_wait3A_44 = tpu.memref_slice %arg18[%dma_wait3A_43] : memref<640xf32, #tpu.memory_space<vmem>> -> memref<16xf32, #tpu.memory_space<vmem>>
        tpu.wait_dma2 semaphore(%run_scoped3A : memref<!tpu.dma_semaphore, #tpu.memory_space<semaphore_mem>>) src(%dma_wait3A_44 : memref<16xf32, #tpu.memory_space<vmem>>) dst(%dma_wait3A_42 : memref<16xf32, #tpu.memory_space<hbm>>)
        tpu.yield
      }) : () -> ()
    } else {
    }
    return
  }
}

#map = affine_map<(d0, d1) -> (0, 0)>
#map1 = affine_map<(d0, d1) -> (0)>
#map2 = affine_map<(d0, d1) -> (0, 0, 0)>
module attributes {stable_mosaic.version = 14 : i64} {
  func.func @k(%arg0: i32, %arg1: i32, %arg2: memref<20000x128xf32, #tpu.memory_space<hbm>>, %arg3: memref<128000xi32, #tpu.memory_space<hbm>>, %arg4: memref<128000xi32, #tpu.memory_space<hbm>>, %arg5: memref<64x128xf32, #tpu.memory_space<hbm>>, %arg6: memref<512xf32, #tpu.memory_space<hbm>>, %arg7: memref<80xf32, #tpu.memory_space<hbm>>, %arg8: memref<2x8000x128xf32, #tpu.memory_space<hbm>>, %arg9: memref<16000xf32, #tpu.memory_space<hbm>>, %arg10: memref<80xi32, #tpu.memory_space<vmem>>, %arg11: memref<80xi32, #tpu.memory_space<vmem>>, %arg12: memref<80x128xf32, #tpu.memory_space<vmem>>, %arg13: memref<80xi32, #tpu.memory_space<vmem>>, %arg14: memref<80xi32, #tpu.memory_space<vmem>>, %arg15: memref<80x128xf32, #tpu.memory_space<vmem>>, %arg16: memref<64x128xf32, #tpu.memory_space<vmem>>, %arg17: memref<80xf32, #tpu.memory_space<vmem>>, %arg18: memref<512xf32, #tpu.memory_space<vmem>>, %arg19: memref<8192x128xf32, #tpu.memory_space<vmem_shared>>, %arg20: memref<8192xf32, #tpu.memory_space<vmem_shared>>, %arg21: memref<!tpu.dma_semaphore, #tpu.memory_space<semaphore_mem>>, %arg22: memref<!tpu.dma_semaphore, #tpu.memory_space<semaphore_mem>>, %arg23: memref<!tpu.dma_semaphore, #tpu.memory_space<semaphore_mem>>, %arg24: memref<!tpu.dma_semaphore, #tpu.memory_space<semaphore_mem>>, %arg25: memref<!tpu.dma_semaphore, #tpu.memory_space<semaphore_mem>>, %arg26: memref<!tpu.dma_semaphore, #tpu.memory_space<semaphore_mem>>, %arg27: memref<!tpu.dma_semaphore, #tpu.memory_space<semaphore_mem>>, %arg28: memref<!tpu.dma_semaphore, #tpu.memory_space<semaphore_mem>>) attributes {dimension_semantics = [#tpu.dimension_semantics<core_parallel>, #tpu.dimension_semantics<subcore_parallel>], iteration_bounds = array<i64: 2, 16>, scalar_prefetch = 0 : i64, scratch_operands = 19 : i64, tpu.core_type = #tpu.core_type<sc_vector_subcore>, window_params = [{transform_indices = #map}, {transform_indices = #map1}, {transform_indices = #map1}, {transform_indices = #map}, {transform_indices = #map1}, {transform_indices = #map1}, {transform_indices = #map2}, {transform_indices = #map1}]} {
    "tpu.region"() ({
      %run_scoped3A = tpu.sem_alloc : memref<!tpu.dma_semaphore, #tpu.memory_space<semaphore_mem>>
      tpu.enqueue_dma source(%arg5 : memref<64x128xf32, #tpu.memory_space<hbm>>) target(%arg16 : memref<64x128xf32, #tpu.memory_space<vmem>>) target_semaphore(%run_scoped3A : memref<!tpu.dma_semaphore, #tpu.memory_space<semaphore_mem>>)
      tpu.wait_dma2 semaphore(%run_scoped3A : memref<!tpu.dma_semaphore, #tpu.memory_space<semaphore_mem>>) src(%arg5 : memref<64x128xf32, #tpu.memory_space<hbm>>) dst(%arg16 : memref<64x128xf32, #tpu.memory_space<vmem>>)
      tpu.yield
    }) : () -> ()
    "tpu.region"() ({
      %run_scoped3A = tpu.sem_alloc : memref<!tpu.dma_semaphore, #tpu.memory_space<semaphore_mem>>
      tpu.enqueue_dma source(%arg7 : memref<80xf32, #tpu.memory_space<hbm>>) target(%arg17 : memref<80xf32, #tpu.memory_space<vmem>>) target_semaphore(%run_scoped3A : memref<!tpu.dma_semaphore, #tpu.memory_space<semaphore_mem>>)
      tpu.wait_dma2 semaphore(%run_scoped3A : memref<!tpu.dma_semaphore, #tpu.memory_space<semaphore_mem>>) src(%arg7 : memref<80xf32, #tpu.memory_space<hbm>>) dst(%arg17 : memref<80xf32, #tpu.memory_space<vmem>>)
      tpu.yield
    }) : () -> ()
    %mul3A = arith.constant 512 : i32
    %mul3A_0 = arith.muli %arg1, %mul3A : i32
    "tpu.region"() ({
      %run_scoped3A = tpu.sem_alloc : memref<!tpu.dma_semaphore, #tpu.memory_space<semaphore_mem>>
      tpu.enqueue_dma source(%arg6 : memref<512xf32, #tpu.memory_space<hbm>>) target(%arg18 : memref<512xf32, #tpu.memory_space<vmem>>) target_semaphore(%run_scoped3A : memref<!tpu.dma_semaphore, #tpu.memory_space<semaphore_mem>>)
      tpu.wait_dma2 semaphore(%run_scoped3A : memref<!tpu.dma_semaphore, #tpu.memory_space<semaphore_mem>>) src(%arg6 : memref<512xf32, #tpu.memory_space<hbm>>) dst(%arg18 : memref<512xf32, #tpu.memory_space<vmem>>)
      tpu.yield
    }) : () -> ()
    "tpu.region"() ({
      %run_scoped3A = tpu.sem_alloc : memref<!tpu.dma_semaphore, #tpu.memory_space<semaphore_mem>>
      %dma_start3A_31 = tpu.memref_slice %arg20[%mul3A_0] : memref<8192xf32, #tpu.memory_space<vmem_shared>> -> memref<512xf32, #tpu.memory_space<vmem_shared>>
      %dma_start3A_32 = tpu.memref_slice %arg20[%mul3A_0] : memref<8192xf32, #tpu.memory_space<vmem_shared>> -> memref<512xf32, #tpu.memory_space<vmem_shared>>
      tpu.enqueue_dma source(%arg18 : memref<512xf32, #tpu.memory_space<vmem>>) target(%dma_start3A_32 : memref<512xf32, #tpu.memory_space<vmem_shared>>) target_semaphore(%run_scoped3A : memref<!tpu.dma_semaphore, #tpu.memory_space<semaphore_mem>>)
      %dma_wait3A_33 = tpu.memref_slice %arg20[%mul3A_0] : memref<8192xf32, #tpu.memory_space<vmem_shared>> -> memref<512xf32, #tpu.memory_space<vmem_shared>>
      %dma_wait3A_34 = tpu.memref_slice %arg20[%mul3A_0] : memref<8192xf32, #tpu.memory_space<vmem_shared>> -> memref<512xf32, #tpu.memory_space<vmem_shared>>
      tpu.wait_dma2 semaphore(%run_scoped3A : memref<!tpu.dma_semaphore, #tpu.memory_space<semaphore_mem>>) src(%arg18 : memref<512xf32, #tpu.memory_space<vmem>>) dst(%dma_wait3A_34 : memref<512xf32, #tpu.memory_space<vmem_shared>>)
      tpu.yield
    }) : () -> ()
    %scan3A = arith.constant 0 : i32
    %scan3A_1 = arith.constant 8 : i32
    %scan3A_2 = arith.addi %scan3A, %scan3A_1 : i32
    %scan3A_3 = arith.constant 1 : i32
    scf.for %scan3A_31 = %scan3A to %scan3A_2 step %scan3A_3  : i32 {
      %mul3A_32 = arith.constant 64 : i32
      %mul3A_33 = arith.muli %scan3A_31, %mul3A_32 : i32
      %add3A_34 = arith.constant 0 : i32
      %add3A_35 = arith.addi %add3A_34, %mul3A_33 : i32
      %add3A_36 = arith.addi %mul3A_0, %add3A_35 : i32
      "tpu.region"() ({
        %run_scoped3A = tpu.sem_alloc : memref<!tpu.dma_semaphore, #tpu.memory_space<semaphore_mem>>
        %dma_start3A_37 = arith.constant 0 : i32
        %dma_start3A_38 = tpu.memref_slice %arg19[%add3A_36, %dma_start3A_37] : memref<8192x128xf32, #tpu.memory_space<vmem_shared>> -> memref<64x128xf32, #tpu.memory_space<vmem_shared>>
        %dma_start3A_39 = arith.constant 0 : i32
        %dma_start3A_40 = tpu.memref_slice %arg19[%add3A_36, %dma_start3A_39] : memref<8192x128xf32, #tpu.memory_space<vmem_shared>> -> memref<64x128xf32, #tpu.memory_space<vmem_shared>>
        tpu.enqueue_dma source(%arg16 : memref<64x128xf32, #tpu.memory_space<vmem>>) target(%dma_start3A_40 : memref<64x128xf32, #tpu.memory_space<vmem_shared>>) target_semaphore(%run_scoped3A : memref<!tpu.dma_semaphore, #tpu.memory_space<semaphore_mem>>)
        %dma_wait3A_41 = arith.constant 0 : i32
        %dma_wait3A_42 = tpu.memref_slice %arg19[%add3A_36, %dma_wait3A_41] : memref<8192x128xf32, #tpu.memory_space<vmem_shared>> -> memref<64x128xf32, #tpu.memory_space<vmem_shared>>
        %dma_wait3A_43 = arith.constant 0 : i32
        %dma_wait3A_44 = tpu.memref_slice %arg19[%add3A_36, %dma_wait3A_43] : memref<8192x128xf32, #tpu.memory_space<vmem_shared>> -> memref<64x128xf32, #tpu.memory_space<vmem_shared>>
        tpu.wait_dma2 semaphore(%run_scoped3A : memref<!tpu.dma_semaphore, #tpu.memory_space<semaphore_mem>>) src(%arg16 : memref<64x128xf32, #tpu.memory_space<vmem>>) dst(%dma_wait3A_44 : memref<64x128xf32, #tpu.memory_space<vmem_shared>>)
        tpu.yield
      }) : () -> ()
    }
    %scan3A_4 = arith.constant 8 : i32
    %barrier3A = arith.constant 0 : index
    tpu.barrier barrier_id(%barrier3A)
    %mul3A_5 = arith.constant 16 : i32
    %mul3A_6 = arith.muli %arg0, %mul3A_5 : i32
    %add3A = arith.addi %mul3A_6, %arg1 : i32
    %mul3A_7 = arith.constant 4000 : i32
    %mul3A_8 = arith.muli %add3A, %mul3A_7 : i32
    %add3A_9 = arith.constant 0 : i32
    %add3A_10 = arith.addi %mul3A_8, %add3A_9 : i32
    %dma_start3A = tpu.memref_slice %arg3[%add3A_10] : memref<128000xi32, #tpu.memory_space<hbm>> -> memref<80xi32, #tpu.memory_space<hbm>>
    %dma_start3A_11 = tpu.memref_slice %arg3[%add3A_10] : memref<128000xi32, #tpu.memory_space<hbm>> -> memref<80xi32, #tpu.memory_space<hbm>>
    tpu.enqueue_dma source(%dma_start3A_11 : memref<80xi32, #tpu.memory_space<hbm>>) target(%arg10 : memref<80xi32, #tpu.memory_space<vmem>>) target_semaphore(%arg21 : memref<!tpu.dma_semaphore, #tpu.memory_space<semaphore_mem>>)
    %dma_start3A_12 = tpu.memref_slice %arg4[%add3A_10] : memref<128000xi32, #tpu.memory_space<hbm>> -> memref<80xi32, #tpu.memory_space<hbm>>
    %dma_start3A_13 = tpu.memref_slice %arg4[%add3A_10] : memref<128000xi32, #tpu.memory_space<hbm>> -> memref<80xi32, #tpu.memory_space<hbm>>
    tpu.enqueue_dma source(%dma_start3A_13 : memref<80xi32, #tpu.memory_space<hbm>>) target(%arg11 : memref<80xi32, #tpu.memory_space<vmem>>) target_semaphore(%arg21 : memref<!tpu.dma_semaphore, #tpu.memory_space<semaphore_mem>>)
    %scan3A_14 = arith.constant 0 : i32
    %scan3A_15 = arith.constant 25 : i32
    %scan3A_16 = arith.addi %scan3A_14, %scan3A_15 : i32
    %scan3A_17 = arith.constant 1 : i32
    scf.for %scan3A_31 = %scan3A_14 to %scan3A_16 step %scan3A_17  : i32 {
      %mul3A_32 = arith.constant 2 : i32
      %mul3A_33 = arith.muli %scan3A_31, %mul3A_32 : i32
      %add3A_34 = arith.constant 0 : i32
      %add3A_35 = arith.addi %add3A_34, %mul3A_33 : i32
      %add3A_36 = arith.constant 0 : i32
      %add3A_37 = arith.addi %add3A_35, %add3A_36 : i32
      %dma_wait3A_38 = arith.constant 0 : i32
      %dma_wait3A_39 = tpu.memref_slice %arg3[%dma_wait3A_38] : memref<128000xi32, #tpu.memory_space<hbm>> -> memref<80xi32, #tpu.memory_space<hbm>>
      %dma_wait3A_40 = arith.constant 0 : i32
      %dma_wait3A_41 = tpu.memref_slice %arg3[%dma_wait3A_40] : memref<128000xi32, #tpu.memory_space<hbm>> -> memref<80xi32, #tpu.memory_space<hbm>>
      tpu.wait_dma2 semaphore(%arg21 : memref<!tpu.dma_semaphore, #tpu.memory_space<semaphore_mem>>) src(%dma_wait3A_41 : memref<80xi32, #tpu.memory_space<hbm>>) dst(%arg10 : memref<80xi32, #tpu.memory_space<vmem>>)
      %dma_wait3A_42 = arith.constant 0 : i32
      %dma_wait3A_43 = tpu.memref_slice %arg4[%dma_wait3A_42] : memref<128000xi32, #tpu.memory_space<hbm>> -> memref<80xi32, #tpu.memory_space<hbm>>
      %dma_wait3A_44 = arith.constant 0 : i32
      %dma_wait3A_45 = tpu.memref_slice %arg4[%dma_wait3A_44] : memref<128000xi32, #tpu.memory_space<hbm>> -> memref<80xi32, #tpu.memory_space<hbm>>
      tpu.wait_dma2 semaphore(%arg21 : memref<!tpu.dma_semaphore, #tpu.memory_space<semaphore_mem>>) src(%dma_wait3A_45 : memref<80xi32, #tpu.memory_space<hbm>>) dst(%arg11 : memref<80xi32, #tpu.memory_space<vmem>>)
      %dma_start3A_46 = arith.constant 0 : i32
      %dma_start3A_47 = arith.constant 0 : i32
      %dma_start3A_48 = tpu.memref_slice %arg2[%dma_start3A_46, %dma_start3A_47] : memref<20000x128xf32, #tpu.memory_space<hbm>> -> memref<20000x128xf32, #tpu.memory_space<hbm>>
      tpu.enqueue_indirect_dma source(%dma_start3A_48 : memref<20000x128xf32, #tpu.memory_space<hbm>>) target(%arg12 : memref<80x128xf32, #tpu.memory_space<vmem>>) offsets(%arg10 : memref<80xi32, #tpu.memory_space<vmem>>) semaphore(%arg23 : memref<!tpu.dma_semaphore, #tpu.memory_space<semaphore_mem>>)
      %gt3A = arith.constant 0 : i32
      %gt3A_49 = arith.cmpi sgt, %add3A_37, %gt3A : i32
      %convert_element_type3A_50 = arith.extui %gt3A_49 : i1 to i32
      %cond3A_51 = arith.constant 0 : i32
      %cond3A_52 = arith.cmpi ne, %convert_element_type3A_50, %cond3A_51 : i32
      scf.if %cond3A_52 {
        %dma_wait3A_100 = arith.constant 0 : i32
        %dma_wait3A_101 = arith.constant 0 : i32
        %dma_wait3A_102 = tpu.memref_slice %arg19[%dma_wait3A_100, %dma_wait3A_101] : memref<8192x128xf32, #tpu.memory_space<vmem_shared>> -> memref<8192x128xf32, #tpu.memory_space<vmem_shared>>
        tpu.wait_indirect_dma semaphore(%arg26 : memref<!tpu.dma_semaphore, #tpu.memory_space<semaphore_mem>>) src(%arg15 : memref<80x128xf32, #tpu.memory_space<vmem>>) dst(%dma_wait3A_102 : memref<8192x128xf32, #tpu.memory_space<vmem_shared>>)
        %dma_wait3A_103 = arith.constant 0 : i32
        %dma_wait3A_104 = tpu.memref_slice %arg20[%dma_wait3A_103] : memref<8192xf32, #tpu.memory_space<vmem_shared>> -> memref<8192xf32, #tpu.memory_space<vmem_shared>>
        tpu.wait_indirect_dma semaphore(%arg28 : memref<!tpu.dma_semaphore, #tpu.memory_space<semaphore_mem>>) src(%arg17 : memref<80xf32, #tpu.memory_space<vmem>>) dst(%dma_wait3A_104 : memref<8192xf32, #tpu.memory_space<vmem_shared>>)
      } else {
      }
      %add3A_53 = arith.constant 1 : i32
      %add3A_54 = arith.addi %add3A_37, %add3A_53 : i32
      %lt3A = arith.constant 50 : i32
      %lt3A_55 = arith.cmpi slt, %add3A_54, %lt3A : i32
      %convert_element_type3A_56 = arith.extui %lt3A_55 : i1 to i32
      %cond3A_57 = arith.constant 0 : i32
      %cond3A_58 = arith.cmpi ne, %convert_element_type3A_56, %cond3A_57 : i32
      scf.if %cond3A_58 {
        %add3A_100 = arith.constant 1 : i32
        %add3A_101 = arith.addi %add3A_37, %add3A_100 : i32
        %mul3A_102 = arith.constant 80 : i32
        %mul3A_103 = arith.muli %add3A_101, %mul3A_102 : i32
        %add3A_104 = arith.addi %mul3A_8, %mul3A_103 : i32
        %dma_start3A_105 = tpu.memref_slice %arg3[%add3A_104] : memref<128000xi32, #tpu.memory_space<hbm>> -> memref<80xi32, #tpu.memory_space<hbm>>
        %dma_start3A_106 = tpu.memref_slice %arg3[%add3A_104] : memref<128000xi32, #tpu.memory_space<hbm>> -> memref<80xi32, #tpu.memory_space<hbm>>
        tpu.enqueue_dma source(%dma_start3A_106 : memref<80xi32, #tpu.memory_space<hbm>>) target(%arg13 : memref<80xi32, #tpu.memory_space<vmem>>) target_semaphore(%arg22 : memref<!tpu.dma_semaphore, #tpu.memory_space<semaphore_mem>>)
        %dma_start3A_107 = tpu.memref_slice %arg4[%add3A_104] : memref<128000xi32, #tpu.memory_space<hbm>> -> memref<80xi32, #tpu.memory_space<hbm>>
        %dma_start3A_108 = tpu.memref_slice %arg4[%add3A_104] : memref<128000xi32, #tpu.memory_space<hbm>> -> memref<80xi32, #tpu.memory_space<hbm>>
        tpu.enqueue_dma source(%dma_start3A_108 : memref<80xi32, #tpu.memory_space<hbm>>) target(%arg14 : memref<80xi32, #tpu.memory_space<vmem>>) target_semaphore(%arg22 : memref<!tpu.dma_semaphore, #tpu.memory_space<semaphore_mem>>)
      } else {
      }
      %dma_wait3A_59 = arith.constant 0 : i32
      %dma_wait3A_60 = arith.constant 0 : i32
      %dma_wait3A_61 = tpu.memref_slice %arg2[%dma_wait3A_59, %dma_wait3A_60] : memref<20000x128xf32, #tpu.memory_space<hbm>> -> memref<20000x128xf32, #tpu.memory_space<hbm>>
      tpu.wait_indirect_dma semaphore(%arg23 : memref<!tpu.dma_semaphore, #tpu.memory_space<semaphore_mem>>) src(%dma_wait3A_61 : memref<20000x128xf32, #tpu.memory_space<hbm>>) dst(%arg12 : memref<80x128xf32, #tpu.memory_space<vmem>>)
      %dma_start3A_62 = arith.constant 0 : i32
      %dma_start3A_63 = arith.constant 0 : i32
      %dma_start3A_64 = tpu.memref_slice %arg19[%dma_start3A_62, %dma_start3A_63] : memref<8192x128xf32, #tpu.memory_space<vmem_shared>> -> memref<8192x128xf32, #tpu.memory_space<vmem_shared>>
      tpu.enqueue_indirect_dma source(%arg12 : memref<80x128xf32, #tpu.memory_space<vmem>>) target(%dma_start3A_64 : memref<8192x128xf32, #tpu.memory_space<vmem_shared>>) offsets(%arg11 : memref<80xi32, #tpu.memory_space<vmem>>) semaphore(%arg25 : memref<!tpu.dma_semaphore, #tpu.memory_space<semaphore_mem>>) {add = true}
      %dma_start3A_65 = arith.constant 0 : i32
      %dma_start3A_66 = tpu.memref_slice %arg20[%dma_start3A_65] : memref<8192xf32, #tpu.memory_space<vmem_shared>> -> memref<8192xf32, #tpu.memory_space<vmem_shared>>
      tpu.enqueue_indirect_dma source(%arg17 : memref<80xf32, #tpu.memory_space<vmem>>) target(%dma_start3A_66 : memref<8192xf32, #tpu.memory_space<vmem_shared>>) offsets(%arg11 : memref<80xi32, #tpu.memory_space<vmem>>) semaphore(%arg27 : memref<!tpu.dma_semaphore, #tpu.memory_space<semaphore_mem>>) {add = true}
      %add3A_67 = arith.constant 1 : i32
      %add3A_68 = arith.addi %add3A_35, %add3A_67 : i32
      %dma_wait3A_69 = arith.constant 0 : i32
      %dma_wait3A_70 = tpu.memref_slice %arg3[%dma_wait3A_69] : memref<128000xi32, #tpu.memory_space<hbm>> -> memref<80xi32, #tpu.memory_space<hbm>>
      %dma_wait3A_71 = arith.constant 0 : i32
      %dma_wait3A_72 = tpu.memref_slice %arg3[%dma_wait3A_71] : memref<128000xi32, #tpu.memory_space<hbm>> -> memref<80xi32, #tpu.memory_space<hbm>>
      tpu.wait_dma2 semaphore(%arg22 : memref<!tpu.dma_semaphore, #tpu.memory_space<semaphore_mem>>) src(%dma_wait3A_72 : memref<80xi32, #tpu.memory_space<hbm>>) dst(%arg13 : memref<80xi32, #tpu.memory_space<vmem>>)
      %dma_wait3A_73 = arith.constant 0 : i32
      %dma_wait3A_74 = tpu.memref_slice %arg4[%dma_wait3A_73] : memref<128000xi32, #tpu.memory_space<hbm>> -> memref<80xi32, #tpu.memory_space<hbm>>
      %dma_wait3A_75 = arith.constant 0 : i32
      %dma_wait3A_76 = tpu.memref_slice %arg4[%dma_wait3A_75] : memref<128000xi32, #tpu.memory_space<hbm>> -> memref<80xi32, #tpu.memory_space<hbm>>
      tpu.wait_dma2 semaphore(%arg22 : memref<!tpu.dma_semaphore, #tpu.memory_space<semaphore_mem>>) src(%dma_wait3A_76 : memref<80xi32, #tpu.memory_space<hbm>>) dst(%arg14 : memref<80xi32, #tpu.memory_space<vmem>>)
      %dma_start3A_77 = arith.constant 0 : i32
      %dma_start3A_78 = arith.constant 0 : i32
      %dma_start3A_79 = tpu.memref_slice %arg2[%dma_start3A_77, %dma_start3A_78] : memref<20000x128xf32, #tpu.memory_space<hbm>> -> memref<20000x128xf32, #tpu.memory_space<hbm>>
      tpu.enqueue_indirect_dma source(%dma_start3A_79 : memref<20000x128xf32, #tpu.memory_space<hbm>>) target(%arg15 : memref<80x128xf32, #tpu.memory_space<vmem>>) offsets(%arg13 : memref<80xi32, #tpu.memory_space<vmem>>) semaphore(%arg24 : memref<!tpu.dma_semaphore, #tpu.memory_space<semaphore_mem>>)
      %gt3A_80 = arith.constant 0 : i32
      %gt3A_81 = arith.cmpi sgt, %add3A_68, %gt3A_80 : i32
      %convert_element_type3A_82 = arith.extui %gt3A_81 : i1 to i32
      %cond3A_83 = arith.constant 0 : i32
      %cond3A_84 = arith.cmpi ne, %convert_element_type3A_82, %cond3A_83 : i32
      scf.if %cond3A_84 {
        %dma_wait3A_100 = arith.constant 0 : i32
        %dma_wait3A_101 = arith.constant 0 : i32
        %dma_wait3A_102 = tpu.memref_slice %arg19[%dma_wait3A_100, %dma_wait3A_101] : memref<8192x128xf32, #tpu.memory_space<vmem_shared>> -> memref<8192x128xf32, #tpu.memory_space<vmem_shared>>
        tpu.wait_indirect_dma semaphore(%arg25 : memref<!tpu.dma_semaphore, #tpu.memory_space<semaphore_mem>>) src(%arg12 : memref<80x128xf32, #tpu.memory_space<vmem>>) dst(%dma_wait3A_102 : memref<8192x128xf32, #tpu.memory_space<vmem_shared>>)
        %dma_wait3A_103 = arith.constant 0 : i32
        %dma_wait3A_104 = tpu.memref_slice %arg20[%dma_wait3A_103] : memref<8192xf32, #tpu.memory_space<vmem_shared>> -> memref<8192xf32, #tpu.memory_space<vmem_shared>>
        tpu.wait_indirect_dma semaphore(%arg27 : memref<!tpu.dma_semaphore, #tpu.memory_space<semaphore_mem>>) src(%arg17 : memref<80xf32, #tpu.memory_space<vmem>>) dst(%dma_wait3A_104 : memref<8192xf32, #tpu.memory_space<vmem_shared>>)
      } else {
      }
      %add3A_85 = arith.constant 1 : i32
      %add3A_86 = arith.addi %add3A_68, %add3A_85 : i32
      %lt3A_87 = arith.constant 50 : i32
      %lt3A_88 = arith.cmpi slt, %add3A_86, %lt3A_87 : i32
      %convert_element_type3A_89 = arith.extui %lt3A_88 : i1 to i32
      %cond3A_90 = arith.constant 0 : i32
      %cond3A_91 = arith.cmpi ne, %convert_element_type3A_89, %cond3A_90 : i32
      scf.if %cond3A_91 {
        %add3A_100 = arith.constant 1 : i32
        %add3A_101 = arith.addi %add3A_68, %add3A_100 : i32
        %mul3A_102 = arith.constant 80 : i32
        %mul3A_103 = arith.muli %add3A_101, %mul3A_102 : i32
        %add3A_104 = arith.addi %mul3A_8, %mul3A_103 : i32
        %dma_start3A_105 = tpu.memref_slice %arg3[%add3A_104] : memref<128000xi32, #tpu.memory_space<hbm>> -> memref<80xi32, #tpu.memory_space<hbm>>
        %dma_start3A_106 = tpu.memref_slice %arg3[%add3A_104] : memref<128000xi32, #tpu.memory_space<hbm>> -> memref<80xi32, #tpu.memory_space<hbm>>
        tpu.enqueue_dma source(%dma_start3A_106 : memref<80xi32, #tpu.memory_space<hbm>>) target(%arg10 : memref<80xi32, #tpu.memory_space<vmem>>) target_semaphore(%arg21 : memref<!tpu.dma_semaphore, #tpu.memory_space<semaphore_mem>>)
        %dma_start3A_107 = tpu.memref_slice %arg4[%add3A_104] : memref<128000xi32, #tpu.memory_space<hbm>> -> memref<80xi32, #tpu.memory_space<hbm>>
        %dma_start3A_108 = tpu.memref_slice %arg4[%add3A_104] : memref<128000xi32, #tpu.memory_space<hbm>> -> memref<80xi32, #tpu.memory_space<hbm>>
        tpu.enqueue_dma source(%dma_start3A_108 : memref<80xi32, #tpu.memory_space<hbm>>) target(%arg11 : memref<80xi32, #tpu.memory_space<vmem>>) target_semaphore(%arg21 : memref<!tpu.dma_semaphore, #tpu.memory_space<semaphore_mem>>)
      } else {
      }
      %dma_wait3A_92 = arith.constant 0 : i32
      %dma_wait3A_93 = arith.constant 0 : i32
      %dma_wait3A_94 = tpu.memref_slice %arg2[%dma_wait3A_92, %dma_wait3A_93] : memref<20000x128xf32, #tpu.memory_space<hbm>> -> memref<20000x128xf32, #tpu.memory_space<hbm>>
      tpu.wait_indirect_dma semaphore(%arg24 : memref<!tpu.dma_semaphore, #tpu.memory_space<semaphore_mem>>) src(%dma_wait3A_94 : memref<20000x128xf32, #tpu.memory_space<hbm>>) dst(%arg15 : memref<80x128xf32, #tpu.memory_space<vmem>>)
      %dma_start3A_95 = arith.constant 0 : i32
      %dma_start3A_96 = arith.constant 0 : i32
      %dma_start3A_97 = tpu.memref_slice %arg19[%dma_start3A_95, %dma_start3A_96] : memref<8192x128xf32, #tpu.memory_space<vmem_shared>> -> memref<8192x128xf32, #tpu.memory_space<vmem_shared>>
      tpu.enqueue_indirect_dma source(%arg15 : memref<80x128xf32, #tpu.memory_space<vmem>>) target(%dma_start3A_97 : memref<8192x128xf32, #tpu.memory_space<vmem_shared>>) offsets(%arg14 : memref<80xi32, #tpu.memory_space<vmem>>) semaphore(%arg26 : memref<!tpu.dma_semaphore, #tpu.memory_space<semaphore_mem>>) {add = true}
      %dma_start3A_98 = arith.constant 0 : i32
      %dma_start3A_99 = tpu.memref_slice %arg20[%dma_start3A_98] : memref<8192xf32, #tpu.memory_space<vmem_shared>> -> memref<8192xf32, #tpu.memory_space<vmem_shared>>
      tpu.enqueue_indirect_dma source(%arg17 : memref<80xf32, #tpu.memory_space<vmem>>) target(%dma_start3A_99 : memref<8192xf32, #tpu.memory_space<vmem_shared>>) offsets(%arg14 : memref<80xi32, #tpu.memory_space<vmem>>) semaphore(%arg28 : memref<!tpu.dma_semaphore, #tpu.memory_space<semaphore_mem>>) {add = true}
    }
    %scan3A_18 = arith.constant 25 : i32
    %dma_wait3A = arith.constant 0 : i32
    %dma_wait3A_19 = arith.constant 0 : i32
    %dma_wait3A_20 = tpu.memref_slice %arg19[%dma_wait3A, %dma_wait3A_19] : memref<8192x128xf32, #tpu.memory_space<vmem_shared>> -> memref<8192x128xf32, #tpu.memory_space<vmem_shared>>
    tpu.wait_indirect_dma semaphore(%arg26 : memref<!tpu.dma_semaphore, #tpu.memory_space<semaphore_mem>>) src(%arg15 : memref<80x128xf32, #tpu.memory_space<vmem>>) dst(%dma_wait3A_20 : memref<8192x128xf32, #tpu.memory_space<vmem_shared>>)
    %dma_wait3A_21 = arith.constant 0 : i32
    %dma_wait3A_22 = tpu.memref_slice %arg20[%dma_wait3A_21] : memref<8192xf32, #tpu.memory_space<vmem_shared>> -> memref<8192xf32, #tpu.memory_space<vmem_shared>>
    tpu.wait_indirect_dma semaphore(%arg28 : memref<!tpu.dma_semaphore, #tpu.memory_space<semaphore_mem>>) src(%arg17 : memref<80xf32, #tpu.memory_space<vmem>>) dst(%dma_wait3A_22 : memref<8192xf32, #tpu.memory_space<vmem_shared>>)
    %barrier3A_23 = arith.constant 0 : index
    tpu.barrier barrier_id(%barrier3A_23)
    %mul3A_24 = arith.constant 496 : i32
    %mul3A_25 = arith.muli %arg1, %mul3A_24 : i32
    %mul3A_26 = arith.constant 8000 : i32
    %mul3A_27 = arith.muli %arg0, %mul3A_26 : i32
    "tpu.region"() ({
      %run_scoped3A = tpu.sem_alloc : memref<!tpu.dma_semaphore, #tpu.memory_space<semaphore_mem>>
      %dma_start3A_31 = arith.constant 0 : i32
      %dma_start3A_32 = tpu.memref_slice %arg8[%arg0, %mul3A_25, %dma_start3A_31] : memref<2x8000x128xf32, #tpu.memory_space<hbm>> -> memref<1x496x128xf32, #tpu.memory_space<hbm>>
      %dma_start3A_33 = tpu.memref_squeeze %dma_start3A_32 : memref<1x496x128xf32, #tpu.memory_space<hbm>> -> memref<496x128xf32, #tpu.memory_space<hbm>>
      %dma_start3A_34 = arith.constant 0 : i32
      %dma_start3A_35 = tpu.memref_slice %arg19[%mul3A_25, %dma_start3A_34] : memref<8192x128xf32, #tpu.memory_space<vmem_shared>> -> memref<496x128xf32, #tpu.memory_space<vmem_shared>>
      tpu.enqueue_dma source(%dma_start3A_35 : memref<496x128xf32, #tpu.memory_space<vmem_shared>>) target(%dma_start3A_33 : memref<496x128xf32, #tpu.memory_space<hbm>>) target_semaphore(%run_scoped3A : memref<!tpu.dma_semaphore, #tpu.memory_space<semaphore_mem>>)
      %dma_wait3A_36 = arith.constant 0 : i32
      %dma_wait3A_37 = tpu.memref_slice %arg8[%arg0, %mul3A_25, %dma_wait3A_36] : memref<2x8000x128xf32, #tpu.memory_space<hbm>> -> memref<1x496x128xf32, #tpu.memory_space<hbm>>
      %dma_wait3A_38 = tpu.memref_squeeze %dma_wait3A_37 : memref<1x496x128xf32, #tpu.memory_space<hbm>> -> memref<496x128xf32, #tpu.memory_space<hbm>>
      %dma_wait3A_39 = arith.constant 0 : i32
      %dma_wait3A_40 = tpu.memref_slice %arg19[%mul3A_25, %dma_wait3A_39] : memref<8192x128xf32, #tpu.memory_space<vmem_shared>> -> memref<496x128xf32, #tpu.memory_space<vmem_shared>>
      tpu.wait_dma2 semaphore(%run_scoped3A : memref<!tpu.dma_semaphore, #tpu.memory_space<semaphore_mem>>) src(%dma_wait3A_40 : memref<496x128xf32, #tpu.memory_space<vmem_shared>>) dst(%dma_wait3A_38 : memref<496x128xf32, #tpu.memory_space<hbm>>)
      tpu.yield
    }) : () -> ()
    "tpu.region"() ({
      %run_scoped3A = tpu.sem_alloc : memref<!tpu.dma_semaphore, #tpu.memory_space<semaphore_mem>>
      %dma_start3A_31 = arith.constant 0 : i32
      %dma_start3A_32 = tpu.memref_slice %arg18[%dma_start3A_31] : memref<512xf32, #tpu.memory_space<vmem>> -> memref<496xf32, #tpu.memory_space<vmem>>
      %dma_start3A_33 = tpu.memref_slice %arg20[%mul3A_25] : memref<8192xf32, #tpu.memory_space<vmem_shared>> -> memref<496xf32, #tpu.memory_space<vmem_shared>>
      %dma_start3A_34 = arith.constant 0 : i32
      %dma_start3A_35 = tpu.memref_slice %arg18[%dma_start3A_34] : memref<512xf32, #tpu.memory_space<vmem>> -> memref<496xf32, #tpu.memory_space<vmem>>
      %dma_start3A_36 = tpu.memref_slice %arg20[%mul3A_25] : memref<8192xf32, #tpu.memory_space<vmem_shared>> -> memref<496xf32, #tpu.memory_space<vmem_shared>>
      tpu.enqueue_dma source(%dma_start3A_36 : memref<496xf32, #tpu.memory_space<vmem_shared>>) target(%dma_start3A_35 : memref<496xf32, #tpu.memory_space<vmem>>) target_semaphore(%run_scoped3A : memref<!tpu.dma_semaphore, #tpu.memory_space<semaphore_mem>>)
      %dma_wait3A_37 = arith.constant 0 : i32
      %dma_wait3A_38 = tpu.memref_slice %arg18[%dma_wait3A_37] : memref<512xf32, #tpu.memory_space<vmem>> -> memref<496xf32, #tpu.memory_space<vmem>>
      %dma_wait3A_39 = tpu.memref_slice %arg20[%mul3A_25] : memref<8192xf32, #tpu.memory_space<vmem_shared>> -> memref<496xf32, #tpu.memory_space<vmem_shared>>
      %dma_wait3A_40 = arith.constant 0 : i32
      %dma_wait3A_41 = tpu.memref_slice %arg18[%dma_wait3A_40] : memref<512xf32, #tpu.memory_space<vmem>> -> memref<496xf32, #tpu.memory_space<vmem>>
      %dma_wait3A_42 = tpu.memref_slice %arg20[%mul3A_25] : memref<8192xf32, #tpu.memory_space<vmem_shared>> -> memref<496xf32, #tpu.memory_space<vmem_shared>>
      tpu.wait_dma2 semaphore(%run_scoped3A : memref<!tpu.dma_semaphore, #tpu.memory_space<semaphore_mem>>) src(%dma_wait3A_42 : memref<496xf32, #tpu.memory_space<vmem_shared>>) dst(%dma_wait3A_41 : memref<496xf32, #tpu.memory_space<vmem>>)
      tpu.yield
    }) : () -> ()
    %add3A_28 = arith.addi %mul3A_27, %mul3A_25 : i32
    "tpu.region"() ({
      %run_scoped3A = tpu.sem_alloc : memref<!tpu.dma_semaphore, #tpu.memory_space<semaphore_mem>>
      %dma_start3A_31 = arith.constant 0 : i32
      %dma_start3A_32 = tpu.memref_slice %arg18[%dma_start3A_31] : memref<512xf32, #tpu.memory_space<vmem>> -> memref<496xf32, #tpu.memory_space<vmem>>
      %dma_start3A_33 = tpu.memref_slice %arg9[%add3A_28] : memref<16000xf32, #tpu.memory_space<hbm>> -> memref<496xf32, #tpu.memory_space<hbm>>
      %dma_start3A_34 = tpu.memref_slice %arg9[%add3A_28] : memref<16000xf32, #tpu.memory_space<hbm>> -> memref<496xf32, #tpu.memory_space<hbm>>
      %dma_start3A_35 = arith.constant 0 : i32
      %dma_start3A_36 = tpu.memref_slice %arg18[%dma_start3A_35] : memref<512xf32, #tpu.memory_space<vmem>> -> memref<496xf32, #tpu.memory_space<vmem>>
      tpu.enqueue_dma source(%dma_start3A_36 : memref<496xf32, #tpu.memory_space<vmem>>) target(%dma_start3A_34 : memref<496xf32, #tpu.memory_space<hbm>>) target_semaphore(%run_scoped3A : memref<!tpu.dma_semaphore, #tpu.memory_space<semaphore_mem>>)
      %dma_wait3A_37 = arith.constant 0 : i32
      %dma_wait3A_38 = tpu.memref_slice %arg18[%dma_wait3A_37] : memref<512xf32, #tpu.memory_space<vmem>> -> memref<496xf32, #tpu.memory_space<vmem>>
      %dma_wait3A_39 = tpu.memref_slice %arg9[%add3A_28] : memref<16000xf32, #tpu.memory_space<hbm>> -> memref<496xf32, #tpu.memory_space<hbm>>
      %dma_wait3A_40 = tpu.memref_slice %arg9[%add3A_28] : memref<16000xf32, #tpu.memory_space<hbm>> -> memref<496xf32, #tpu.memory_space<hbm>>
      %dma_wait3A_41 = arith.constant 0 : i32
      %dma_wait3A_42 = tpu.memref_slice %arg18[%dma_wait3A_41] : memref<512xf32, #tpu.memory_space<vmem>> -> memref<496xf32, #tpu.memory_space<vmem>>
      tpu.wait_dma2 semaphore(%run_scoped3A : memref<!tpu.dma_semaphore, #tpu.memory_space<semaphore_mem>>) src(%dma_wait3A_42 : memref<496xf32, #tpu.memory_space<vmem>>) dst(%dma_wait3A_40 : memref<496xf32, #tpu.memory_space<hbm>>)
      tpu.yield
    }) : () -> ()
    %eq3A = arith.constant 0 : i32
    %eq3A_29 = arith.cmpi eq, %arg1, %eq3A : i32
    %convert_element_type3A = arith.extui %eq3A_29 : i1 to i32
    %cond3A = arith.constant 0 : i32
    %cond3A_30 = arith.cmpi ne, %convert_element_type3A, %cond3A : i32
    scf.if %cond3A_30 {
      "tpu.region"() ({
        %run_scoped3A = tpu.sem_alloc : memref<!tpu.dma_semaphore, #tpu.memory_space<semaphore_mem>>
        %dma_start3A_33 = arith.constant 7936 : i32
        %dma_start3A_34 = arith.constant 0 : i32
        %dma_start3A_35 = tpu.memref_slice %arg8[%arg0, %dma_start3A_33, %dma_start3A_34] : memref<2x8000x128xf32, #tpu.memory_space<hbm>> -> memref<1x64x128xf32, #tpu.memory_space<hbm>>
        %dma_start3A_36 = tpu.memref_squeeze %dma_start3A_35 : memref<1x64x128xf32, #tpu.memory_space<hbm>> -> memref<64x128xf32, #tpu.memory_space<hbm>>
        %dma_start3A_37 = arith.constant 7936 : i32
        %dma_start3A_38 = arith.constant 0 : i32
        %dma_start3A_39 = tpu.memref_slice %arg19[%dma_start3A_37, %dma_start3A_38] : memref<8192x128xf32, #tpu.memory_space<vmem_shared>> -> memref<64x128xf32, #tpu.memory_space<vmem_shared>>
        tpu.enqueue_dma source(%dma_start3A_39 : memref<64x128xf32, #tpu.memory_space<vmem_shared>>) target(%dma_start3A_36 : memref<64x128xf32, #tpu.memory_space<hbm>>) target_semaphore(%run_scoped3A : memref<!tpu.dma_semaphore, #tpu.memory_space<semaphore_mem>>)
        %dma_wait3A_40 = arith.constant 7936 : i32
        %dma_wait3A_41 = arith.constant 0 : i32
        %dma_wait3A_42 = tpu.memref_slice %arg8[%arg0, %dma_wait3A_40, %dma_wait3A_41] : memref<2x8000x128xf32, #tpu.memory_space<hbm>> -> memref<1x64x128xf32, #tpu.memory_space<hbm>>
        %dma_wait3A_43 = tpu.memref_squeeze %dma_wait3A_42 : memref<1x64x128xf32, #tpu.memory_space<hbm>> -> memref<64x128xf32, #tpu.memory_space<hbm>>
        %dma_wait3A_44 = arith.constant 7936 : i32
        %dma_wait3A_45 = arith.constant 0 : i32
        %dma_wait3A_46 = tpu.memref_slice %arg19[%dma_wait3A_44, %dma_wait3A_45] : memref<8192x128xf32, #tpu.memory_space<vmem_shared>> -> memref<64x128xf32, #tpu.memory_space<vmem_shared>>
        tpu.wait_dma2 semaphore(%run_scoped3A : memref<!tpu.dma_semaphore, #tpu.memory_space<semaphore_mem>>) src(%dma_wait3A_46 : memref<64x128xf32, #tpu.memory_space<vmem_shared>>) dst(%dma_wait3A_43 : memref<64x128xf32, #tpu.memory_space<hbm>>)
        tpu.yield
      }) : () -> ()
      "tpu.region"() ({
        %run_scoped3A = tpu.sem_alloc : memref<!tpu.dma_semaphore, #tpu.memory_space<semaphore_mem>>
        %dma_start3A_33 = arith.constant 0 : i32
        %dma_start3A_34 = tpu.memref_slice %arg18[%dma_start3A_33] : memref<512xf32, #tpu.memory_space<vmem>> -> memref<64xf32, #tpu.memory_space<vmem>>
        %dma_start3A_35 = arith.constant 7936 : i32
        %dma_start3A_36 = tpu.memref_slice %arg20[%dma_start3A_35] : memref<8192xf32, #tpu.memory_space<vmem_shared>> -> memref<64xf32, #tpu.memory_space<vmem_shared>>
        %dma_start3A_37 = arith.constant 0 : i32
        %dma_start3A_38 = tpu.memref_slice %arg18[%dma_start3A_37] : memref<512xf32, #tpu.memory_space<vmem>> -> memref<64xf32, #tpu.memory_space<vmem>>
        %dma_start3A_39 = arith.constant 7936 : i32
        %dma_start3A_40 = tpu.memref_slice %arg20[%dma_start3A_39] : memref<8192xf32, #tpu.memory_space<vmem_shared>> -> memref<64xf32, #tpu.memory_space<vmem_shared>>
        tpu.enqueue_dma source(%dma_start3A_40 : memref<64xf32, #tpu.memory_space<vmem_shared>>) target(%dma_start3A_38 : memref<64xf32, #tpu.memory_space<vmem>>) target_semaphore(%run_scoped3A : memref<!tpu.dma_semaphore, #tpu.memory_space<semaphore_mem>>)
        %dma_wait3A_41 = arith.constant 0 : i32
        %dma_wait3A_42 = tpu.memref_slice %arg18[%dma_wait3A_41] : memref<512xf32, #tpu.memory_space<vmem>> -> memref<64xf32, #tpu.memory_space<vmem>>
        %dma_wait3A_43 = arith.constant 7936 : i32
        %dma_wait3A_44 = tpu.memref_slice %arg20[%dma_wait3A_43] : memref<8192xf32, #tpu.memory_space<vmem_shared>> -> memref<64xf32, #tpu.memory_space<vmem_shared>>
        %dma_wait3A_45 = arith.constant 0 : i32
        %dma_wait3A_46 = tpu.memref_slice %arg18[%dma_wait3A_45] : memref<512xf32, #tpu.memory_space<vmem>> -> memref<64xf32, #tpu.memory_space<vmem>>
        %dma_wait3A_47 = arith.constant 7936 : i32
        %dma_wait3A_48 = tpu.memref_slice %arg20[%dma_wait3A_47] : memref<8192xf32, #tpu.memory_space<vmem_shared>> -> memref<64xf32, #tpu.memory_space<vmem_shared>>
        tpu.wait_dma2 semaphore(%run_scoped3A : memref<!tpu.dma_semaphore, #tpu.memory_space<semaphore_mem>>) src(%dma_wait3A_48 : memref<64xf32, #tpu.memory_space<vmem_shared>>) dst(%dma_wait3A_46 : memref<64xf32, #tpu.memory_space<vmem>>)
        tpu.yield
      }) : () -> ()
      %add3A_31 = arith.constant 7936 : i32
      %add3A_32 = arith.addi %mul3A_27, %add3A_31 : i32
      "tpu.region"() ({
        %run_scoped3A = tpu.sem_alloc : memref<!tpu.dma_semaphore, #tpu.memory_space<semaphore_mem>>
        %dma_start3A_33 = arith.constant 0 : i32
        %dma_start3A_34 = tpu.memref_slice %arg18[%dma_start3A_33] : memref<512xf32, #tpu.memory_space<vmem>> -> memref<64xf32, #tpu.memory_space<vmem>>
        %dma_start3A_35 = tpu.memref_slice %arg9[%add3A_32] : memref<16000xf32, #tpu.memory_space<hbm>> -> memref<64xf32, #tpu.memory_space<hbm>>
        %dma_start3A_36 = tpu.memref_slice %arg9[%add3A_32] : memref<16000xf32, #tpu.memory_space<hbm>> -> memref<64xf32, #tpu.memory_space<hbm>>
        %dma_start3A_37 = arith.constant 0 : i32
        %dma_start3A_38 = tpu.memref_slice %arg18[%dma_start3A_37] : memref<512xf32, #tpu.memory_space<vmem>> -> memref<64xf32, #tpu.memory_space<vmem>>
        tpu.enqueue_dma source(%dma_start3A_38 : memref<64xf32, #tpu.memory_space<vmem>>) target(%dma_start3A_36 : memref<64xf32, #tpu.memory_space<hbm>>) target_semaphore(%run_scoped3A : memref<!tpu.dma_semaphore, #tpu.memory_space<semaphore_mem>>)
        %dma_wait3A_39 = arith.constant 0 : i32
        %dma_wait3A_40 = tpu.memref_slice %arg18[%dma_wait3A_39] : memref<512xf32, #tpu.memory_space<vmem>> -> memref<64xf32, #tpu.memory_space<vmem>>
        %dma_wait3A_41 = tpu.memref_slice %arg9[%add3A_32] : memref<16000xf32, #tpu.memory_space<hbm>> -> memref<64xf32, #tpu.memory_space<hbm>>
        %dma_wait3A_42 = tpu.memref_slice %arg9[%add3A_32] : memref<16000xf32, #tpu.memory_space<hbm>> -> memref<64xf32, #tpu.memory_space<hbm>>
        %dma_wait3A_43 = arith.constant 0 : i32
        %dma_wait3A_44 = tpu.memref_slice %arg18[%dma_wait3A_43] : memref<512xf32, #tpu.memory_space<vmem>> -> memref<64xf32, #tpu.memory_space<vmem>>
        tpu.wait_dma2 semaphore(%run_scoped3A : memref<!tpu.dma_semaphore, #tpu.memory_space<semaphore_mem>>) src(%dma_wait3A_44 : memref<64xf32, #tpu.memory_space<vmem>>) dst(%dma_wait3A_42 : memref<64xf32, #tpu.memory_space<hbm>>)
        tpu.yield
      }) : () -> ()
    } else {
    }
    return
  }
}

module attributes {stable_mosaic.version = 14 : i64} {
  func.func @body(%arg0: i32, %arg1: memref<2000x128xf32, #tpu.memory_space<vmem>>, %arg2: memref<2000x1xf32, #tpu.memory_space<vmem>>, %arg3: memref<2000x128xf32, #tpu.memory_space<vmem>>, %arg4: memref<128x128xf32, #tpu.memory_space<vmem>>, %arg5: memref<128x128xf32, #tpu.memory_space<vmem>>, %arg6: memref<1x128xf32, #tpu.memory_space<vmem>>, %arg7: memref<2000x128xf32, #tpu.memory_space<vmem>>) attributes {dimension_semantics = [#tpu.dimension_semantics<arbitrary>], iteration_bounds = array<i64: 10>, scalar_prefetch = 0 : i64, scratch_operands = 0 : i64, tpu.core_type = #tpu.core_type<tc>, window_params = [{transform_indices = @transform_0, window_bounds = array<i64: 2000, 128>}, {transform_indices = @transform_1, window_bounds = array<i64: 2000, 1>}, {transform_indices = @transform_2, window_bounds = array<i64: 2000, 128>}, {pipeline_mode = #tpu.pipeline_mode<synchronous>, transform_indices = @transform_3, window_bounds = array<i64: 128, 128>}, {pipeline_mode = #tpu.pipeline_mode<synchronous>, transform_indices = @transform_4, window_bounds = array<i64: 128, 128>}, {pipeline_mode = #tpu.pipeline_mode<synchronous>, transform_indices = @transform_5, window_bounds = array<i64: 1, 128>}, {transform_indices = @transform_6, window_bounds = array<i64: 2000, 128>}]} {
    %get3A = arith.constant 0 : index
    %get3A_0 = arith.constant 0 : index
    %get3A_1 = vector.load %arg1[%get3A, %get3A_0] : memref<2000x128xf32, #tpu.memory_space<vmem>>, vector<2000x128xf32>
    %get3A_2 = arith.constant 0 : index
    %get3A_3 = arith.constant 0 : index
    %get3A_4 = vector.load %arg2[%get3A_2, %get3A_3] : memref<2000x1xf32, #tpu.memory_space<vmem>>, vector<2000x1xf32>
    %max3A = arith.constant 1.000000e+00 : f32
    %max3A_5 = vector.broadcast %max3A : f32 to vector<2000x1xf32>
    %max3A_6 = arith.maximumf %get3A_4, %max3A_5 : vector<2000x1xf32>
    %div3A = vector.broadcast %max3A_6 : vector<2000x1xf32> to vector<2000x128xf32>
    %div3A_7 = arith.divf %get3A_1, %div3A : vector<2000x128xf32>
    %get3A_8 = arith.constant 0 : index
    %get3A_9 = arith.constant 0 : index
    %get3A_10 = vector.load %arg4[%get3A_8, %get3A_9] : memref<128x128xf32, #tpu.memory_space<vmem>>, vector<128x128xf32>
    %dot_general3A = arith.constant dense<0.000000e+00> : vector<2000x128xf32>
    %dot_general3A_11 = tpu.matmul %div3A_7, %get3A_10, %dot_general3A {dimension_numbers = #tpu.dot_dimension_numbers<[1], [0], [0], [1], [0, 0, 1, 1], [], []>, transpose_lhs_hint = false} : vector<2000x128xf32>, vector<128x128xf32>, vector<2000x128xf32> -> vector<2000x128xf32>
    %get3A_12 = arith.constant 0 : index
    %get3A_13 = arith.constant 0 : index
    %get3A_14 = vector.load %arg3[%get3A_12, %get3A_13] : memref<2000x128xf32, #tpu.memory_space<vmem>>, vector<2000x128xf32>
    %get3A_15 = arith.constant 0 : index
    %get3A_16 = arith.constant 0 : index
    %get3A_17 = vector.load %arg5[%get3A_15, %get3A_16] : memref<128x128xf32, #tpu.memory_space<vmem>>, vector<128x128xf32>
    %dot_general3A_18 = arith.constant dense<0.000000e+00> : vector<2000x128xf32>
    %dot_general3A_19 = tpu.matmul %get3A_14, %get3A_17, %dot_general3A_18 {dimension_numbers = #tpu.dot_dimension_numbers<[1], [0], [0], [1], [0, 0, 1, 1], [], []>, transpose_lhs_hint = false} : vector<2000x128xf32>, vector<128x128xf32>, vector<2000x128xf32> -> vector<2000x128xf32>
    %add3A = arith.addf %dot_general3A_11, %dot_general3A_19 : vector<2000x128xf32>
    %get3A_20 = arith.constant 0 : index
    %get3A_21 = arith.constant 0 : index
    %get3A_22 = vector.load %arg6[%get3A_20, %get3A_21] : memref<1x128xf32, #tpu.memory_space<vmem>>, vector<1x128xf32>
    %add3A_23 = vector.broadcast %get3A_22 : vector<1x128xf32> to vector<2000x128xf32>
    %add3A_24 = arith.addf %add3A, %add3A_23 : vector<2000x128xf32>
    %max3A_25 = arith.constant 0.000000e+00 : f32
    %max3A_26 = vector.broadcast %max3A_25 : f32 to vector<2000x128xf32>
    %max3A_27 = arith.maximumf %add3A_24, %max3A_26 : vector<2000x128xf32>
    %swap3A = arith.constant 0 : index
    %swap3A_28 = arith.constant 0 : index
    %swap3A_29 = vector.load %arg7[%swap3A, %swap3A_28] : memref<2000x128xf32, #tpu.memory_space<vmem>>, vector<2000x128xf32>
    tpu.vector_store %arg7[%swap3A, %swap3A_28], %max3A_27 {strides = array<i32>} : memref<2000x128xf32, #tpu.memory_space<vmem>>, vector<2000x128xf32>,
    return
  }
  func.func @transform_0(%arg0: i32) -> (i32, i32) {
    %c0_i32 = arith.constant 0 : i32
    %c0_i32_0 = arith.constant 0 : i32
    return %arg0, %c0_i32 : i32, i32
  }
  func.func @transform_1(%arg0: i32) -> (i32, i32) {
    %c0_i32 = arith.constant 0 : i32
    %c0_i32_0 = arith.constant 0 : i32
    return %arg0, %c0_i32 : i32, i32
  }
  func.func @transform_2(%arg0: i32) -> (i32, i32) {
    %c0_i32 = arith.constant 0 : i32
    %c0_i32_0 = arith.constant 0 : i32
    return %arg0, %c0_i32 : i32, i32
  }
  func.func @transform_3(%arg0: i32) -> (i32, i32) {
    %c0_i32 = arith.constant 0 : i32
    %c0_i32_0 = arith.constant 0 : i32
    %c0_i32_1 = arith.constant 0 : i32
    return %c0_i32, %c0_i32_0 : i32, i32
  }
  func.func @transform_4(%arg0: i32) -> (i32, i32) {
    %c0_i32 = arith.constant 0 : i32
    %c0_i32_0 = arith.constant 0 : i32
    %c0_i32_1 = arith.constant 0 : i32
    return %c0_i32, %c0_i32_0 : i32, i32
  }
  func.func @transform_5(%arg0: i32) -> (i32, i32) {
    %c0_i32 = arith.constant 0 : i32
    %c0_i32_0 = arith.constant 0 : i32
    %c0_i32_1 = arith.constant 0 : i32
    return %c0_i32, %c0_i32_0 : i32, i32
  }
  func.func @transform_6(%arg0: i32) -> (i32, i32) {
    %c0_i32 = arith.constant 0 : i32
    %c0_i32_0 = arith.constant 0 : i32
    return %arg0, %c0_i32 : i32, i32
  }
}

module attributes {stable_mosaic.version = 14 : i64} {
  func.func @body(%arg0: i32, %arg1: memref<2x2000x128xf32, #tpu.memory_space<vmem>>, %arg2: memref<2x2000x1xf32, #tpu.memory_space<vmem>>, %arg3: memref<2000x128xf32, #tpu.memory_space<vmem>>, %arg4: memref<128x128xf32, #tpu.memory_space<vmem>>, %arg5: memref<128x128xf32, #tpu.memory_space<vmem>>, %arg6: memref<1x128xf32, #tpu.memory_space<vmem>>, %arg7: memref<2000x128xf32, #tpu.memory_space<vmem>>) attributes {dimension_semantics = [#tpu.dimension_semantics<arbitrary>], iteration_bounds = array<i64: 4>, scalar_prefetch = 0 : i64, scratch_operands = 0 : i64, tpu.core_type = #tpu.core_type<tc>, window_params = [{transform_indices = @transform_0, window_bounds = array<i64: 2, 2000, 128>}, {transform_indices = @transform_1, window_bounds = array<i64: 2, 2000, 1>}, {transform_indices = @transform_2, window_bounds = array<i64: 2000, 128>}, {pipeline_mode = #tpu.pipeline_mode<synchronous>, transform_indices = @transform_3, window_bounds = array<i64: 128, 128>}, {pipeline_mode = #tpu.pipeline_mode<synchronous>, transform_indices = @transform_4, window_bounds = array<i64: 128, 128>}, {pipeline_mode = #tpu.pipeline_mode<synchronous>, transform_indices = @transform_5, window_bounds = array<i64: 1, 128>}, {transform_indices = @transform_6, window_bounds = array<i64: 2000, 128>}]} {
    %get3A = arith.constant 0 : index
    %get3A_0 = arith.constant 0 : index
    %get3A_1 = arith.constant 0 : index
    %get3A_2 = vector.load %arg1[%get3A, %get3A_0, %get3A_1] : memref<2x2000x128xf32, #tpu.memory_space<vmem>>, vector<1x2000x128xf32>
    %get3A_3 = vector.shape_cast %get3A_2 : vector<1x2000x128xf32> to vector<2000x128xf32>
    %get3A_4 = arith.constant 1 : index
    %get3A_5 = arith.constant 0 : index
    %get3A_6 = arith.constant 0 : index
    %get3A_7 = vector.load %arg1[%get3A_4, %get3A_5, %get3A_6] : memref<2x2000x128xf32, #tpu.memory_space<vmem>>, vector<1x2000x128xf32>
    %get3A_8 = vector.shape_cast %get3A_7 : vector<1x2000x128xf32> to vector<2000x128xf32>
    %add3A = arith.addf %get3A_3, %get3A_8 : vector<2000x128xf32>
    %get3A_9 = arith.constant 0 : index
    %get3A_10 = arith.constant 0 : index
    %get3A_11 = arith.constant 0 : index
    %get3A_12 = vector.load %arg2[%get3A_9, %get3A_10, %get3A_11] : memref<2x2000x1xf32, #tpu.memory_space<vmem>>, vector<1x2000x1xf32>
    %get3A_13 = vector.shape_cast %get3A_12 : vector<1x2000x1xf32> to vector<2000x1xf32>
    %get3A_14 = arith.constant 1 : index
    %get3A_15 = arith.constant 0 : index
    %get3A_16 = arith.constant 0 : index
    %get3A_17 = vector.load %arg2[%get3A_14, %get3A_15, %get3A_16] : memref<2x2000x1xf32, #tpu.memory_space<vmem>>, vector<1x2000x1xf32>
    %get3A_18 = vector.shape_cast %get3A_17 : vector<1x2000x1xf32> to vector<2000x1xf32>
    %add3A_19 = arith.addf %get3A_13, %get3A_18 : vector<2000x1xf32>
    %max3A = arith.constant 1.000000e+00 : f32
    %max3A_20 = vector.broadcast %max3A : f32 to vector<2000x1xf32>
    %max3A_21 = arith.maximumf %add3A_19, %max3A_20 : vector<2000x1xf32>
    %div3A = vector.broadcast %max3A_21 : vector<2000x1xf32> to vector<2000x128xf32>
    %div3A_22 = arith.divf %add3A, %div3A : vector<2000x128xf32>
    %get3A_23 = arith.constant 0 : index
    %get3A_24 = arith.constant 0 : index
    %get3A_25 = vector.load %arg4[%get3A_23, %get3A_24] : memref<128x128xf32, #tpu.memory_space<vmem>>, vector<128x128xf32>
    %dot_general3A = arith.constant dense<0.000000e+00> : vector<2000x128xf32>
    %dot_general3A_26 = tpu.matmul %div3A_22, %get3A_25, %dot_general3A {dimension_numbers = #tpu.dot_dimension_numbers<[1], [0], [0], [1], [0, 0, 1, 1], [], []>, transpose_lhs_hint = false} : vector<2000x128xf32>, vector<128x128xf32>, vector<2000x128xf32> -> vector<2000x128xf32>
    %get3A_27 = arith.constant 0 : index
    %get3A_28 = arith.constant 0 : index
    %get3A_29 = vector.load %arg3[%get3A_27, %get3A_28] : memref<2000x128xf32, #tpu.memory_space<vmem>>, vector<2000x128xf32>
    %get3A_30 = arith.constant 0 : index
    %get3A_31 = arith.constant 0 : index
    %get3A_32 = vector.load %arg5[%get3A_30, %get3A_31] : memref<128x128xf32, #tpu.memory_space<vmem>>, vector<128x128xf32>
    %dot_general3A_33 = arith.constant dense<0.000000e+00> : vector<2000x128xf32>
    %dot_general3A_34 = tpu.matmul %get3A_29, %get3A_32, %dot_general3A_33 {dimension_numbers = #tpu.dot_dimension_numbers<[1], [0], [0], [1], [0, 0, 1, 1], [], []>, transpose_lhs_hint = false} : vector<2000x128xf32>, vector<128x128xf32>, vector<2000x128xf32> -> vector<2000x128xf32>
    %add3A_35 = arith.addf %dot_general3A_26, %dot_general3A_34 : vector<2000x128xf32>
    %get3A_36 = arith.constant 0 : index
    %get3A_37 = arith.constant 0 : index
    %get3A_38 = vector.load %arg6[%get3A_36, %get3A_37] : memref<1x128xf32, #tpu.memory_space<vmem>>, vector<1x128xf32>
    %add3A_39 = vector.broadcast %get3A_38 : vector<1x128xf32> to vector<2000x128xf32>
    %add3A_40 = arith.addf %add3A_35, %add3A_39 : vector<2000x128xf32>
    %max3A_41 = arith.constant 0.000000e+00 : f32
    %max3A_42 = vector.broadcast %max3A_41 : f32 to vector<2000x128xf32>
    %max3A_43 = arith.maximumf %add3A_40, %max3A_42 : vector<2000x128xf32>
    %swap3A = arith.constant 0 : index
    %swap3A_44 = arith.constant 0 : index
    %swap3A_45 = vector.load %arg7[%swap3A, %swap3A_44] : memref<2000x128xf32, #tpu.memory_space<vmem>>, vector<2000x128xf32>
    tpu.vector_store %arg7[%swap3A, %swap3A_44], %max3A_43 {strides = array<i32>} : memref<2000x128xf32, #tpu.memory_space<vmem>>, vector<2000x128xf32>,
    return
  }
  func.func @transform_0(%arg0: i32) -> (i32, i32, i32) {
    %c0_i32 = arith.constant 0 : i32
    %c0_i32_0 = arith.constant 0 : i32
    %c0_i32_1 = arith.constant 0 : i32
    return %c0_i32, %arg0, %c0_i32_0 : i32, i32, i32
  }
  func.func @transform_1(%arg0: i32) -> (i32, i32, i32) {
    %c0_i32 = arith.constant 0 : i32
    %c0_i32_0 = arith.constant 0 : i32
    %c0_i32_1 = arith.constant 0 : i32
    return %c0_i32, %arg0, %c0_i32_0 : i32, i32, i32
  }
  func.func @transform_2(%arg0: i32) -> (i32, i32) {
    %c0_i32 = arith.constant 0 : i32
    %c0_i32_0 = arith.constant 0 : i32
    return %arg0, %c0_i32 : i32, i32
  }
  func.func @transform_3(%arg0: i32) -> (i32, i32) {
    %c0_i32 = arith.constant 0 : i32
    %c0_i32_0 = arith.constant 0 : i32
    %c0_i32_1 = arith.constant 0 : i32
    return %c0_i32, %c0_i32_0 : i32, i32
  }
  func.func @transform_4(%arg0: i32) -> (i32, i32) {
    %c0_i32 = arith.constant 0 : i32
    %c0_i32_0 = arith.constant 0 : i32
    %c0_i32_1 = arith.constant 0 : i32
    return %c0_i32, %c0_i32_0 : i32, i32
  }
  func.func @transform_5(%arg0: i32) -> (i32, i32) {
    %c0_i32 = arith.constant 0 : i32
    %c0_i32_0 = arith.constant 0 : i32
    %c0_i32_1 = arith.constant 0 : i32
    return %c0_i32, %c0_i32_0 : i32, i32
  }
  func.func @transform_6(%arg0: i32) -> (i32, i32) {
    %c0_i32 = arith.constant 0 : i32
    %c0_i32_0 = arith.constant 0 : i32
    return %arg0, %c0_i32 : i32, i32
  }
}

module attributes {stable_mosaic.version = 14 : i64} {
  func.func @body(%arg0: i32, %arg1: memref<2x1024x128xf32, #tpu.memory_space<vmem>>, %arg2: memref<2x1024x1xf32, #tpu.memory_space<vmem>>, %arg3: memref<1024x128xf32, #tpu.memory_space<vmem>>, %arg4: memref<128x128xf32, #tpu.memory_space<vmem>>, %arg5: memref<128x128xf32, #tpu.memory_space<vmem>>, %arg6: memref<1x128xf32, #tpu.memory_space<vmem>>, %arg7: memref<1024x128xf32, #tpu.memory_space<vmem>>) attributes {dimension_semantics = [#tpu.dimension_semantics<arbitrary>], iteration_bounds = array<i64: 2>, scalar_prefetch = 0 : i64, scratch_operands = 0 : i64, tpu.core_type = #tpu.core_type<tc>, window_params = [{transform_indices = @transform_0, window_bounds = array<i64: 2, 1024, 128>}, {transform_indices = @transform_1, window_bounds = array<i64: 2, 1024, 1>}, {transform_indices = @transform_2, window_bounds = array<i64: 1024, 128>}, {pipeline_mode = #tpu.pipeline_mode<synchronous>, transform_indices = @transform_3, window_bounds = array<i64: 128, 128>}, {pipeline_mode = #tpu.pipeline_mode<synchronous>, transform_indices = @transform_4, window_bounds = array<i64: 128, 128>}, {pipeline_mode = #tpu.pipeline_mode<synchronous>, transform_indices = @transform_5, window_bounds = array<i64: 1, 128>}, {transform_indices = @transform_6, window_bounds = array<i64: 1024, 128>}]} {
    %get3A = arith.constant 0 : index
    %get3A_0 = arith.constant 0 : index
    %get3A_1 = arith.constant 0 : index
    %get3A_2 = vector.load %arg1[%get3A, %get3A_0, %get3A_1] : memref<2x1024x128xf32, #tpu.memory_space<vmem>>, vector<1x1024x128xf32>
    %get3A_3 = vector.shape_cast %get3A_2 : vector<1x1024x128xf32> to vector<1024x128xf32>
    %get3A_4 = arith.constant 1 : index
    %get3A_5 = arith.constant 0 : index
    %get3A_6 = arith.constant 0 : index
    %get3A_7 = vector.load %arg1[%get3A_4, %get3A_5, %get3A_6] : memref<2x1024x128xf32, #tpu.memory_space<vmem>>, vector<1x1024x128xf32>
    %get3A_8 = vector.shape_cast %get3A_7 : vector<1x1024x128xf32> to vector<1024x128xf32>
    %add3A = arith.addf %get3A_3, %get3A_8 : vector<1024x128xf32>
    %get3A_9 = arith.constant 0 : index
    %get3A_10 = arith.constant 0 : index
    %get3A_11 = arith.constant 0 : index
    %get3A_12 = vector.load %arg2[%get3A_9, %get3A_10, %get3A_11] : memref<2x1024x1xf32, #tpu.memory_space<vmem>>, vector<1x1024x1xf32>
    %get3A_13 = vector.shape_cast %get3A_12 : vector<1x1024x1xf32> to vector<1024x1xf32>
    %get3A_14 = arith.constant 1 : index
    %get3A_15 = arith.constant 0 : index
    %get3A_16 = arith.constant 0 : index
    %get3A_17 = vector.load %arg2[%get3A_14, %get3A_15, %get3A_16] : memref<2x1024x1xf32, #tpu.memory_space<vmem>>, vector<1x1024x1xf32>
    %get3A_18 = vector.shape_cast %get3A_17 : vector<1x1024x1xf32> to vector<1024x1xf32>
    %add3A_19 = arith.addf %get3A_13, %get3A_18 : vector<1024x1xf32>
    %max3A = arith.constant 1.000000e+00 : f32
    %max3A_20 = vector.broadcast %max3A : f32 to vector<1024x1xf32>
    %max3A_21 = arith.maximumf %add3A_19, %max3A_20 : vector<1024x1xf32>
    %div3A = vector.broadcast %max3A_21 : vector<1024x1xf32> to vector<1024x128xf32>
    %div3A_22 = arith.divf %add3A, %div3A : vector<1024x128xf32>
    %get3A_23 = arith.constant 0 : index
    %get3A_24 = arith.constant 0 : index
    %get3A_25 = vector.load %arg4[%get3A_23, %get3A_24] : memref<128x128xf32, #tpu.memory_space<vmem>>, vector<128x128xf32>
    %dot_general3A = arith.constant dense<0.000000e+00> : vector<1024x128xf32>
    %dot_general3A_26 = tpu.matmul %div3A_22, %get3A_25, %dot_general3A {dimension_numbers = #tpu.dot_dimension_numbers<[1], [0], [0], [1], [0, 0, 1, 1], [], []>, transpose_lhs_hint = false} : vector<1024x128xf32>, vector<128x128xf32>, vector<1024x128xf32> -> vector<1024x128xf32>
    %get3A_27 = arith.constant 0 : index
    %get3A_28 = arith.constant 0 : index
    %get3A_29 = vector.load %arg3[%get3A_27, %get3A_28] : memref<1024x128xf32, #tpu.memory_space<vmem>>, vector<1024x128xf32>
    %get3A_30 = arith.constant 0 : index
    %get3A_31 = arith.constant 0 : index
    %get3A_32 = vector.load %arg5[%get3A_30, %get3A_31] : memref<128x128xf32, #tpu.memory_space<vmem>>, vector<128x128xf32>
    %dot_general3A_33 = arith.constant dense<0.000000e+00> : vector<1024x128xf32>
    %dot_general3A_34 = tpu.matmul %get3A_29, %get3A_32, %dot_general3A_33 {dimension_numbers = #tpu.dot_dimension_numbers<[1], [0], [0], [1], [0, 0, 1, 1], [], []>, transpose_lhs_hint = false} : vector<1024x128xf32>, vector<128x128xf32>, vector<1024x128xf32> -> vector<1024x128xf32>
    %add3A_35 = arith.addf %dot_general3A_26, %dot_general3A_34 : vector<1024x128xf32>
    %get3A_36 = arith.constant 0 : index
    %get3A_37 = arith.constant 0 : index
    %get3A_38 = vector.load %arg6[%get3A_36, %get3A_37] : memref<1x128xf32, #tpu.memory_space<vmem>>, vector<1x128xf32>
    %add3A_39 = vector.broadcast %get3A_38 : vector<1x128xf32> to vector<1024x128xf32>
    %add3A_40 = arith.addf %add3A_35, %add3A_39 : vector<1024x128xf32>
    %swap3A = arith.constant 0 : index
    %swap3A_41 = arith.constant 0 : index
    %swap3A_42 = vector.load %arg7[%swap3A, %swap3A_41] : memref<1024x128xf32, #tpu.memory_space<vmem>>, vector<1024x128xf32>
    tpu.vector_store %arg7[%swap3A, %swap3A_41], %add3A_40 {strides = array<i32>} : memref<1024x128xf32, #tpu.memory_space<vmem>>, vector<1024x128xf32>,
    return
  }
  func.func @transform_0(%arg0: i32) -> (i32, i32, i32) {
    %c0_i32 = arith.constant 0 : i32
    %c0_i32_0 = arith.constant 0 : i32
    %c0_i32_1 = arith.constant 0 : i32
    return %c0_i32, %arg0, %c0_i32_0 : i32, i32, i32
  }
  func.func @transform_1(%arg0: i32) -> (i32, i32, i32) {
    %c0_i32 = arith.constant 0 : i32
    %c0_i32_0 = arith.constant 0 : i32
    %c0_i32_1 = arith.constant 0 : i32
    return %c0_i32, %arg0, %c0_i32_0 : i32, i32, i32
  }
  func.func @transform_2(%arg0: i32) -> (i32, i32) {
    %c0_i32 = arith.constant 0 : i32
    %c0_i32_0 = arith.constant 0 : i32
    return %arg0, %c0_i32 : i32, i32
  }
  func.func @transform_3(%arg0: i32) -> (i32, i32) {
    %c0_i32 = arith.constant 0 : i32
    %c0_i32_0 = arith.constant 0 : i32
    %c0_i32_1 = arith.constant 0 : i32
    return %c0_i32, %c0_i32_0 : i32, i32
  }
  func.func @transform_4(%arg0: i32) -> (i32, i32) {
    %c0_i32 = arith.constant 0 : i32
    %c0_i32_0 = arith.constant 0 : i32
    %c0_i32_1 = arith.constant 0 : i32
    return %c0_i32, %c0_i32_0 : i32, i32
  }
  func.func @transform_5(%arg0: i32) -> (i32, i32) {
    %c0_i32 = arith.constant 0 : i32
    %c0_i32_0 = arith.constant 0 : i32
    %c0_i32_1 = arith.constant 0 : i32
    return %c0_i32, %c0_i32_0 : i32, i32
  }
  func.func @transform_6(%arg0: i32) -> (i32, i32) {
    %c0_i32 = arith.constant 0 : i32
    %c0_i32_0 = arith.constant 0 : i32
    return %arg0, %c0_i32 : i32, i32
  }
}

</mosaic_0001>

<sc_bundles>
// kernel: kernel.11.cloned.1.call-start
scs
__scs_entry_jumppad:
0x0: {  	(pc) =	sbr.rel $0x88, $3  }
0x1: {  	(tag) =	ssettag $0x0;
	lr =	simm.s32 $0x1  }
0x2: {  	[smem:$0x3F94] =	sst lr;
	_ =	strace $0xD0000000  }
0x3: {  	_ = 	snop  }
0x4: {  	_ = 	snop  }
0x5: {  	_ = 	snop  }
0x6: {  	_ = 	snop  }
0x7: {  	_ = 	snop  }
__scs_overlays_trampoline_lowered:
0x8: {  	[smem:$0x3FA3] =	sst s0  }
0x9: {  	[smem:$0x3FA4] =	sst s1  }
0xa: {  	[smem:$0x3FA5] =	sst s2  }
0xb: {  	[smem:$0x3FA6] =	sst s3  }
0xc: {  	[smem:$0x3FA7] =	sst s4  }
0xd: {  	[smem:$0x3FA8] =	sst s5  }
0xe: {  	[smem:$0x3FA9] =	sst s6  }
0xf: {  	[smem:$0x3FAA] =	sst s7  }
0x10: {  	[smem:$0x3FAB] =	sst s8  }
0x11: {  	[smem:$0x3FAC] =	sst s9;
	s0 =	simm.s32 @!p0 $0x0  }
0x12: {  	s1 =	sld [smem:$0x3F92];
	s0 =	simm.s32 @p0 $0x1  }
0x13: {  	[smem:$0x3FAD] =	sst s0;
	s0 =	simm.s32 @!p1 $0x0  }
0x14: {  	s2 =	sld [smem:$0x3F91];
	s0 =	simm.s32 @p1 $0x1  }
0x15: {  	[smem:$0x3FAE] =	sst s0;
	s0 =	simm.s32 @!p2 $0x0  }
0x16: {  	s3 =	sld [smem:$0x3FDB];
	s0 =	simm.s32 @p2 $0x1  }
0x17: {  	s4 =	simm.s32 $0x1BF5;
	[smem:$0x3FB0] =	sst s0  }
0x18: {  	s0 =	sld [smem:$0x3F93];
	_ =	swait.ge [sflag:s4], $0x0  }
0x19: {  	s7 =	sld [smem:$0x3F94]  }
0x1a: {  	s8 =	sadd.s32 $0xFFFFE003, lr  }
0x1b: {  	s9 =	sadd.s32 $0xFFFFFEF7, lr;
	s5 =	simm.s32 $0xFFFFFFFF;
	p2 =	slt.u32 s8, $0xFFFFF086  }
0x1c: {  	p1 =	slt.u32 s9, $0xF7A;
	s5 =	simm.s32 @!p2 $0x0  }
0x1d: {  	s5 =	simm.s32 @p1 $0x1;
	p0 =	seq.s32 s7, s2  }
0x1e: {  	s7 =	smul.u32 @!p0 $0xF7A, s2;
	p2 =	seq.s32 @!p0 s5, $0x0  }
0x1f: {  	s9 =	smul.u32 $0xF7A, s1;
	s8 =	simm.s32 @!p0 $0x1BF5;
	p2 =	por !p2, p0  }
0x20: {  	[sflag:s8] =	ssyncset.s32 @!p0 $0xFFFFF086;
	s6 =	sadd.s32 @!p0 s3, s7;
	s7 =	simm.s32 @!p0 $0x108  }
0x21: {  	s3 =	sadd.s32 s3, s9;
	s6 =	sadd.s32 @!p0 $0x88, s6;
	s7 =	simm.s32 @p2 $0x1082  }
0x22: {  	[simem:s7], [sflag:s8] =	dma.local @!p0 [hbm:s6], $0xF7A  }
0x23: {  	s9 =	sor.u32 $0xD0000000, s2;
	s6 =	simm.s32 $0x108;
	_ =	swait.ge @!p0 [sflag:s8], $0x0  }
0x24: {  	s3 =	sadd.s32 $0x88, s3;
	s6 =	simm.s32 @!p1 $0x1082;
	[sflag:s4] =	ssyncset.s32 $0xFFFFF086  }
0x25: {  	[simem:s6], [sflag:s4] =	dma.local [hbm:s3], $0xF7A  }
0x26: {  	[smem:$0x3F94] =	sst s1;
	(tag) =	ssettag s2;
	_ =	strace s9  }
0x27: {  	s1 =	sld [smem:$0x3FA4]  }
0x28: {  	s2 =	sld [smem:$0x3FA5]  }
0x29: {  	s4 =	sld [smem:$0x3FA7]  }
0x2a: {  	p0 =	seq.s32 s5, $0x0;
	s5 =	sld [smem:$0x3FA8]  }
0x2b: {  	s6 =	sld [smem:$0x3FA9]  }
0x2c: {  	s7 =	sld [smem:$0x3FAA]  }
0x2d: {  	s3 =	simm.s32 $0x108;
	s8 =	sld [smem:$0x3FAB]  }
0x2e: {  	s3 =	simm.s32 @!p0 $0x1082;
	s9 =	sld [smem:$0x3FAC]  }
0x2f: {  	lr =	sadd.s32 s0, s3;
	s0 =	sld [smem:$0x3FA3]  }
0x30: {  	s3 =	sld [smem:$0x3FA6]  }
0x31: {  	[smem:$0x3FAF] =	sst s10  }
0x32: {  	s10 =	sld [smem:$0x3FAD];
	_ =	sdelay $0x3  }
0x33: {  	p0 =	seq.s32 s10, $0x1;
	s10 =	sld [smem:$0x3FAF];
	_ =	sdelay $0x3  }
0x34: {  	[smem:$0x3FAF] =	sst s10  }
0x35: {  	s10 =	sld [smem:$0x3FAE];
	_ =	sdelay $0x3  }
0x36: {  	p1 =	seq.s32 s10, $0x1;
	s10 =	sld [smem:$0x3FAF];
	_ =	sdelay $0x3  }
0x37: {  	[smem:$0x3FAF] =	sst s10  }
0x38: {  	s10 =	sld [smem:$0x3FB0]  }
0x39: {  	_ = 	snop;
	(pc) =	sbr.ind lr, $3  }
0x3a: {  	_ = 	snop  }
0x3b: {  	_ = 	snop  }
0x3c: {  	p2 =	seq.s32 s10, $0x1;
	s10 =	sld [smem:$0x3FAF]  }
0x3d: {  	_ =	shalt  }
0x3e: {  	_ =	shalt  }
0x3f: {  	_ =	shalt  }
0x40: {  	_ =	shalt  }
0x41: {  	_ =	shalt  }
0x42: {  	_ =	shalt  }
0x43: {  	_ =	shalt  }
0x44: {  	_ =	shalt  }
0x45: {  	_ =	shalt  }
0x46: {  	_ =	shalt  }
0x47: {  	_ =	shalt  }
0x48: {  	_ =	shalt  }
0x49: {  	_ =	shalt  }
0x4a: {  	_ =	shalt  }
0x4b: {  	_ =	shalt  }
0x4c: {  	_ =	shalt  }
0x4d: {  	_ =	shalt  }
0x4e: {  	_ =	shalt  }
0x4f: {  	_ =	shalt  }
0x50: {  	_ =	shalt  }
0x51: {  	_ =	shalt  }
0x52: {  	_ =	shalt  }
0x53: {  	_ =	shalt  }
0x54: {  	_ =	shalt  }
0x55: {  	_ =	shalt  }
0x56: {  	_ =	shalt  }
0x57: {  	_ =	shalt  }
0x58: {  	_ =	shalt  }
0x59: {  	_ =	shalt  }
0x5a: {  	_ =	shalt  }
0x5b: {  	_ =	shalt  }
0x5c: {  	_ =	shalt  }
0x5d: {  	_ =	shalt  }
0x5e: {  	_ =	shalt  }
0x5f: {  	_ =	shalt  }
0x60: {  	_ =	shalt  }
0x61: {  	_ =	shalt  }
0x62: {  	_ =	shalt  }
0x63: {  	_ =	shalt  }
0x64: {  	_ =	shalt  }
0x65: {  	_ =	shalt  }
0x66: {  	_ =	shalt  }
0x67: {  	_ =	shalt  }
0x68: {  	_ =	shalt  }
0x69: {  	_ =	shalt  }
0x6a: {  	_ =	shalt  }
0x6b: {  	_ =	shalt  }
0x6c: {  	_ =	shalt  }
0x6d: {  	_ =	shalt  }
0x6e: {  	_ =	shalt  }
0x6f: {  	_ =	shalt  }
0x70: {  	_ =	shalt  }
0x71: {  	_ =	shalt  }
0x72: {  	_ =	shalt  }
0x73: {  	_ =	shalt  }
0x74: {  	_ =	shalt  }
0x75: {  	_ =	shalt  }
0x76: {  	_ =	shalt  }
0x77: {  	_ =	shalt  }
0x78: {  	_ =	shalt  }
0x79: {  	_ =	shalt  }
0x7a: {  	_ =	shalt  }
0x7b: {  	_ =	shalt  }
0x7c: {  	_ =	shalt  }
0x7d: {  	_ =	shalt  }
0x7e: {  	_ =	shalt  }
0x7f: {  	_ =	shalt  }
0x80: {  	_ =	shalt  }
0x81: {  	_ =	shalt  }
0x82: {  	_ =	shalt  }
0x83: {  	_ =	shalt  }
0x84: {  	_ =	shalt  }
0x85: {  	_ =	shalt  }
0x86: {  	_ =	shalt  }
0x87: {  	_ =	shalt  }
.Lfunc_end0:
.L_simem_size_0:
called_computation.1_lowered:
.L_overlay_start_0:
0x88: {  	s2 =	sld [smem:$0x3FD9]  }
0x89: {  	s3 =	sld [smem:$0x3FFE];
	_ =	sdelay $0x1  }
0x8a: {  	s1 =	srdreg.scid  }
0x8b: {  	s0 =	sand.u32 $0x1, s1  }
0x8c: {  	s17 =	sshll.u32 s0, $0xA;
	s2 =	sadd.s32 s3, s2  }
0x8d: {  	s2 =	sadd.s32 s2, s17  }
0x8e: {  	[smem:$0x3FBB] =	sst s2  }
0x8f: {  	_ = 	snop  }
0x90: {  	s2 =	sld [smem:$0x3FD0];
	(tm) =	ssettm $0x1  }
0x91: {  	s18 =	sld [smem:$0x3FFB];
	_ =	sdelay $0x3  }
0x92: {  	_ =	strace s18  }
0x93: {  	s3 =	sld [smem:$0x3FFC];
	_ =	sdelay $0x3  }
0x94: {  	_ =	strace s3  }
0x95: {  	s3 =	sld [smem:$0x3FFD];
	_ =	sdelay $0x3  }
0x96: {  	_ =	strace s3  }
0x97: {  	_ =	strace $0x8FFFFFFF  }
0x98: {  	s19 =	sld [smem:$0x3FDB];
	_ =	sdelay $0x1  }
0x99: {  	s4 =	simm.s32 $_scs_section_size  }
0x9a: {  	s5 =	simm.s32 $_size__tile_overlayer_lowered;
	s6 =	simm.s32 $_tile_overlayer_lowered  }
0x9b: {  	s22 =	simm.s32 $0x1BFF;
	s21 =	sshll.u32 s6, $0x1;
	s3 =	sadd.s32 s4, s19  }
0x9c: {  	s7 =	simm.s32 $0x0;
	s20 =	sshll.u32 s5, $0x1;
	s5 =	sadd.s32 s21, s3  }
0x9d: {  	[timem:s7], [sflag:s22] =	dma.local [hbm:s5], s20  }
0x9e: {  	_ =	swait.ge [sflag:s22], s20  }
0x9f: {  	s4 =	ssub.s32 $0x0, s20;
	[sflag:s22] =	ssyncset.done $0x0  }
0xa0: {  	[sflag:s22] =	ssyncadd.s32 s4;
	_ =	sdelay $0x1  }
0xa1: {  	s23 =	simm.s32 $0x1B8B  }
0xa2: {  	_ =	swait.ge [sflag:s23], $0x1  }
0xa3: {  	[sflag:s23] =	ssyncset.done $0x0  }
0xa4: {  	s25 =	simm.s32 $0x1B8E;
	s24 =	sld [smem:$0x3FFE];
	[sflag:s23] =	ssyncadd.s32 $0xFFFFFFFF  }
0xa5: {  	s26 =	simm.s32 $execute0_lowered;
	[smem:$0x3FD2] =	sst s25  }
0xa6: {  	s5 =	sshll.u32 s26, $0x1;
	_ =	strace $0x80000049;
	[dreg:$0x1] =	wrdreg $0xFFFFFFFF  }
0xa7: {  	s28 =	simm.s32 $_size_execute0_lowered;
	s3 =	sadd.s32 s3, s5;
	[dreg:$0x0] =	wrdreg $0x0  }
0xa8: {  	s5 =	sshll.u32 s28, $0x1;
	[dreg:$0x2] =	wrdreg s3  }
0xa9: {  	[dreg:$0x3] =	wrdreg s5  }
0xaa: {  	[dreg:$0x4] =	wrdreg $0xC0  }
0xab: {  	_ =	task [dreg:s7], $0x5FFFF  }
0xac: {  	[dreg:$0x1] =	wrdreg $0xFFFFFFFF  }
0xad: {  	[dreg:$0x0] =	wrdreg $0x60  }
0xae: {  	[dreg:$0x2] =	wrdreg s24  }
0xaf: {  	[dreg:$0x3] =	wrdreg s2  }
0xb0: {  	[dreg:$0x4] =	wrdreg $0x74800  }
0xb1: {  	[dreg:$0x5] =	wrdreg $0x174800  }
0xb2: {  	[dreg:$0x6] =	wrdreg $0x9  }
0xb3: {  	_ =	task.clear_ibuf [dreg:s7], $0x7FFFF;
	_ =	strace $0x90000049  }
0xb4: {  	s29 =	simm.s32 $0x9;
	_ =	strace $0x8000004B  }
0xb5: {  	_ =	swait.ge [sflag:s29], $0x1  }
0xb6: {  	[sflag:s29] =	ssyncadd.s32 $0xFFFFFFFF  }
0xb7: {  	_ =	strace $0x9000004B  }
0xb8: {  	_ =	sfence  }
0xb9: {  	s30 =	sld [smem:$0x0];
	_ =	sdelay $0x2  }
0xba: {  	s31 =	sshll.u32 s1, $0xD;
	s1 =	sshrl.u32 s1, $0x2  }
0xbb: {  	s3 =	sand.u32 $0x4000, s31;
	s1 =	sadd.s32 s1, s30  }
0xbc: {  	s0 =	sor.u32 s3, s0;
	s1 =	sshll.u32 s1, $0x11  }
0xbd: {  	s0 =	sor.u32 s1, s0  }
0xbe: {  	s0 =	sadd.s32 $0x8F2B, s0  }
0xbf: {  	[sflag:s0] =	ssyncadd.remote.s32 $0x1  }
0xc0: {  	_ =	sfence.sel $0xFFFF  }
0xc1: {  	[dreg:$0x0] =	wrdreg $0xFFFFFFFF;
	(pc) =	sbr.abs _section_cstart, $3  }
0xc2: {  	[dreg:$0x1] =	wrdreg $0xFFFFFFFF  }
0xc3: {  	_ =	task.clear_ibuf [dreg:s7], $0x2FFFF;
	_ =	strace $0x9FFFFFFF  }
0xc4: {  	(tm) =	ssettm $0x7FFFFFFF  }
0xc5: {  	_ =	shalt  }
tec
execute0_lowered:
.L_overlay_start_1:
0x0: {  	(tag) =	ssettag $0x1  }
0x1: {  	s0 =	rddreg [dreg:$0x0]  }
0x2: {  	s3 =	rddreg [dreg:$0x1];
	s2 =	srdreg.scid  }
0x3: {  	s1 =	rddreg [dreg:$0x2];
	s21 =	stileid.u32  }
0x4: {  	s4 =	simm.s32 $0x0;
	s28 =	simm.s32 $0x3;
	s29 =	simm.s32 $0x2  }
0x5: {  	s30 =	simm.s32 $0x2A00;
	s31 =	simm.s32 $0x5;
	s14 =	smul.u32 $0xF800, s21  }
0x6: {  	s6 =	sand.u32 $0x1, s2;
	s2 =	rddreg [dreg:$0x3];
	s20 =	smul.u32 $0x1F0, s21  }
0x7: {  	[smem:$0x7FF] =	sst s4;
	s9 =	sadd.s32 $0xB4600, s0;
	s25 =	smul.u32 $0xFA0, s21  }
0x8: {  	s10 =	sadd.s32 $0x65800, s0;
	s12 =	sadd.s32 $0x3600, s0;
	s8 =	smul.u32 $0x1F40, s6  }
0x9: {  	p0 =	sne.s32 s21, $0x0;
	s5 =	sshll.u32 s6, $0x4;
	s11 =	smul.u32 $0xFA000, s6  }
0xa: {  	s13 =	ssub.s32 $0x2, s6;
	s6 =	smul.u32 $0xFA00, s6;
	s5 =	sor.u32 s21, s5  }
0xb: {  	_ =	strace $0x8000004A;
	s15 =	sshrl.u32 s13, $0x1;
	s7 =	smul.u32 $0xFA0, s5  }
0xc: {  	s5 =	sadd.s32 $0x17600, s0;
	s13 =	ssub.s32 s13, s15;
	s14 =	sadd.s32 s14, s11  }
0xd: {  	s22 =	sadd.s32 s20, s8;
	s11 =	sshrl.u32 s11, $0x3;
	s8 =	sshrl.u32 s8, $0x3  }
0xe: {  	s14 =	sshrl.u32 s14, $0x3;
	s23 =	sshrl.u32 s22, $0x3;
	s22 =	sadd.s32 $0x17000, s0  }
0xf: {  	s7 =	sshrl.u32 s7, $0x3;
	s14 =	sadd.s32 s10, s14;
	[dreg:$0xf] =	wrdreg s22  }
0x10: {  	s6 =	sadd.s32 s25, s6;
	s18 =	sadd.s32 s9, s7;
	[dreg:$0x7] =	wrdreg s14  }
0x11: {  	s25 =	sshll.u32 s21, $0x9;
	s19 =	sadd.s32 s3, s7;
	[dreg:$0x5] =	wrdreg s18  }
0x12: {  	s8 =	sadd.s32 s12, s8;
	s14 =	sadd.s32 s12, s23;
	[dreg:$0x6] =	wrdreg s19  }
0x13: {  	s10 =	sadd.s32 s10, s11;
	s23 =	sadd.s32 $0x3400, s0;
	[dreg:$0x8] =	wrdreg s14  }
0x14: {  	s24 =	sadd.s32 $0xA, s7;
	s0 =	sadd.s32 $0x17400, s0;
	[dreg:$0x10] =	wrdreg s23  }
0x15: {  	s15 =	sadd.s32 $0x14, s7;
	s12 =	sadd.s32 $0x3E0, s8;
	[dreg:$0x11] =	wrdreg s0  }
0x16: {  	s7 =	sadd.s32 $0x1EA, s7;
	s26 =	sadd.s32 s9, s24;
	[dreg:$0x15] =	wrdreg s12  }
0x17: {  	s8 =	simm.s32 $0x0;
	s11 =	sadd.s32 s3, s24;
	[dreg:$0x9] =	wrdreg s26  }
0x18: {  	s16 =	sadd.s32 s9, s15;
	s17 =	sadd.s32 s3, s15;
	[dreg:$0xa] =	wrdreg s11  }
0x19: {  	s18 =	sadd.s32 $0x140, s6;
	s19 =	sadd.s32 s9, s7;
	[dreg:$0xb] =	wrdreg s16  }
0x1a: {  	s6 =	sadd.s32 $0xF0, s6;
	s7 =	sadd.s32 s3, s7;
	[dreg:$0xc] =	wrdreg s17  }
0x1b: {  	s24 =	smul.u32 $0x3E000, s21;
	s0 =	sadd.s32 s25, s2;
	[dreg:$0xd] =	wrdreg s19  }
0x1c: {  	s14 =	smax.u32 s13, $0x1;
	s15 =	sadd.s32 $0x1F00, s2;
	[dreg:$0xe] =	wrdreg s7  }
0x1d: {  	s12 =	simm.s32 $0x5200;
	s13 =	simm.s32 $0x9;
	[dreg:$0x12] =	wrdreg s0  }
0x1e: {  	s11 =	sshrl.u32 s18, $0x3;
	s6 =	sshrl.u32 s6, $0x3;
	[dreg:$0x17] =	wrdreg s14  }
0x1f: {  	s26 =	sshll.u32 s21, $0x10;
	[dreg:$0x1a] =	wrdreg s15;
	s14 =	simm.s32 $0x7200  }
0x20: {  	s17 =	sadd.s32 s11, s9;
	s19 =	sadd.s32 s6, s9;
	s9 =	sadd.s32 s20, s2  }
0x21: {  	s16 =	sadd.s32 s11, s3;
	s11 =	sadd.s32 $0x1F000, s10;
	[dreg:$0x13] =	wrdreg s9  }
0x22: {  	s18 =	sadd.s32 s6, s3;
	s6 =	sadd.s32 s26, s1;
	[dreg:$0x14] =	wrdreg s11  }
0x23: {  	s15 =	simm.s32 $0x7280;
	s20 =	sadd.s32 $0x2000, s6;
	[dreg:$0x16] =	wrdreg s6  }
0x24: {  	s7 =	sshrl.u32 s24, $0x2;
	s21 =	sadd.s32 $0x4000, s6;
	[dreg:$0x1b] =	wrdreg s20  }
0x25: {  	s3 =	sadd.s32 $0xF8000, s1;
	s22 =	sadd.s32 $0x6000, s6;
	[dreg:$0x1c] =	wrdreg s21  }
0x26: {  	s0 =	sadd.s32 s7, s1;
	s23 =	sadd.s32 $0x8000, s6;
	[dreg:$0x1d] =	wrdreg s22  }
0x27: {  	s24 =	sadd.s32 $0xA000, s6;
	s25 =	sadd.s32 $0xC000, s6;
	[dreg:$0x1e] =	wrdreg s23  }
0x28: {  	s26 =	sadd.s32 $0xE000, s6;
	s6 =	simm.s32 $0x6;
	[dreg:$0x1f] =	wrdreg s24  }
0x29: {  	s7 =	simm.s32 $0x8;
	s0 =	sshrl.u32 s0, $0x3;
	[smem:$0x7FC] =	sst s25  }
0x2a: {  	[smem:$0x7FD] =	sst s26;
	s20 =	simm.s32 $0x80;
	s21 =	simm.s32 $0x1  }
0x2b: {  	s22 =	simm.s32 $0x50;
	s23 =	simm.s32 $0x100;
	s25 =	simm.s32 $0x2900  }
0x2c: {  	s26 =	simm.s32 $0x2980;
	[dreg:$0x18] =	wrdreg s0;
	s0 =	sshrl.u32 @!p0 s3, $0x3  }
0x2d: {  	s3 =	simm.s32 $0x4;
	[dreg:$0x19] =	wrdreg s0;
	s0 =	simm.s32 $0x7  }
.LBB2_1:
0x2e: {  	s9 =	rddreg [dreg:$0xf]  }
0x2f: {  	[tilespmem:s12], [sflag:$0x9] =	stream.linear.gather [hbm4b:s9+s4], $0x2000, $0x38;
	[tilespmem:$0x17680] =	vst v63  }
0x30: {  	_ =	swait.ge [sflag:s13], $0x2000  }
0x31: {  	[sflag:s13] =	ssyncset.done $0x0  }
0x32: {  	s10 =	rddreg [dreg:$0x11];
	[sflag:s13] =	ssyncadd.s32 $0xFFFFE000  }
0x33: {  	[tilespmem:s14], [sflag:$0x9] =	stream.linear.gather [hbm4b:s10+s4], $0x80, $0x38;
	[tilespmem:$0x17680] =	vst v63  }
0x34: {  	_ =	swait.ge [sflag:s13], $0x80  }
0x35: {  	[sflag:s13] =	ssyncset.done $0x0  }
0x36: {  	s11 =	rddreg [dreg:$0x10];
	[sflag:s13] =	ssyncadd.s32 $0xFFFFFF80  }
0x37: {  	[tilespmem:s15], [sflag:$0x9] =	stream.linear.gather [hbm4b:s11+s4], $0x200, $0x38;
	[tilespmem:$0x17680] =	vst v63  }
0x38: {  	_ =	swait.ge [sflag:s13], $0x200  }
0x39: {  	[sflag:s13] =	ssyncset.done $0x0  }
0x3a: {  	s24 =	rddreg [dreg:$0x12];
	[sflag:s13] =	ssyncadd.s32 $0xFFFFFE00  }
0x3b: {  	[spmem:s24] =	stream.linear.scatter [tilespmem:s15], [sflag:$0x9], $0x200, $0x38;
	[tilespmem:$0x17680] =	vst v63  }
0x3c: {  	_ =	swait.ge [sflag:s13], $0x200  }
0x3d: {  	[sflag:s13] =	ssyncset.done $0x0  }
0x3e: {  	s10 =	rddreg [dreg:$0x16];
	[sflag:s13] =	ssyncadd.s32 $0xFFFFFE00  }
0x3f: {  	[spmem:s10] =	stream.linear.scatter [tilespmem:s12], [sflag:$0x9], $0x2000, $0x38;
	[tilespmem:$0x17680] =	vst v63  }
0x40: {  	_ =	swait.ge [sflag:s13], $0x2000  }
0x41: {  	[sflag:s13] =	ssyncset.done $0x0  }
0x42: {  	s11 =	rddreg [dreg:$0x1b];
	[sflag:s13] =	ssyncadd.s32 $0xFFFFE000  }
0x43: {  	[spmem:s11] =	stream.linear.scatter [tilespmem:s12], [sflag:$0x9], $0x2000, $0x38;
	[tilespmem:$0x17680] =	vst v63  }
0x44: {  	_ =	swait.ge [sflag:s13], $0x2000  }
0x45: {  	[sflag:s13] =	ssyncset.done $0x0  }
0x46: {  	s24 =	rddreg [dreg:$0x1c];
	[sflag:s13] =	ssyncadd.s32 $0xFFFFE000  }
0x47: {  	[spmem:s24] =	stream.linear.scatter [tilespmem:s12], [sflag:$0x9], $0x2000, $0x38;
	[tilespmem:$0x17680] =	vst v63  }
0x48: {  	_ =	swait.ge [sflag:s13], $0x2000  }
0x49: {  	[sflag:s13] =	ssyncset.done $0x0  }
0x4a: {  	s10 =	rddreg [dreg:$0x1d];
	[sflag:s13] =	ssyncadd.s32 $0xFFFFE000  }
0x4b: {  	[spmem:s10] =	stream.linear.scatter [tilespmem:s12], [sflag:$0x9], $0x2000, $0x38;
	[tilespmem:$0x17680] =	vst v63  }
0x4c: {  	_ =	swait.ge [sflag:s13], $0x2000  }
0x4d: {  	[sflag:s13] =	ssyncset.done $0x0  }
0x4e: {  	s11 =	rddreg [dreg:$0x1e];
	[sflag:s13] =	ssyncadd.s32 $0xFFFFE000  }
0x4f: {  	[spmem:s11] =	stream.linear.scatter [tilespmem:s12], [sflag:$0x9], $0x2000, $0x38;
	[tilespmem:$0x17680] =	vst v63  }
0x50: {  	_ =	swait.ge [sflag:s13], $0x2000  }
0x51: {  	[sflag:s13] =	ssyncset.done $0x0  }
0x52: {  	s24 =	rddreg [dreg:$0x1f];
	[sflag:s13] =	ssyncadd.s32 $0xFFFFE000  }
0x53: {  	[spmem:s24] =	stream.linear.scatter [tilespmem:s12], [sflag:$0x9], $0x2000, $0x38;
	[tilespmem:$0x17680] =	vst v63  }
0x54: {  	_ =	swait.ge [sflag:s13], $0x2000  }
0x55: {  	s10 =	sld [smem:$0x7FC]  }
0x56: {  	[sflag:s13] =	ssyncset.done $0x0  }
0x57: {  	[sflag:s13] =	ssyncadd.s32 $0xFFFFE000  }
0x58: {  	[spmem:s10] =	stream.linear.scatter [tilespmem:s12], [sflag:$0x9], $0x2000, $0x38;
	[tilespmem:$0x17680] =	vst v63  }
0x59: {  	_ =	swait.ge [sflag:s13], $0x2000  }
0x5a: {  	s11 =	sld [smem:$0x7FD]  }
0x5b: {  	[sflag:s13] =	ssyncset.done $0x0  }
0x5c: {  	[sflag:s13] =	ssyncadd.s32 $0xFFFFE000  }
0x5d: {  	[spmem:s11] =	stream.linear.scatter [tilespmem:s12], [sflag:$0x9], $0x2000, $0x38;
	[tilespmem:$0x17680] =	vst v63  }
0x5e: {  	_ =	swait.ge [sflag:s13], $0x2000  }
0x5f: {  	[sflag:s13] =	ssyncset.done $0x0  }
0x60: {  	[sflag:s13] =	ssyncadd.s32 $0xFFFFE000  }
0x61: {  	[bflag:$0x0] =	sbarrier.arrive $0xFFFF  }
0x62: {  	s24 =	rddreg [dreg:$0x5]  }
0x63: {  	[tilespmem:s4], [sflag:$0x1] =	stream.linear.gather [hbm4b:s24+s4], $0x50, $0x38;
	[tilespmem:$0x17680] =	vst v63  }
0x64: {  	s10 =	rddreg [dreg:$0x6]  }
0x65: {  	[tilespmem:s20], [sflag:$0x1] =	stream.linear.gather [hbm4b:s10+s4], $0x50, $0x38;
	[tilespmem:$0x17680] =	vst v63  }
0x66: {  	_ =	swait.ge [sflag:s21], $0x50  }
0x67: {  	[sflag:s21] =	ssyncset.done $0x0  }
0x68: {  	[sflag:s21] =	ssyncadd.s32 $0xFFFFFFB0  }
0x69: {  	_ =	swait.ge [sflag:s21], $0x50  }
0x6a: {  	[sflag:s21] =	ssyncset.done $0x0  }
0x6b: {  	[sflag:s21] =	ssyncadd.s32 $0xFFFFFFB0  }
0x6c: {  	[tilespmem:s23], [sflag:$0x3] =	stream.indirect.gather [hbm4b:s5+s22], $0x80, s4, s22, $0xb8;
	[tilespmem:$0x17680] =	vst v63  }
0x6d: {  	s11 =	rddreg [dreg:$0x9]  }
0x6e: {  	[tilespmem:s25], [sflag:$0x2] =	stream.linear.gather [hbm4b:s11+s4], $0x50, $0x38;
	[tilespmem:$0x17680] =	vst v63  }
0x6f: {  	s24 =	rddreg [dreg:$0xa]  }
0x70: {  	[tilespmem:s26], [sflag:$0x2] =	stream.linear.gather [hbm4b:s24+s4], $0x50, $0x38;
	[tilespmem:$0x17680] =	vst v63  }
0x71: {  	_ =	swait.ge [sflag:s28], $0x2800  }
0x72: {  	[sflag:s28] =	ssyncset.done $0x0  }
0x73: {  	[sflag:s28] =	ssyncadd.s32 $0xFFFFD800  }
0x74: {  	[spmem:s1] =	stream.indirect.scatter.add.f32 [tilespmem:s23], [sflag:$0x5], $0x80, s20, s22, $0xb8;
	[tilespmem:$0x17680] =	vst v63  }
0x75: {  	_ = 	snop  }
0x76: {  	[spmem:s2] =	stream.indirect.scatter.add.f32 [tilespmem:s14], [sflag:$0x7], $0x1, s20, s22, $0xb8;
	[tilespmem:$0x17680] =	vst v63  }
0x77: {  	_ =	swait.ge [sflag:s29], $0x50  }
0x78: {  	[sflag:s29] =	ssyncset.done $0x0  }
0x79: {  	[sflag:s29] =	ssyncadd.s32 $0xFFFFFFB0  }
0x7a: {  	_ =	swait.ge [sflag:s29], $0x50  }
0x7b: {  	[sflag:s29] =	ssyncset.done $0x0  }
0x7c: {  	[sflag:s29] =	ssyncadd.s32 $0xFFFFFFB0  }
0x7d: {  	[tilespmem:s30], [sflag:$0x4] =	stream.indirect.gather [hbm4b:s5+s22], $0x80, s25, s22, $0xb8;
	[tilespmem:$0x17680] =	vst v63  }
0x7e: {  	_ =	swait.ge [sflag:s31], $0x2800  }
0x7f: {  	[sflag:s31] =	ssyncset.done $0x0  }
0x80: {  	[sflag:s31] =	ssyncadd.s32 $0xFFFFD800  }
0x81: {  	_ =	swait.ge [sflag:s0], $0x50  }
0x82: {  	[sflag:s0] =	ssyncset.done $0x0  }
0x83: {  	s10 =	rddreg [dreg:$0xb];
	[sflag:s0] =	ssyncadd.s32 $0xFFFFFFB0  }
0x84: {  	[tilespmem:s4], [sflag:$0x1] =	stream.linear.gather [hbm4b:s10+s4], $0x50, $0x38;
	[tilespmem:$0x17680] =	vst v63  }
0x85: {  	s11 =	rddreg [dreg:$0xc]  }
0x86: {  	[tilespmem:s20], [sflag:$0x1] =	stream.linear.gather [hbm4b:s11+s4], $0x50, $0x38;
	[tilespmem:$0x17680] =	vst v63  }
0x87: {  	_ =	swait.ge [sflag:s3], $0x2800  }
0x88: {  	[sflag:s3] =	ssyncset.done $0x0  }
0x89: {  	[sflag:s3] =	ssyncadd.s32 $0xFFFFD800  }
0x8a: {  	[spmem:s1] =	stream.indirect.scatter.add.f32 [tilespmem:s30], [sflag:$0x6], $0x80, s26, s22, $0xb8;
	[tilespmem:$0x17680] =	vst v63  }
0x8b: {  	_ = 	snop  }
0x8c: {  	[spmem:s2] =	stream.indirect.scatter.add.f32 [tilespmem:s14], [sflag:$0x8], $0x1, s26, s22, $0xb8;
	[tilespmem:$0x17680] =	vst v63  }
0x8d: {  	_ =	swait.ge [sflag:s21], $0x50  }
0x8e: {  	[sflag:s21] =	ssyncset.done $0x0  }
0x8f: {  	[sflag:s21] =	ssyncadd.s32 $0xFFFFFFB0  }
0x90: {  	_ =	swait.ge [sflag:s21], $0x50  }
0x91: {  	[sflag:s21] =	ssyncset.done $0x0  }
0x92: {  	[sflag:s21] =	ssyncadd.s32 $0xFFFFFFB0  }
0x93: {  	[tilespmem:s23], [sflag:$0x3] =	stream.indirect.gather [hbm4b:s5+s22], $0x80, s4, s22, $0xb8;
	[tilespmem:$0x17680] =	vst v63  }
0x94: {  	_ =	swait.ge [sflag:s6], $0x2800  }
0x95: {  	[sflag:s6] =	ssyncset.done $0x0  }
0x96: {  	[sflag:s6] =	ssyncadd.s32 $0xFFFFD800  }
0x97: {  	_ =	swait.ge [sflag:s7], $0x50  }
0x98: {  	[sflag:s7] =	ssyncset.done $0x0  }
0x99: {  	s24 =	sadd.s32 $0x0, s19;
	[sflag:s7] =	ssyncadd.s32 $0xFFFFFFB0  }
0x9a: {  	[tilespmem:s25], [sflag:$0x2] =	stream.linear.gather [hbm4b:s24+s4], $0x50, $0x38;
	[tilespmem:$0x17680] =	vst v63  }
0x9b: {  	s10 =	sadd.s32 $0x0, s18  }
0x9c: {  	[tilespmem:s26], [sflag:$0x2] =	stream.linear.gather [hbm4b:s10+s4], $0x50, $0x38;
	[tilespmem:$0x17680] =	vst v63  }
0x9d: {  	_ =	swait.ge [sflag:s28], $0x2800  }
0x9e: {  	[sflag:s28] =	ssyncset.done $0x0  }
0x9f: {  	[sflag:s28] =	ssyncadd.s32 $0xFFFFD800  }
0xa0: {  	[spmem:s1] =	stream.indirect.scatter.add.f32 [tilespmem:s23], [sflag:$0x5], $0x80, s20, s22, $0xb8;
	[tilespmem:$0x17680] =	vst v63  }
0xa1: {  	_ = 	snop  }
0xa2: {  	[spmem:s2] =	stream.indirect.scatter.add.f32 [tilespmem:s14], [sflag:$0x7], $0x1, s20, s22, $0xb8;
	[tilespmem:$0x17680] =	vst v63  }
0xa3: {  	_ =	swait.ge [sflag:s29], $0x50  }
0xa4: {  	[sflag:s29] =	ssyncset.done $0x0  }
0xa5: {  	[sflag:s29] =	ssyncadd.s32 $0xFFFFFFB0  }
0xa6: {  	_ =	swait.ge [sflag:s29], $0x50  }
0xa7: {  	[sflag:s29] =	ssyncset.done $0x0  }
0xa8: {  	[sflag:s29] =	ssyncadd.s32 $0xFFFFFFB0  }
0xa9: {  	[tilespmem:s30], [sflag:$0x4] =	stream.indirect.gather [hbm4b:s5+s22], $0x80, s25, s22, $0xb8;
	[tilespmem:$0x17680] =	vst v63  }
0xaa: {  	_ =	swait.ge [sflag:s31], $0x2800  }
0xab: {  	[sflag:s31] =	ssyncset.done $0x0  }
0xac: {  	[sflag:s31] =	ssyncadd.s32 $0xFFFFD800  }
0xad: {  	_ =	swait.ge [sflag:s0], $0x50  }
0xae: {  	[sflag:s0] =	ssyncset.done $0x0  }
0xaf: {  	s11 =	sadd.s32 $0x0, s17;
	[sflag:s0] =	ssyncadd.s32 $0xFFFFFFB0  }
0xb0: {  	[tilespmem:s4], [sflag:$0x1] =	stream.linear.gather [hbm4b:s11+s4], $0x50, $0x38;
	[tilespmem:$0x17680] =	vst v63  }
0xb1: {  	s24 =	sadd.s32 $0x0, s16  }
0xb2: {  	[tilespmem:s20], [sflag:$0x1] =	stream.linear.gather [hbm4b:s24+s4], $0x50, $0x38;
	[tilespmem:$0x17680] =	vst v63  }
0xb3: {  	_ =	swait.ge [sflag:s3], $0x2800  }
0xb4: {  	[sflag:s3] =	ssyncset.done $0x0  }
0xb5: {  	s9 =	simm.s32 $0x14;
	[sflag:s3] =	ssyncadd.s32 $0xFFFFD800  }
0xb6: {  	[spmem:s1] =	stream.indirect.scatter.add.f32 [tilespmem:s30], [sflag:$0x6], $0x80, s26, s22, $0xb8;
	[tilespmem:$0x17680] =	vst v63  }
.LBB2_2:
0xb7: {  	[spmem:s2] =	stream.indirect.scatter.add.f32 [tilespmem:s14], [sflag:$0x8], $0x1, s26, s22, $0xb8;
	[tilespmem:$0x17680] =	vst v63  }
0xb8: {  	s10 =	smov.u32 s9  }
0xb9: {  	p1 =	sne.s32 s9, $0x1B8;
	s9 =	sadd.s32 $0x14, s9;
	_ =	swait.ge [sflag:s21], $0x50  }
0xba: {  	[sflag:s21] =	ssyncset.done $0x0  }
0xbb: {  	[sflag:s21] =	ssyncadd.s32 $0xFFFFFFB0  }
0xbc: {  	_ =	swait.ge [sflag:s21], $0x50  }
0xbd: {  	[sflag:s21] =	ssyncset.done $0x0  }
0xbe: {  	[sflag:s21] =	ssyncadd.s32 $0xFFFFFFB0  }
0xbf: {  	[tilespmem:s23], [sflag:$0x3] =	stream.indirect.gather [hbm4b:s5+s22], $0x80, s4, s22, $0xb8;
	[tilespmem:$0x17680] =	vst v63  }
0xc0: {  	_ =	swait.ge [sflag:s6], $0x2800  }
0xc1: {  	[sflag:s6] =	ssyncset.done $0x0  }
0xc2: {  	[sflag:s6] =	ssyncadd.s32 $0xFFFFD800  }
0xc3: {  	_ =	swait.ge [sflag:s7], $0x50  }
0xc4: {  	[sflag:s7] =	ssyncset.done $0x0  }
0xc5: {  	s11 =	sadd.s32 s10, s19;
	[sflag:s7] =	ssyncadd.s32 $0xFFFFFFB0  }
0xc6: {  	[tilespmem:s25], [sflag:$0x2] =	stream.linear.gather [hbm4b:s11+s4], $0x50, $0x38;
	[tilespmem:$0x17680] =	vst v63  }
0xc7: {  	s11 =	sadd.s32 s10, s18  }
0xc8: {  	[tilespmem:s26], [sflag:$0x2] =	stream.linear.gather [hbm4b:s11+s4], $0x50, $0x38;
	[tilespmem:$0x17680] =	vst v63  }
0xc9: {  	_ =	swait.ge [sflag:s28], $0x2800  }
0xca: {  	[sflag:s28] =	ssyncset.done $0x0  }
0xcb: {  	[sflag:s28] =	ssyncadd.s32 $0xFFFFD800  }
0xcc: {  	[spmem:s1] =	stream.indirect.scatter.add.f32 [tilespmem:s23], [sflag:$0x5], $0x80, s20, s22, $0xb8;
	[tilespmem:$0x17680] =	vst v63  }
0xcd: {  	_ = 	snop  }
0xce: {  	[spmem:s2] =	stream.indirect.scatter.add.f32 [tilespmem:s14], [sflag:$0x7], $0x1, s20, s22, $0xb8;
	[tilespmem:$0x17680] =	vst v63  }
0xcf: {  	_ =	swait.ge [sflag:s29], $0x50  }
0xd0: {  	[sflag:s29] =	ssyncset.done $0x0  }
0xd1: {  	[sflag:s29] =	ssyncadd.s32 $0xFFFFFFB0  }
0xd2: {  	_ =	swait.ge [sflag:s29], $0x50  }
0xd3: {  	[sflag:s29] =	ssyncset.done $0x0  }
0xd4: {  	[sflag:s29] =	ssyncadd.s32 $0xFFFFFFB0  }
0xd5: {  	[tilespmem:s30], [sflag:$0x4] =	stream.indirect.gather [hbm4b:s5+s22], $0x80, s25, s22, $0xb8;
	[tilespmem:$0x17680] =	vst v63  }
0xd6: {  	_ =	swait.ge [sflag:s31], $0x2800  }
0xd7: {  	[sflag:s31] =	ssyncset.done $0x0  }
0xd8: {  	[sflag:s31] =	ssyncadd.s32 $0xFFFFD800  }
0xd9: {  	_ =	swait.ge [sflag:s0], $0x50  }
0xda: {  	[sflag:s0] =	ssyncset.done $0x0  }
0xdb: {  	s11 =	sadd.s32 s10, s17;
	[sflag:s0] =	ssyncadd.s32 $0xFFFFFFB0  }
0xdc: {  	[tilespmem:s4], [sflag:$0x1] =	stream.linear.gather [hbm4b:s11+s4], $0x50, $0x38;
	[tilespmem:$0x17680] =	vst v63  }
0xdd: {  	s10 =	sadd.s32 s10, s16  }
0xde: {  	[tilespmem:s20], [sflag:$0x1] =	stream.linear.gather [hbm4b:s10+s4], $0x50, $0x38;
	[tilespmem:$0x17680] =	vst v63  }
.Ltmp0:
0xdf: {  	_ = 	snop;
	(pc) =	sbr.rel @p1 .LBB2_2-.Ltmp0, $4  }
0xe0: {  	_ =	swait.ge [sflag:s3], $0x2800  }
0xe1: {  	[sflag:s3] =	ssyncset.done $0x0  }
0xe2: {  	[sflag:s3] =	ssyncadd.s32 $0xFFFFD800  }
0xe3: {  	[spmem:s1] =	stream.indirect.scatter.add.f32 [tilespmem:s30], [sflag:$0x6], $0x80, s26, s22, $0xb8;
	[tilespmem:$0x17680] =	vst v63  }
0xe4: {  	[spmem:s2] =	stream.indirect.scatter.add.f32 [tilespmem:s14], [sflag:$0x8], $0x1, s26, s22, $0xb8;
	[tilespmem:$0x17680] =	vst v63  }
0xe5: {  	_ =	swait.ge [sflag:s21], $0x50  }
0xe6: {  	[sflag:s21] =	ssyncset.done $0x0  }
0xe7: {  	[sflag:s21] =	ssyncadd.s32 $0xFFFFFFB0  }
0xe8: {  	_ =	swait.ge [sflag:s21], $0x50  }
0xe9: {  	[sflag:s21] =	ssyncset.done $0x0  }
0xea: {  	[sflag:s21] =	ssyncadd.s32 $0xFFFFFFB0  }
0xeb: {  	[tilespmem:s23], [sflag:$0x3] =	stream.indirect.gather [hbm4b:s5+s22], $0x80, s4, s22, $0xb8;
	[tilespmem:$0x17680] =	vst v63  }
0xec: {  	_ =	swait.ge [sflag:s6], $0x2800  }
0xed: {  	[sflag:s6] =	ssyncset.done $0x0  }
0xee: {  	[sflag:s6] =	ssyncadd.s32 $0xFFFFD800  }
0xef: {  	_ =	swait.ge [sflag:s7], $0x50  }
0xf0: {  	[sflag:s7] =	ssyncset.done $0x0  }
0xf1: {  	s9 =	rddreg [dreg:$0xd];
	[sflag:s7] =	ssyncadd.s32 $0xFFFFFFB0  }
0xf2: {  	[tilespmem:s25], [sflag:$0x2] =	stream.linear.gather [hbm4b:s9+s4], $0x50, $0x38;
	[tilespmem:$0x17680] =	vst v63  }
0xf3: {  	s10 =	rddreg [dreg:$0xe]  }
0xf4: {  	[tilespmem:s26], [sflag:$0x2] =	stream.linear.gather [hbm4b:s10+s4], $0x50, $0x38;
	[tilespmem:$0x17680] =	vst v63  }
0xf5: {  	_ =	swait.ge [sflag:s28], $0x2800  }
0xf6: {  	[sflag:s28] =	ssyncset.done $0x0  }
0xf7: {  	[sflag:s28] =	ssyncadd.s32 $0xFFFFD800  }
0xf8: {  	[spmem:s1] =	stream.indirect.scatter.add.f32 [tilespmem:s23], [sflag:$0x5], $0x80, s20, s22, $0xb8;
	[tilespmem:$0x17680] =	vst v63  }
0xf9: {  	_ = 	snop  }
0xfa: {  	[spmem:s2] =	stream.indirect.scatter.add.f32 [tilespmem:s14], [sflag:$0x7], $0x1, s20, s22, $0xb8;
	[tilespmem:$0x17680] =	vst v63  }
0xfb: {  	_ =	swait.ge [sflag:s29], $0x50  }
0xfc: {  	[sflag:s29] =	ssyncset.done $0x0  }
0xfd: {  	[sflag:s29] =	ssyncadd.s32 $0xFFFFFFB0  }
0xfe: {  	_ =	swait.ge [sflag:s29], $0x50  }
0xff: {  	[sflag:s29] =	ssyncset.done $0x0  }
0x100: {  	[sflag:s29] =	ssyncadd.s32 $0xFFFFFFB0  }
0x101: {  	[tilespmem:s30], [sflag:$0x4] =	stream.indirect.gather [hbm4b:s5+s22], $0x80, s25, s22, $0xb8;
	[tilespmem:$0x17680] =	vst v63  }
0x102: {  	_ =	swait.ge [sflag:s31], $0x2800  }
0x103: {  	[sflag:s31] =	ssyncset.done $0x0  }
0x104: {  	[sflag:s31] =	ssyncadd.s32 $0xFFFFD800  }
0x105: {  	_ =	swait.ge [sflag:s0], $0x50  }
0x106: {  	[sflag:s0] =	ssyncset.done $0x0  }
0x107: {  	[sflag:s0] =	ssyncadd.s32 $0xFFFFFFB0  }
0x108: {  	_ =	swait.ge [sflag:s3], $0x2800  }
0x109: {  	[sflag:s3] =	ssyncset.done $0x0  }
0x10a: {  	[sflag:s3] =	ssyncadd.s32 $0xFFFFD800  }
0x10b: {  	[spmem:s1] =	stream.indirect.scatter.add.f32 [tilespmem:s30], [sflag:$0x6], $0x80, s26, s22, $0xb8;
	[tilespmem:$0x17680] =	vst v63  }
0x10c: {  	_ = 	snop  }
0x10d: {  	[spmem:s2] =	stream.indirect.scatter.add.f32 [tilespmem:s14], [sflag:$0x8], $0x1, s26, s22, $0xb8;
	[tilespmem:$0x17680] =	vst v63  }
0x10e: {  	_ =	swait.ge [sflag:s6], $0x2800  }
0x10f: {  	[sflag:s6] =	ssyncset.done $0x0  }
0x110: {  	[sflag:s6] =	ssyncadd.s32 $0xFFFFD800  }
0x111: {  	_ =	swait.ge [sflag:s7], $0x50  }
0x112: {  	[sflag:s7] =	ssyncset.done $0x0  }
0x113: {  	[sflag:s7] =	ssyncadd.s32 $0xFFFFFFB0  }
0x114: {  	s11 =	stileid.u32;
	[bflag:$0x0] =	sbarrier.arrive $0xFFFF  }
0x115: {  	s9 =	sshll.u32 s11, $0x6;
	s10 =	rddreg [dreg:$0x7]  }
0x116: {  	s9 =	sor.u32 $0x1C09, s9;
	s11 =	rddreg [dreg:$0x18]  }
0x117: {  	[hbm:s10], [sflag:s9] =	dma.local [spmem:s11], $0x1F00  }
0x118: {  	_ =	swait.ge [sflag:s13], $0x1F00  }
0x119: {  	[sflag:s13] =	ssyncset.done $0x0  }
0x11a: {  	s24 =	rddreg [dreg:$0x13];
	[sflag:s13] =	ssyncadd.s32 $0xFFFFE100  }
0x11b: {  	[tilespmem:s15], [sflag:$0x9] =	stream.linear.gather [spmem:s24], $0x1F0, $0x38;
	[tilespmem:$0x17680] =	vst v63  }
0x11c: {  	_ =	swait.ge [sflag:s13], $0x1F0  }
0x11d: {  	[sflag:s13] =	ssyncset.done $0x0  }
0x11e: {  	s11 =	rddreg [dreg:$0x8];
	[sflag:s13] =	ssyncadd.s32 $0xFFFFFE10  }
0x11f: {  	[hbm4b:s11+s4] =	stream.linear.scatter [tilespmem:s15], [sflag:$0x9], $0x1F0, $0x38;
	[tilespmem:$0x17680] =	vst v63  }
0x120: {  	_ =	swait.ge [sflag:s13], $0x1F0  }
0x121: {  	[sflag:s13] =	ssyncset.done $0x0;
	s10 =	rddreg [dreg:$0x14]  }
0x122: {  	s11 =	rddreg [dreg:$0x19];
	[sflag:s13] =	ssyncadd.s32 $0xFFFFFE10  }
0x123: {  	[hbm:s10], [sflag:s9] =	dma.local @!p0 [spmem:s11], $0x400  }
0x124: {  	s9 =	simm.s32 @!p0 $0x9  }
0x125: {  	_ =	swait.ge @!p0 [sflag:s9], $0x400  }
0x126: {  	[sflag:s9] =	ssyncset.done @!p0 $0x0  }
0x127: {  	s10 =	simm.s32 @!p0 $0x7280;
	s11 =	rddreg [dreg:$0x1a];
	[sflag:s9] =	ssyncadd.s32 @!p0 $0xFFFFFC00  }
0x128: {  	[tilespmem:s10], [sflag:$0x9] =	stream.linear.gather @!p0 [spmem:s11], $0x40, $0x38;
	[tilespmem:$0x17680] =	vst v63  }
0x129: {  	_ =	swait.ge @!p0 [sflag:s9], $0x40  }
0x12a: {  	[sflag:s9] =	ssyncset.done @!p0 $0x0  }
0x12b: {  	s11 =	simm.s32 @!p0 $0x0;
	s24 =	rddreg [dreg:$0x15];
	[sflag:s9] =	ssyncadd.s32 @!p0 $0xFFFFFFC0  }
0x12c: {  	[hbm4b:s24+s11] =	stream.linear.scatter @!p0 [tilespmem:s10], [sflag:$0x9], $0x40, $0x38;
	[tilespmem:$0x17680] =	vst v63  }
0x12d: {  	_ =	swait.ge @!p0 [sflag:s9], $0x40  }
0x12e: {  	s8 =	sadd.s32 $0x1, s8;
	s24 =	rddreg [dreg:$0x17]  }
0x12f: {  	p1 =	sne.s32 s8, s24  }
.Ltmp1:
0x130: {  	_ = 	snop;
	(pc) =	sbr.rel @p1 .LBB2_1-.Ltmp1, $3  }
0x131: {  	_ =	sdelay $0x1  }
0x132: {  	[sflag:s9] =	ssyncset.done @!p0 $0x0  }
0x133: {  	[sflag:s9] =	ssyncadd.s32 @!p0 $0xFFFFFFC0  }
0x134: {  	_ =	sfence.sel $0x180000  }
0x135: {  	[bflag:$0x0] =	sbarrier.arrive $0xFFFF  }
0x136: {  	_ =	strace $0x9000004A  }
0x137: {  	[bflag:$0x2] =	sbarrier.arrive $0xFFFF  }
0x138: {  	s0 =	rddreg [dreg:$0x4]  }
0x139: {  	s0 =	sadd.s32 @!p0 $0x100000, s0  }
0x13a: {  	[sflag:s0] =	ssyncadd.tile.s32 @!p0 $0x1;
	_ =	shalt  }
.Lfunc_end2:
_tile_overlayer_lowered:
.L_overlay_start_2:
0x13b: {  	(tag) =	ssettag $0x2  }
0x13c: {  	s0 =	rddreg [dreg:$0x0];
	s2 =	stileid.u32  }
0x13d: {  	s1 =	rddreg [dreg:$0x1];
	p0 =	sne.s32 s2, $0x0  }
0x13e: {  	s3 =	rddreg [dreg:$0x2];
	[bflag:$0x3] =	sbarrier.arrive $0xFFFF;
	s2 =	simm.s32 @!p0 $0x1C09  }
0x13f: {  	[timem:s3], [sflag:s2] =	dma.local @!p0 [hbm:s0], s1  }
0x140: {  	s0 =	simm.s32 @!p0 $0x9  }
0x141: {  	_ =	swait.ge @!p0 [sflag:s0], s1  }
0x142: {  	s1 =	ssub.s32 @!p0 $0x0, s1;
	[sflag:s0] =	ssyncset.done @!p0 $0x0  }
0x143: {  	[sflag:s0] =	ssyncadd.s32 @!p0 s1  }
0x144: {  	[bflag:$0x3] =	sbarrier.arrive $0xFFFF  }
0x145: {  	_ =	shalt  }

// kernel: kernel.14.cloned.1.call-start
scs
__scs_entry_jumppad:
0x0: {  	(pc) =	sbr.rel $0x88, $3  }
0x1: {  	(tag) =	ssettag $0x0;
	lr =	simm.s32 $0x1  }
0x2: {  	[smem:$0x3F94] =	sst lr;
	_ =	strace $0xD0000000  }
0x3: {  	_ = 	snop  }
0x4: {  	_ = 	snop  }
0x5: {  	_ = 	snop  }
0x6: {  	_ = 	snop  }
0x7: {  	_ = 	snop  }
__scs_overlays_trampoline_lowered:
0x8: {  	[smem:$0x3FA3] =	sst s0  }
0x9: {  	[smem:$0x3FA4] =	sst s1  }
0xa: {  	[smem:$0x3FA5] =	sst s2  }
0xb: {  	[smem:$0x3FA6] =	sst s3  }
0xc: {  	[smem:$0x3FA7] =	sst s4  }
0xd: {  	[smem:$0x3FA8] =	sst s5  }
0xe: {  	[smem:$0x3FA9] =	sst s6  }
0xf: {  	[smem:$0x3FAA] =	sst s7  }
0x10: {  	[smem:$0x3FAB] =	sst s8  }
0x11: {  	[smem:$0x3FAC] =	sst s9;
	s0 =	simm.s32 @!p0 $0x0  }
0x12: {  	s1 =	sld [smem:$0x3F92];
	s0 =	simm.s32 @p0 $0x1  }
0x13: {  	[smem:$0x3FAD] =	sst s0;
	s0 =	simm.s32 @!p1 $0x0  }
0x14: {  	s2 =	sld [smem:$0x3F91];
	s0 =	simm.s32 @p1 $0x1  }
0x15: {  	[smem:$0x3FAE] =	sst s0;
	s0 =	simm.s32 @!p2 $0x0  }
0x16: {  	s3 =	sld [smem:$0x3FDB];
	s0 =	simm.s32 @p2 $0x1  }
0x17: {  	s4 =	simm.s32 $0x1BF5;
	[smem:$0x3FB0] =	sst s0  }
0x18: {  	s0 =	sld [smem:$0x3F93];
	_ =	swait.ge [sflag:s4], $0x0  }
0x19: {  	s7 =	sld [smem:$0x3F94]  }
0x1a: {  	s8 =	sadd.s32 $0xFFFFE003, lr  }
0x1b: {  	s9 =	sadd.s32 $0xFFFFFEF7, lr;
	s5 =	simm.s32 $0xFFFFFFFF;
	p2 =	slt.u32 s8, $0xFFFFF086  }
0x1c: {  	p1 =	slt.u32 s9, $0xF7A;
	s5 =	simm.s32 @!p2 $0x0  }
0x1d: {  	s5 =	simm.s32 @p1 $0x1;
	p0 =	seq.s32 s7, s2  }
0x1e: {  	s7 =	smul.u32 @!p0 $0xF7A, s2;
	p2 =	seq.s32 @!p0 s5, $0x0  }
0x1f: {  	s9 =	smul.u32 $0xF7A, s1;
	s8 =	simm.s32 @!p0 $0x1BF5;
	p2 =	por !p2, p0  }
0x20: {  	[sflag:s8] =	ssyncset.s32 @!p0 $0xFFFFF086;
	s6 =	sadd.s32 @!p0 s3, s7;
	s7 =	simm.s32 @!p0 $0x108  }
0x21: {  	s3 =	sadd.s32 s3, s9;
	s6 =	sadd.s32 @!p0 $0x88, s6;
	s7 =	simm.s32 @p2 $0x1082  }
0x22: {  	[simem:s7], [sflag:s8] =	dma.local @!p0 [hbm:s6], $0xF7A  }
0x23: {  	s9 =	sor.u32 $0xD0000000, s2;
	s6 =	simm.s32 $0x108;
	_ =	swait.ge @!p0 [sflag:s8], $0x0  }
0x24: {  	s3 =	sadd.s32 $0x88, s3;
	s6 =	simm.s32 @!p1 $0x1082;
	[sflag:s4] =	ssyncset.s32 $0xFFFFF086  }
0x25: {  	[simem:s6], [sflag:s4] =	dma.local [hbm:s3], $0xF7A  }
0x26: {  	[smem:$0x3F94] =	sst s1;
	(tag) =	ssettag s2;
	_ =	strace s9  }
0x27: {  	s1 =	sld [smem:$0x3FA4]  }
0x28: {  	s2 =	sld [smem:$0x3FA5]  }
0x29: {  	s4 =	sld [smem:$0x3FA7]  }
0x2a: {  	p0 =	seq.s32 s5, $0x0;
	s5 =	sld [smem:$0x3FA8]  }
0x2b: {  	s6 =	sld [smem:$0x3FA9]  }
0x2c: {  	s7 =	sld [smem:$0x3FAA]  }
0x2d: {  	s3 =	simm.s32 $0x108;
	s8 =	sld [smem:$0x3FAB]  }
0x2e: {  	s3 =	simm.s32 @!p0 $0x1082;
	s9 =	sld [smem:$0x3FAC]  }
0x2f: {  	lr =	sadd.s32 s0, s3;
	s0 =	sld [smem:$0x3FA3]  }
0x30: {  	s3 =	sld [smem:$0x3FA6]  }
0x31: {  	[smem:$0x3FAF] =	sst s10  }
0x32: {  	s10 =	sld [smem:$0x3FAD];
	_ =	sdelay $0x3  }
0x33: {  	p0 =	seq.s32 s10, $0x1;
	s10 =	sld [smem:$0x3FAF];
	_ =	sdelay $0x3  }
0x34: {  	[smem:$0x3FAF] =	sst s10  }
0x35: {  	s10 =	sld [smem:$0x3FAE];
	_ =	sdelay $0x3  }
0x36: {  	p1 =	seq.s32 s10, $0x1;
	s10 =	sld [smem:$0x3FAF];
	_ =	sdelay $0x3  }
0x37: {  	[smem:$0x3FAF] =	sst s10  }
0x38: {  	s10 =	sld [smem:$0x3FB0]  }
0x39: {  	_ = 	snop;
	(pc) =	sbr.ind lr, $3  }
0x3a: {  	_ = 	snop  }
0x3b: {  	_ = 	snop  }
0x3c: {  	p2 =	seq.s32 s10, $0x1;
	s10 =	sld [smem:$0x3FAF]  }
0x3d: {  	_ =	shalt  }
0x3e: {  	_ =	shalt  }
0x3f: {  	_ =	shalt  }
0x40: {  	_ =	shalt  }
0x41: {  	_ =	shalt  }
0x42: {  	_ =	shalt  }
0x43: {  	_ =	shalt  }
0x44: {  	_ =	shalt  }
0x45: {  	_ =	shalt  }
0x46: {  	_ =	shalt  }
0x47: {  	_ =	shalt  }
0x48: {  	_ =	shalt  }
0x49: {  	_ =	shalt  }
0x4a: {  	_ =	shalt  }
0x4b: {  	_ =	shalt  }
0x4c: {  	_ =	shalt  }
0x4d: {  	_ =	shalt  }
0x4e: {  	_ =	shalt  }
0x4f: {  	_ =	shalt  }
0x50: {  	_ =	shalt  }
0x51: {  	_ =	shalt  }
0x52: {  	_ =	shalt  }
0x53: {  	_ =	shalt  }
0x54: {  	_ =	shalt  }
0x55: {  	_ =	shalt  }
0x56: {  	_ =	shalt  }
0x57: {  	_ =	shalt  }
0x58: {  	_ =	shalt  }
0x59: {  	_ =	shalt  }
0x5a: {  	_ =	shalt  }
0x5b: {  	_ =	shalt  }
0x5c: {  	_ =	shalt  }
0x5d: {  	_ =	shalt  }
0x5e: {  	_ =	shalt  }
0x5f: {  	_ =	shalt  }
0x60: {  	_ =	shalt  }
0x61: {  	_ =	shalt  }
0x62: {  	_ =	shalt  }
0x63: {  	_ =	shalt  }
0x64: {  	_ =	shalt  }
0x65: {  	_ =	shalt  }
0x66: {  	_ =	shalt  }
0x67: {  	_ =	shalt  }
0x68: {  	_ =	shalt  }
0x69: {  	_ =	shalt  }
0x6a: {  	_ =	shalt  }
0x6b: {  	_ =	shalt  }
0x6c: {  	_ =	shalt  }
0x6d: {  	_ =	shalt  }
0x6e: {  	_ =	shalt  }
0x6f: {  	_ =	shalt  }
0x70: {  	_ =	shalt  }
0x71: {  	_ =	shalt  }
0x72: {  	_ =	shalt  }
0x73: {  	_ =	shalt  }
0x74: {  	_ =	shalt  }
0x75: {  	_ =	shalt  }
0x76: {  	_ =	shalt  }
0x77: {  	_ =	shalt  }
0x78: {  	_ =	shalt  }
0x79: {  	_ =	shalt  }
0x7a: {  	_ =	shalt  }
0x7b: {  	_ =	shalt  }
0x7c: {  	_ =	shalt  }
0x7d: {  	_ =	shalt  }
0x7e: {  	_ =	shalt  }
0x7f: {  	_ =	shalt  }
0x80: {  	_ =	shalt  }
0x81: {  	_ =	shalt  }
0x82: {  	_ =	shalt  }
0x83: {  	_ =	shalt  }
0x84: {  	_ =	shalt  }
0x85: {  	_ =	shalt  }
0x86: {  	_ =	shalt  }
0x87: {  	_ =	shalt  }
.Lfunc_end0:
.L_simem_size_0:
called_computation.2_lowered:
.L_overlay_start_0:
0x88: {  	s2 =	sld [smem:$0x3FD9]  }
0x89: {  	s3 =	sld [smem:$0x3FFE];
	_ =	sdelay $0x1  }
0x8a: {  	s1 =	srdreg.scid  }
0x8b: {  	s0 =	sand.u32 $0x1, s1  }
0x8c: {  	s17 =	sshll.u32 s0, $0xA;
	s2 =	sadd.s32 s3, s2  }
0x8d: {  	s2 =	sadd.s32 s2, s17  }
0x8e: {  	[smem:$0x3FBB] =	sst s2  }
0x8f: {  	_ = 	snop  }
0x90: {  	s2 =	sld [smem:$0x3FD0];
	(tm) =	ssettm $0x1  }
0x91: {  	s18 =	sld [smem:$0x3FFB];
	_ =	sdelay $0x3  }
0x92: {  	_ =	strace s18  }
0x93: {  	s3 =	sld [smem:$0x3FFC];
	_ =	sdelay $0x3  }
0x94: {  	_ =	strace s3  }
0x95: {  	s3 =	sld [smem:$0x3FFD];
	_ =	sdelay $0x3  }
0x96: {  	_ =	strace s3  }
0x97: {  	_ =	strace $0x8FFFFFFF  }
0x98: {  	s19 =	sld [smem:$0x3FDB];
	_ =	sdelay $0x1  }
0x99: {  	s4 =	simm.s32 $_scs_section_size  }
0x9a: {  	s5 =	simm.s32 $_size__tile_overlayer_lowered;
	s6 =	simm.s32 $_tile_overlayer_lowered  }
0x9b: {  	s22 =	simm.s32 $0x1BFF;
	s21 =	sshll.u32 s6, $0x1;
	s3 =	sadd.s32 s4, s19  }
0x9c: {  	s7 =	simm.s32 $0x0;
	s20 =	sshll.u32 s5, $0x1;
	s5 =	sadd.s32 s21, s3  }
0x9d: {  	[timem:s7], [sflag:s22] =	dma.local [hbm:s5], s20  }
0x9e: {  	_ =	swait.ge [sflag:s22], s20  }
0x9f: {  	s4 =	ssub.s32 $0x0, s20;
	[sflag:s22] =	ssyncset.done $0x0  }
0xa0: {  	[sflag:s22] =	ssyncadd.s32 s4;
	_ =	sdelay $0x1  }
0xa1: {  	s23 =	simm.s32 $0x1B8B  }
0xa2: {  	_ =	swait.ge [sflag:s23], $0x1  }
0xa3: {  	[sflag:s23] =	ssyncset.done $0x0  }
0xa4: {  	s25 =	simm.s32 $0x1B8E;
	s24 =	sld [smem:$0x3FFE];
	[sflag:s23] =	ssyncadd.s32 $0xFFFFFFFF  }
0xa5: {  	s26 =	simm.s32 $execute0_lowered;
	[smem:$0x3FD2] =	sst s25  }
0xa6: {  	s5 =	sshll.u32 s26, $0x1;
	_ =	strace $0x8000004C;
	[dreg:$0x1] =	wrdreg $0xFFFFFFFF  }
0xa7: {  	s28 =	simm.s32 $_size_execute0_lowered;
	s3 =	sadd.s32 s3, s5;
	[dreg:$0x0] =	wrdreg $0x0  }
0xa8: {  	s5 =	sshll.u32 s28, $0x1;
	[dreg:$0x2] =	wrdreg s3  }
0xa9: {  	[dreg:$0x3] =	wrdreg s5  }
0xaa: {  	[dreg:$0x4] =	wrdreg $0xC0  }
0xab: {  	_ =	task [dreg:s7], $0x5FFFF  }
0xac: {  	[dreg:$0x1] =	wrdreg $0xFFFFFFFF  }
0xad: {  	[dreg:$0x0] =	wrdreg $0x60  }
0xae: {  	[dreg:$0x2] =	wrdreg s24  }
0xaf: {  	[dreg:$0x3] =	wrdreg s2  }
0xb0: {  	[dreg:$0x4] =	wrdreg $0x63000  }
0xb1: {  	[dreg:$0x5] =	wrdreg $0xA3000  }
0xb2: {  	[dreg:$0x6] =	wrdreg $0x9  }
0xb3: {  	_ =	task.clear_ibuf [dreg:s7], $0x7FFFF;
	_ =	strace $0x9000004C  }
0xb4: {  	s29 =	simm.s32 $0x9;
	_ =	strace $0x8000004E  }
0xb5: {  	_ =	swait.ge [sflag:s29], $0x1  }
0xb6: {  	[sflag:s29] =	ssyncadd.s32 $0xFFFFFFFF  }
0xb7: {  	_ =	strace $0x9000004E  }
0xb8: {  	_ =	sfence  }
0xb9: {  	s30 =	sld [smem:$0x0];
	_ =	sdelay $0x2  }
0xba: {  	s31 =	sshll.u32 s1, $0xD;
	s1 =	sshrl.u32 s1, $0x2  }
0xbb: {  	s3 =	sand.u32 $0x4000, s31;
	s1 =	sadd.s32 s1, s30  }
0xbc: {  	s0 =	sor.u32 s3, s0;
	s1 =	sshll.u32 s1, $0x11  }
0xbd: {  	s0 =	sor.u32 s1, s0  }
0xbe: {  	s0 =	sadd.s32 $0x8F2B, s0  }
0xbf: {  	[sflag:s0] =	ssyncadd.remote.s32 $0x1  }
0xc0: {  	_ =	sfence.sel $0xFFFF  }
0xc1: {  	[dreg:$0x0] =	wrdreg $0xFFFFFFFF;
	(pc) =	sbr.abs _section_cstart, $3  }
0xc2: {  	[dreg:$0x1] =	wrdreg $0xFFFFFFFF  }
0xc3: {  	_ =	task.clear_ibuf [dreg:s7], $0x2FFFF;
	_ =	strace $0x9FFFFFFF  }
0xc4: {  	(tm) =	ssettm $0x7FFFFFFF  }
0xc5: {  	_ =	shalt  }
tec
execute0_lowered:
.L_overlay_start_1:
0x0: {  	(tag) =	ssettag $0x1  }
0x1: {  	s0 =	rddreg [dreg:$0x0]  }
0x2: {  	s5 =	rddreg [dreg:$0x1]  }
0x3: {  	s1 =	rddreg [dreg:$0x2]  }
0x4: {  	s2 =	rddreg [dreg:$0x3];
	s3 =	simm.s32 $0x0  }
0x5: {  	s6 =	srdreg.scid;
	s14 =	stileid.u32;
	s29 =	simm.s32 $0x9  }
0x6: {  	s30 =	simm.s32 $0x6200;
	s31 =	simm.s32 $0x6280;
	[smem:$0x7FF] =	sst s3  }
0x7: {  	s4 =	sadd.s32 $0x17400, s0;
	s7 =	sadd.s32 $0xA5000, s0;
	s8 =	sadd.s32 $0xA4000, s0  }
0x8: {  	s6 =	sand.u32 $0x1, s6;
	s9 =	sadd.s32 $0x17000, s0;
	s10 =	sadd.s32 $0x3600, s0  }
0x9: {  	s20 =	sshll.u32 s14, $0xB;
	s12 =	sadd.s32 $0x3400, s0;
	s21 =	sshll.u32 s14, $0x4  }
0xa: {  	s23 =	sshll.u32 s14, $0xA;
	_ =	strace $0x8000004D;
	[dreg:$0x5] =	wrdreg s9  }
0xb: {  	s13 =	sshll.u32 s14, $0x7;
	s14 =	sshll.u32 s14, $0xE;
	[dreg:$0x6] =	wrdreg s10  }
0xc: {  	s19 =	ssub.s32 $0x2, s6;
	[dreg:$0x7] =	wrdreg s12;
	s0 =	sadd.s32 s20, s0  }
0xd: {  	s22 =	sshll.u32 s6, $0xE;
	s9 =	sadd.s32 s13, s2;
	s10 =	sadd.s32 s14, s1  }
0xe: {  	s28 =	sshll.u32 s6, $0xF;
	s6 =	sshll.u32 s6, $0x8;
	s5 =	sadd.s32 s5, s21  }
0xf: {  	s13 =	simm.s32 $0x2;
	s11 =	sshrl.u32 s19, $0x1;
	s15 =	sor.u32 s23, s22  }
0x10: {  	s0 =	sadd.s32 s28, s0;
	s16 =	sadd.s32 s6, s5;
	s18 =	sadd.s32 $0x2000, s10  }
0x11: {  	s6 =	simm.s32 $0x40;
	s11 =	ssub.s32 s19, s11;
	s24 =	sshrl.u32 s15, $0x3  }
0x12: {  	s14 =	sor.u32 $0x80, s15;
	s0 =	sadd.s32 $0x3800, s0;
	[dreg:$0xb] =	wrdreg s16  }
0x13: {  	[dreg:$0xd] =	wrdreg s18;
	s16 =	simm.s32 $0x7;
	s18 =	simm.s32 $0x6  }
0x14: {  	s25 =	sadd.s32 s7, s24;
	s26 =	sadd.s32 s8, s24;
	[dreg:$0xa] =	wrdreg s0  }
0x15: {  	s17 =	smax.u32 s11, $0x1;
	s19 =	sor.u32 $0x8, s24;
	[dreg:$0x8] =	wrdreg s25  }
0x16: {  	s21 =	sshrl.u32 s14, $0x3;
	s24 =	sor.u32 $0x78, s24;
	[dreg:$0x9] =	wrdreg s26  }
0x17: {  	s11 =	simm.s32 $0x2180;
	[dreg:$0xc] =	wrdreg s17;
	s20 =	sadd.s32 s7, s19  }
0x18: {  	s14 =	simm.s32 $0x2200;
	s0 =	sadd.s32 s8, s19;
	[dreg:$0xe] =	wrdreg s20  }
0x19: {  	s22 =	sadd.s32 s21, s7;
	s26 =	sadd.s32 s7, s24;
	[dreg:$0xf] =	wrdreg s0  }
0x1a: {  	s25 =	sor.u32 $0x100, s15;
	s5 =	sadd.s32 s8, s24;
	[dreg:$0x12] =	wrdreg s26  }
0x1b: {  	s12 =	sadd.s32 s21, s8;
	s15 =	simm.s32 $0x5;
	[dreg:$0x13] =	wrdreg s5  }
0x1c: {  	s17 =	simm.s32 $0x4;
	s21 =	simm.s32 $0x8;
	[dreg:$0x10] =	wrdreg s22  }
0x1d: {  	s28 =	sshrl.u32 s25, $0x3;
	s25 =	sadd.s32 $0x8, s22;
	[dreg:$0x11] =	wrdreg s12  }
0x1e: {  	s26 =	sadd.s32 $0x8, s12;
	s0 =	simm.s32 $0x80;
	s5 =	simm.s32 $0x1  }
0x1f: {  	s12 =	simm.s32 $0x3;
	s22 =	simm.s32 $0x0;
	s23 =	sadd.s32 s28, s8  }
0x20: {  	s24 =	sadd.s32 s28, s7;
	s7 =	simm.s32 $0x100;
	s8 =	simm.s32 $0x2100  }
.LBB2_1:
0x21: {  	s19 =	rddreg [dreg:$0x5];
	s20 =	simm.s32 $0x4200  }
0x22: {  	[tilespmem:s20], [sflag:$0x9] =	stream.linear.gather [hbm4b:s19+s3], $0x2000, $0x38;
	[tilespmem:$0xA380] =	vst v63  }
0x23: {  	_ =	swait.ge [sflag:s29], $0x2000  }
0x24: {  	[sflag:s29] =	ssyncset.done $0x0  }
0x25: {  	s28 =	rddreg [dreg:$0x7];
	[sflag:s29] =	ssyncadd.s32 $0xFFFFE000  }
0x26: {  	[tilespmem:s30], [sflag:$0x9] =	stream.linear.gather [hbm4b:s28+s3], $0x80, $0x38;
	[tilespmem:$0xA380] =	vst v63  }
0x27: {  	_ =	swait.ge [sflag:s29], $0x80  }
0x28: {  	[sflag:s29] =	ssyncset.done $0x0  }
0x29: {  	s28 =	rddreg [dreg:$0x6];
	[sflag:s29] =	ssyncadd.s32 $0xFFFFFF80  }
0x2a: {  	[tilespmem:s31], [sflag:$0x9] =	stream.linear.gather [hbm4b:s28+s3], $0x80, $0x38;
	[tilespmem:$0xA380] =	vst v63  }
0x2b: {  	_ =	swait.ge [sflag:s29], $0x80  }
0x2c: {  	[sflag:s29] =	ssyncset.done $0x0  }
0x2d: {  	[sflag:s29] =	ssyncadd.s32 $0xFFFFFF80  }
0x2e: {  	[spmem:s9] =	stream.linear.scatter [tilespmem:s31], [sflag:$0x9], $0x80, $0x38;
	[tilespmem:$0xA380] =	vst v63  }
0x2f: {  	_ =	swait.ge [sflag:s29], $0x80  }
0x30: {  	[sflag:s29] =	ssyncset.done $0x0  }
0x31: {  	[sflag:s29] =	ssyncadd.s32 $0xFFFFFF80  }
0x32: {  	[spmem:s10] =	stream.linear.scatter [tilespmem:s20], [sflag:$0x9], $0x2000, $0x38;
	[tilespmem:$0xA380] =	vst v63  }
0x33: {  	_ =	swait.ge [sflag:s29], $0x2000  }
0x34: {  	[sflag:s29] =	ssyncset.done $0x0  }
0x35: {  	s28 =	rddreg [dreg:$0xd];
	[sflag:s29] =	ssyncadd.s32 $0xFFFFE000  }
0x36: {  	[spmem:s28] =	stream.linear.scatter [tilespmem:s20], [sflag:$0x9], $0x2000, $0x38;
	[tilespmem:$0xA380] =	vst v63  }
0x37: {  	_ =	swait.ge [sflag:s29], $0x2000  }
0x38: {  	[sflag:s29] =	ssyncset.done $0x0  }
0x39: {  	[sflag:s29] =	ssyncadd.s32 $0xFFFFE000  }
0x3a: {  	[bflag:$0x0] =	sbarrier.arrive $0xFFFF  }
0x3b: {  	s20 =	rddreg [dreg:$0x8]  }
0x3c: {  	[tilespmem:s3], [sflag:$0x1] =	stream.linear.gather [hbm4b:s20+s3], $0x40, $0x38;
	[tilespmem:$0xA380] =	vst v63  }
0x3d: {  	s28 =	rddreg [dreg:$0x9]  }
0x3e: {  	[tilespmem:s0], [sflag:$0x1] =	stream.linear.gather [hbm4b:s28+s3], $0x40, $0x38;
	[tilespmem:$0xA380] =	vst v63  }
0x3f: {  	_ =	swait.ge [sflag:s5], $0x40  }
0x40: {  	[sflag:s5] =	ssyncset.done $0x0  }
0x41: {  	[sflag:s5] =	ssyncadd.s32 $0xFFFFFFC0  }
0x42: {  	_ =	swait.ge [sflag:s5], $0x40  }
0x43: {  	[sflag:s5] =	ssyncset.done $0x0  }
0x44: {  	[sflag:s5] =	ssyncadd.s32 $0xFFFFFFC0  }
0x45: {  	[tilespmem:s7], [sflag:$0x3] =	stream.indirect.gather [hbm4b:s4+s6], $0x80, s3, s6, $0xb8;
	[tilespmem:$0xA380] =	vst v63  }
0x46: {  	s20 =	rddreg [dreg:$0xe]  }
0x47: {  	[tilespmem:s8], [sflag:$0x2] =	stream.linear.gather [hbm4b:s20+s3], $0x40, $0x38;
	[tilespmem:$0xA380] =	vst v63  }
0x48: {  	s28 =	rddreg [dreg:$0xf]  }
0x49: {  	[tilespmem:s11], [sflag:$0x2] =	stream.linear.gather [hbm4b:s28+s3], $0x40, $0x38;
	[tilespmem:$0xA380] =	vst v63  }
0x4a: {  	_ =	swait.ge [sflag:s12], $0x2000  }
0x4b: {  	[sflag:s12] =	ssyncset.done $0x0  }
0x4c: {  	[sflag:s12] =	ssyncadd.s32 $0xFFFFE000  }
0x4d: {  	[spmem:s1] =	stream.indirect.scatter.add.f32 [tilespmem:s7], [sflag:$0x5], $0x80, s0, s6, $0xb8;
	[tilespmem:$0xA380] =	vst v63  }
0x4e: {  	_ = 	snop  }
0x4f: {  	[spmem:s2] =	stream.indirect.scatter.add.f32 [tilespmem:s30], [sflag:$0x7], $0x1, s0, s6, $0xb8;
	[tilespmem:$0xA380] =	vst v63  }
0x50: {  	_ =	swait.ge [sflag:s13], $0x40  }
0x51: {  	[sflag:s13] =	ssyncset.done $0x0  }
0x52: {  	[sflag:s13] =	ssyncadd.s32 $0xFFFFFFC0  }
0x53: {  	_ =	swait.ge [sflag:s13], $0x40  }
0x54: {  	[sflag:s13] =	ssyncset.done $0x0  }
0x55: {  	[sflag:s13] =	ssyncadd.s32 $0xFFFFFFC0  }
0x56: {  	[tilespmem:s14], [sflag:$0x4] =	stream.indirect.gather [hbm4b:s4+s6], $0x80, s8, s6, $0xb8;
	[tilespmem:$0xA380] =	vst v63  }
0x57: {  	_ =	swait.ge [sflag:s15], $0x2000  }
0x58: {  	[sflag:s15] =	ssyncset.done $0x0  }
0x59: {  	[sflag:s15] =	ssyncadd.s32 $0xFFFFE000  }
0x5a: {  	_ =	swait.ge [sflag:s16], $0x40  }
0x5b: {  	[sflag:s16] =	ssyncset.done $0x0  }
0x5c: {  	s20 =	rddreg [dreg:$0x10];
	[sflag:s16] =	ssyncadd.s32 $0xFFFFFFC0  }
0x5d: {  	[tilespmem:s3], [sflag:$0x1] =	stream.linear.gather [hbm4b:s20+s3], $0x40, $0x38;
	[tilespmem:$0xA380] =	vst v63  }
0x5e: {  	s28 =	rddreg [dreg:$0x11]  }
0x5f: {  	[tilespmem:s0], [sflag:$0x1] =	stream.linear.gather [hbm4b:s28+s3], $0x40, $0x38;
	[tilespmem:$0xA380] =	vst v63  }
0x60: {  	_ =	swait.ge [sflag:s17], $0x2000  }
0x61: {  	[sflag:s17] =	ssyncset.done $0x0  }
0x62: {  	[sflag:s17] =	ssyncadd.s32 $0xFFFFE000  }
0x63: {  	[spmem:s1] =	stream.indirect.scatter.add.f32 [tilespmem:s14], [sflag:$0x6], $0x80, s11, s6, $0xb8;
	[tilespmem:$0xA380] =	vst v63  }
0x64: {  	_ = 	snop  }
0x65: {  	[spmem:s2] =	stream.indirect.scatter.add.f32 [tilespmem:s30], [sflag:$0x8], $0x1, s11, s6, $0xb8;
	[tilespmem:$0xA380] =	vst v63  }
0x66: {  	_ =	swait.ge [sflag:s5], $0x40  }
0x67: {  	[sflag:s5] =	ssyncset.done $0x0  }
0x68: {  	[sflag:s5] =	ssyncadd.s32 $0xFFFFFFC0  }
0x69: {  	_ =	swait.ge [sflag:s5], $0x40  }
0x6a: {  	[sflag:s5] =	ssyncset.done $0x0  }
0x6b: {  	[sflag:s5] =	ssyncadd.s32 $0xFFFFFFC0  }
0x6c: {  	[tilespmem:s7], [sflag:$0x3] =	stream.indirect.gather [hbm4b:s4+s6], $0x80, s3, s6, $0xb8;
	[tilespmem:$0xA380] =	vst v63  }
0x6d: {  	_ =	swait.ge [sflag:s18], $0x2000  }
0x6e: {  	[sflag:s18] =	ssyncset.done $0x0  }
0x6f: {  	[sflag:s18] =	ssyncadd.s32 $0xFFFFE000  }
0x70: {  	_ =	swait.ge [sflag:s21], $0x40  }
0x71: {  	[sflag:s21] =	ssyncset.done $0x0  }
0x72: {  	s20 =	sadd.s32 $0x0, s25;
	[sflag:s21] =	ssyncadd.s32 $0xFFFFFFC0  }
0x73: {  	[tilespmem:s8], [sflag:$0x2] =	stream.linear.gather [hbm4b:s20+s3], $0x40, $0x38;
	[tilespmem:$0xA380] =	vst v63  }
0x74: {  	s28 =	sadd.s32 $0x0, s26  }
0x75: {  	[tilespmem:s11], [sflag:$0x2] =	stream.linear.gather [hbm4b:s28+s3], $0x40, $0x38;
	[tilespmem:$0xA380] =	vst v63  }
0x76: {  	_ =	swait.ge [sflag:s12], $0x2000  }
0x77: {  	[sflag:s12] =	ssyncset.done $0x0  }
0x78: {  	[sflag:s12] =	ssyncadd.s32 $0xFFFFE000  }
0x79: {  	[spmem:s1] =	stream.indirect.scatter.add.f32 [tilespmem:s7], [sflag:$0x5], $0x80, s0, s6, $0xb8;
	[tilespmem:$0xA380] =	vst v63  }
0x7a: {  	_ = 	snop  }
0x7b: {  	[spmem:s2] =	stream.indirect.scatter.add.f32 [tilespmem:s30], [sflag:$0x7], $0x1, s0, s6, $0xb8;
	[tilespmem:$0xA380] =	vst v63  }
0x7c: {  	_ =	swait.ge [sflag:s13], $0x40  }
0x7d: {  	[sflag:s13] =	ssyncset.done $0x0  }
0x7e: {  	[sflag:s13] =	ssyncadd.s32 $0xFFFFFFC0  }
0x7f: {  	_ =	swait.ge [sflag:s13], $0x40  }
0x80: {  	[sflag:s13] =	ssyncset.done $0x0  }
0x81: {  	[sflag:s13] =	ssyncadd.s32 $0xFFFFFFC0  }
0x82: {  	[tilespmem:s14], [sflag:$0x4] =	stream.indirect.gather [hbm4b:s4+s6], $0x80, s8, s6, $0xb8;
	[tilespmem:$0xA380] =	vst v63  }
0x83: {  	_ =	swait.ge [sflag:s15], $0x2000  }
0x84: {  	[sflag:s15] =	ssyncset.done $0x0  }
0x85: {  	[sflag:s15] =	ssyncadd.s32 $0xFFFFE000  }
0x86: {  	_ =	swait.ge [sflag:s16], $0x40  }
0x87: {  	[sflag:s16] =	ssyncset.done $0x0  }
0x88: {  	s20 =	sadd.s32 $0x0, s24;
	[sflag:s16] =	ssyncadd.s32 $0xFFFFFFC0  }
0x89: {  	[tilespmem:s3], [sflag:$0x1] =	stream.linear.gather [hbm4b:s20+s3], $0x40, $0x38;
	[tilespmem:$0xA380] =	vst v63  }
0x8a: {  	s28 =	sadd.s32 $0x0, s23  }
0x8b: {  	[tilespmem:s0], [sflag:$0x1] =	stream.linear.gather [hbm4b:s28+s3], $0x40, $0x38;
	[tilespmem:$0xA380] =	vst v63  }
0x8c: {  	_ =	swait.ge [sflag:s17], $0x2000  }
0x8d: {  	[sflag:s17] =	ssyncset.done $0x0  }
0x8e: {  	s19 =	simm.s32 $0x10;
	[sflag:s17] =	ssyncadd.s32 $0xFFFFE000  }
0x8f: {  	[spmem:s1] =	stream.indirect.scatter.add.f32 [tilespmem:s14], [sflag:$0x6], $0x80, s11, s6, $0xb8;
	[tilespmem:$0xA380] =	vst v63  }
.LBB2_2:
0x90: {  	[spmem:s2] =	stream.indirect.scatter.add.f32 [tilespmem:s30], [sflag:$0x8], $0x1, s11, s6, $0xb8;
	[tilespmem:$0xA380] =	vst v63  }
0x91: {  	s20 =	smov.u32 s19  }
0x92: {  	p0 =	sne.s32 s19, $0x50;
	s19 =	sadd.s32 $0x10, s19;
	_ =	swait.ge [sflag:s5], $0x40  }
0x93: {  	[sflag:s5] =	ssyncset.done $0x0  }
0x94: {  	[sflag:s5] =	ssyncadd.s32 $0xFFFFFFC0  }
0x95: {  	_ =	swait.ge [sflag:s5], $0x40  }
0x96: {  	[sflag:s5] =	ssyncset.done $0x0  }
0x97: {  	[sflag:s5] =	ssyncadd.s32 $0xFFFFFFC0  }
0x98: {  	[tilespmem:s7], [sflag:$0x3] =	stream.indirect.gather [hbm4b:s4+s6], $0x80, s3, s6, $0xb8;
	[tilespmem:$0xA380] =	vst v63  }
0x99: {  	_ =	swait.ge [sflag:s18], $0x2000  }
0x9a: {  	[sflag:s18] =	ssyncset.done $0x0  }
0x9b: {  	[sflag:s18] =	ssyncadd.s32 $0xFFFFE000  }
0x9c: {  	_ =	swait.ge [sflag:s21], $0x40  }
0x9d: {  	[sflag:s21] =	ssyncset.done $0x0  }
0x9e: {  	s28 =	sadd.s32 s20, s25;
	[sflag:s21] =	ssyncadd.s32 $0xFFFFFFC0  }
0x9f: {  	[tilespmem:s8], [sflag:$0x2] =	stream.linear.gather [hbm4b:s28+s3], $0x40, $0x38;
	[tilespmem:$0xA380] =	vst v63  }
0xa0: {  	s28 =	sadd.s32 s20, s26  }
0xa1: {  	[tilespmem:s11], [sflag:$0x2] =	stream.linear.gather [hbm4b:s28+s3], $0x40, $0x38;
	[tilespmem:$0xA380] =	vst v63  }
0xa2: {  	_ =	swait.ge [sflag:s12], $0x2000  }
0xa3: {  	[sflag:s12] =	ssyncset.done $0x0  }
0xa4: {  	[sflag:s12] =	ssyncadd.s32 $0xFFFFE000  }
0xa5: {  	[spmem:s1] =	stream.indirect.scatter.add.f32 [tilespmem:s7], [sflag:$0x5], $0x80, s0, s6, $0xb8;
	[tilespmem:$0xA380] =	vst v63  }
0xa6: {  	_ = 	snop  }
0xa7: {  	[spmem:s2] =	stream.indirect.scatter.add.f32 [tilespmem:s30], [sflag:$0x7], $0x1, s0, s6, $0xb8;
	[tilespmem:$0xA380] =	vst v63  }
0xa8: {  	_ =	swait.ge [sflag:s13], $0x40  }
0xa9: {  	[sflag:s13] =	ssyncset.done $0x0  }
0xaa: {  	[sflag:s13] =	ssyncadd.s32 $0xFFFFFFC0  }
0xab: {  	_ =	swait.ge [sflag:s13], $0x40  }
0xac: {  	[sflag:s13] =	ssyncset.done $0x0  }
0xad: {  	[sflag:s13] =	ssyncadd.s32 $0xFFFFFFC0  }
0xae: {  	[tilespmem:s14], [sflag:$0x4] =	stream.indirect.gather [hbm4b:s4+s6], $0x80, s8, s6, $0xb8;
	[tilespmem:$0xA380] =	vst v63  }
0xaf: {  	_ =	swait.ge [sflag:s15], $0x2000  }
0xb0: {  	[sflag:s15] =	ssyncset.done $0x0  }
0xb1: {  	[sflag:s15] =	ssyncadd.s32 $0xFFFFE000  }
0xb2: {  	_ =	swait.ge [sflag:s16], $0x40  }
0xb3: {  	[sflag:s16] =	ssyncset.done $0x0  }
0xb4: {  	s28 =	sadd.s32 s20, s24;
	[sflag:s16] =	ssyncadd.s32 $0xFFFFFFC0  }
0xb5: {  	[tilespmem:s3], [sflag:$0x1] =	stream.linear.gather [hbm4b:s28+s3], $0x40, $0x38;
	[tilespmem:$0xA380] =	vst v63  }
0xb6: {  	s20 =	sadd.s32 s20, s23  }
0xb7: {  	[tilespmem:s0], [sflag:$0x1] =	stream.linear.gather [hbm4b:s20+s3], $0x40, $0x38;
	[tilespmem:$0xA380] =	vst v63  }
.Ltmp0:
0xb8: {  	_ = 	snop;
	(pc) =	sbr.rel @p0 .LBB2_2-.Ltmp0, $4  }
0xb9: {  	_ =	swait.ge [sflag:s17], $0x2000  }
0xba: {  	[sflag:s17] =	ssyncset.done $0x0  }
0xbb: {  	[sflag:s17] =	ssyncadd.s32 $0xFFFFE000  }
0xbc: {  	[spmem:s1] =	stream.indirect.scatter.add.f32 [tilespmem:s14], [sflag:$0x6], $0x80, s11, s6, $0xb8;
	[tilespmem:$0xA380] =	vst v63  }
0xbd: {  	[spmem:s2] =	stream.indirect.scatter.add.f32 [tilespmem:s30], [sflag:$0x8], $0x1, s11, s6, $0xb8;
	[tilespmem:$0xA380] =	vst v63  }
0xbe: {  	_ =	swait.ge [sflag:s5], $0x40  }
0xbf: {  	[sflag:s5] =	ssyncset.done $0x0  }
0xc0: {  	[sflag:s5] =	ssyncadd.s32 $0xFFFFFFC0  }
0xc1: {  	_ =	swait.ge [sflag:s5], $0x40  }
0xc2: {  	[sflag:s5] =	ssyncset.done $0x0  }
0xc3: {  	[sflag:s5] =	ssyncadd.s32 $0xFFFFFFC0  }
0xc4: {  	[tilespmem:s7], [sflag:$0x3] =	stream.indirect.gather [hbm4b:s4+s6], $0x80, s3, s6, $0xb8;
	[tilespmem:$0xA380] =	vst v63  }
0xc5: {  	_ =	swait.ge [sflag:s18], $0x2000  }
0xc6: {  	[sflag:s18] =	ssyncset.done $0x0  }
0xc7: {  	[sflag:s18] =	ssyncadd.s32 $0xFFFFE000  }
0xc8: {  	_ =	swait.ge [sflag:s21], $0x40  }
0xc9: {  	[sflag:s21] =	ssyncset.done $0x0  }
0xca: {  	s19 =	rddreg [dreg:$0x12];
	[sflag:s21] =	ssyncadd.s32 $0xFFFFFFC0  }
0xcb: {  	[tilespmem:s8], [sflag:$0x2] =	stream.linear.gather [hbm4b:s19+s3], $0x40, $0x38;
	[tilespmem:$0xA380] =	vst v63  }
0xcc: {  	s20 =	rddreg [dreg:$0x13]  }
0xcd: {  	[tilespmem:s11], [sflag:$0x2] =	stream.linear.gather [hbm4b:s20+s3], $0x40, $0x38;
	[tilespmem:$0xA380] =	vst v63  }
0xce: {  	_ =	swait.ge [sflag:s12], $0x2000  }
0xcf: {  	[sflag:s12] =	ssyncset.done $0x0  }
0xd0: {  	[sflag:s12] =	ssyncadd.s32 $0xFFFFE000  }
0xd1: {  	[spmem:s1] =	stream.indirect.scatter.add.f32 [tilespmem:s7], [sflag:$0x5], $0x80, s0, s6, $0xb8;
	[tilespmem:$0xA380] =	vst v63  }
0xd2: {  	_ = 	snop  }
0xd3: {  	[spmem:s2] =	stream.indirect.scatter.add.f32 [tilespmem:s30], [sflag:$0x7], $0x1, s0, s6, $0xb8;
	[tilespmem:$0xA380] =	vst v63  }
0xd4: {  	_ =	swait.ge [sflag:s13], $0x40  }
0xd5: {  	[sflag:s13] =	ssyncset.done $0x0  }
0xd6: {  	[sflag:s13] =	ssyncadd.s32 $0xFFFFFFC0  }
0xd7: {  	_ =	swait.ge [sflag:s13], $0x40  }
0xd8: {  	[sflag:s13] =	ssyncset.done $0x0  }
0xd9: {  	[sflag:s13] =	ssyncadd.s32 $0xFFFFFFC0  }
0xda: {  	[tilespmem:s14], [sflag:$0x4] =	stream.indirect.gather [hbm4b:s4+s6], $0x80, s8, s6, $0xb8;
	[tilespmem:$0xA380] =	vst v63  }
0xdb: {  	_ =	swait.ge [sflag:s15], $0x2000  }
0xdc: {  	[sflag:s15] =	ssyncset.done $0x0  }
0xdd: {  	[sflag:s15] =	ssyncadd.s32 $0xFFFFE000  }
0xde: {  	_ =	swait.ge [sflag:s16], $0x40  }
0xdf: {  	[sflag:s16] =	ssyncset.done $0x0  }
0xe0: {  	[sflag:s16] =	ssyncadd.s32 $0xFFFFFFC0  }
0xe1: {  	_ =	swait.ge [sflag:s17], $0x2000  }
0xe2: {  	[sflag:s17] =	ssyncset.done $0x0  }
0xe3: {  	[sflag:s17] =	ssyncadd.s32 $0xFFFFE000  }
0xe4: {  	[spmem:s1] =	stream.indirect.scatter.add.f32 [tilespmem:s14], [sflag:$0x6], $0x80, s11, s6, $0xb8;
	[tilespmem:$0xA380] =	vst v63  }
0xe5: {  	_ = 	snop  }
0xe6: {  	[spmem:s2] =	stream.indirect.scatter.add.f32 [tilespmem:s30], [sflag:$0x8], $0x1, s11, s6, $0xb8;
	[tilespmem:$0xA380] =	vst v63  }
0xe7: {  	_ =	swait.ge [sflag:s18], $0x2000  }
0xe8: {  	[sflag:s18] =	ssyncset.done $0x0  }
0xe9: {  	[sflag:s18] =	ssyncadd.s32 $0xFFFFE000  }
0xea: {  	_ =	swait.ge [sflag:s21], $0x40  }
0xeb: {  	[sflag:s21] =	ssyncset.done $0x0  }
0xec: {  	s28 =	stileid.u32;
	[sflag:s21] =	ssyncadd.s32 $0xFFFFFFC0  }
0xed: {  	s19 =	sshll.u32 s28, $0x6;
	[bflag:$0x0] =	sbarrier.arrive $0xFFFF  }
0xee: {  	s19 =	sor.u32 $0x1C09, s19;
	s20 =	sshrl.u32 s10, $0x3;
	s28 =	rddreg [dreg:$0xa]  }
0xef: {  	[hbm:s28], [sflag:s19] =	dma.local [spmem:s20], $0x800  }
0xf0: {  	_ =	swait.ge [sflag:s29], $0x800  }
0xf1: {  	[sflag:s29] =	ssyncset.done $0x0  }
0xf2: {  	[sflag:s29] =	ssyncadd.s32 $0xFFFFF800  }
0xf3: {  	[tilespmem:s31], [sflag:$0x9] =	stream.linear.gather [spmem:s9], $0x80, $0x38;
	[tilespmem:$0xA380] =	vst v63  }
0xf4: {  	_ =	swait.ge [sflag:s29], $0x80  }
0xf5: {  	[sflag:s29] =	ssyncset.done $0x0  }
0xf6: {  	s20 =	rddreg [dreg:$0xb];
	[sflag:s29] =	ssyncadd.s32 $0xFFFFFF80  }
0xf7: {  	[hbm4b:s20+s3] =	stream.linear.scatter [tilespmem:s31], [sflag:$0x9], $0x80, $0x38;
	[tilespmem:$0xA380] =	vst v63  }
0xf8: {  	_ =	swait.ge [sflag:s29], $0x80  }
0xf9: {  	s22 =	sadd.s32 $0x1, s22;
	s28 =	rddreg [dreg:$0xc]  }
0xfa: {  	p0 =	sne.s32 s22, s28  }
.Ltmp1:
0xfb: {  	_ = 	snop;
	(pc) =	sbr.rel @p0 .LBB2_1-.Ltmp1, $3  }
0xfc: {  	_ =	sdelay $0x1  }
0xfd: {  	[sflag:s29] =	ssyncset.done $0x0  }
0xfe: {  	[sflag:s29] =	ssyncadd.s32 $0xFFFFFF80  }
0xff: {  	_ =	sfence.sel $0x180000  }
0x100: {  	[bflag:$0x0] =	sbarrier.arrive $0xFFFF  }
0x101: {  	_ =	strace $0x9000004D  }
0x102: {  	s0 =	stileid.u32;
	[bflag:$0x2] =	sbarrier.arrive $0xFFFF  }
0x103: {  	p0 =	sne.s32 s0, $0x0;
	s0 =	rddreg [dreg:$0x4]  }
0x104: {  	s0 =	sadd.s32 @!p0 $0x100000, s0  }
0x105: {  	[sflag:s0] =	ssyncadd.tile.s32 @!p0 $0x1;
	_ =	shalt  }
.Lfunc_end2:
_tile_overlayer_lowered:
.L_overlay_start_2:
0x106: {  	(tag) =	ssettag $0x2  }
0x107: {  	s0 =	rddreg [dreg:$0x0];
	s2 =	stileid.u32  }
0x108: {  	s1 =	rddreg [dreg:$0x1];
	p0 =	sne.s32 s2, $0x0  }
0x109: {  	s3 =	rddreg [dreg:$0x2];
	[bflag:$0x3] =	sbarrier.arrive $0xFFFF;
	s2 =	simm.s32 @!p0 $0x1C09  }
0x10a: {  	[timem:s3], [sflag:s2] =	dma.local @!p0 [hbm:s0], s1  }
0x10b: {  	s0 =	simm.s32 @!p0 $0x9  }
0x10c: {  	_ =	swait.ge @!p0 [sflag:s0], s1  }
0x10d: {  	s1 =	ssub.s32 @!p0 $0x0, s1;
	[sflag:s0] =	ssyncset.done @!p0 $0x0  }
0x10e: {  	[sflag:s0] =	ssyncadd.s32 @!p0 s1  }
0x10f: {  	[bflag:$0x3] =	sbarrier.arrive $0xFFFF  }
0x110: {  	_ =	shalt  }

// kernel: kernel.8.cloned.1.call-start
scs
__scs_entry_jumppad:
0x0: {  	(pc) =	sbr.rel $0x88, $3  }
0x1: {  	(tag) =	ssettag $0x0;
	lr =	simm.s32 $0x1  }
0x2: {  	[smem:$0x3F94] =	sst lr;
	_ =	strace $0xD0000000  }
0x3: {  	_ = 	snop  }
0x4: {  	_ = 	snop  }
0x5: {  	_ = 	snop  }
0x6: {  	_ = 	snop  }
0x7: {  	_ = 	snop  }
__scs_overlays_trampoline_lowered:
0x8: {  	[smem:$0x3FA3] =	sst s0  }
0x9: {  	[smem:$0x3FA4] =	sst s1  }
0xa: {  	[smem:$0x3FA5] =	sst s2  }
0xb: {  	[smem:$0x3FA6] =	sst s3  }
0xc: {  	[smem:$0x3FA7] =	sst s4  }
0xd: {  	[smem:$0x3FA8] =	sst s5  }
0xe: {  	[smem:$0x3FA9] =	sst s6  }
0xf: {  	[smem:$0x3FAA] =	sst s7  }
0x10: {  	[smem:$0x3FAB] =	sst s8  }
0x11: {  	[smem:$0x3FAC] =	sst s9;
	s0 =	simm.s32 @!p0 $0x0  }
0x12: {  	s1 =	sld [smem:$0x3F92];
	s0 =	simm.s32 @p0 $0x1  }
0x13: {  	[smem:$0x3FAD] =	sst s0;
	s0 =	simm.s32 @!p1 $0x0  }
0x14: {  	s2 =	sld [smem:$0x3F91];
	s0 =	simm.s32 @p1 $0x1  }
0x15: {  	[smem:$0x3FAE] =	sst s0;
	s0 =	simm.s32 @!p2 $0x0  }
0x16: {  	s3 =	sld [smem:$0x3FDB];
	s0 =	simm.s32 @p2 $0x1  }
0x17: {  	s4 =	simm.s32 $0x1BF5;
	[smem:$0x3FB0] =	sst s0  }
0x18: {  	s0 =	sld [smem:$0x3F93];
	_ =	swait.ge [sflag:s4], $0x0  }
0x19: {  	s7 =	sld [smem:$0x3F94]  }
0x1a: {  	s8 =	sadd.s32 $0xFFFFE003, lr  }
0x1b: {  	s9 =	sadd.s32 $0xFFFFFEF7, lr;
	s5 =	simm.s32 $0xFFFFFFFF;
	p2 =	slt.u32 s8, $0xFFFFF086  }
0x1c: {  	p1 =	slt.u32 s9, $0xF7A;
	s5 =	simm.s32 @!p2 $0x0  }
0x1d: {  	s5 =	simm.s32 @p1 $0x1;
	p0 =	seq.s32 s7, s2  }
0x1e: {  	s7 =	smul.u32 @!p0 $0xF7A, s2;
	p2 =	seq.s32 @!p0 s5, $0x0  }
0x1f: {  	s9 =	smul.u32 $0xF7A, s1;
	s8 =	simm.s32 @!p0 $0x1BF5;
	p2 =	por !p2, p0  }
0x20: {  	[sflag:s8] =	ssyncset.s32 @!p0 $0xFFFFF086;
	s6 =	sadd.s32 @!p0 s3, s7;
	s7 =	simm.s32 @!p0 $0x108  }
0x21: {  	s3 =	sadd.s32 s3, s9;
	s6 =	sadd.s32 @!p0 $0x88, s6;
	s7 =	simm.s32 @p2 $0x1082  }
0x22: {  	[simem:s7], [sflag:s8] =	dma.local @!p0 [hbm:s6], $0xF7A  }
0x23: {  	s9 =	sor.u32 $0xD0000000, s2;
	s6 =	simm.s32 $0x108;
	_ =	swait.ge @!p0 [sflag:s8], $0x0  }
0x24: {  	s3 =	sadd.s32 $0x88, s3;
	s6 =	simm.s32 @!p1 $0x1082;
	[sflag:s4] =	ssyncset.s32 $0xFFFFF086  }
0x25: {  	[simem:s6], [sflag:s4] =	dma.local [hbm:s3], $0xF7A  }
0x26: {  	[smem:$0x3F94] =	sst s1;
	(tag) =	ssettag s2;
	_ =	strace s9  }
0x27: {  	s1 =	sld [smem:$0x3FA4]  }
0x28: {  	s2 =	sld [smem:$0x3FA5]  }
0x29: {  	s4 =	sld [smem:$0x3FA7]  }
0x2a: {  	p0 =	seq.s32 s5, $0x0;
	s5 =	sld [smem:$0x3FA8]  }
0x2b: {  	s6 =	sld [smem:$0x3FA9]  }
0x2c: {  	s7 =	sld [smem:$0x3FAA]  }
0x2d: {  	s3 =	simm.s32 $0x108;
	s8 =	sld [smem:$0x3FAB]  }
0x2e: {  	s3 =	simm.s32 @!p0 $0x1082;
	s9 =	sld [smem:$0x3FAC]  }
0x2f: {  	lr =	sadd.s32 s0, s3;
	s0 =	sld [smem:$0x3FA3]  }
0x30: {  	s3 =	sld [smem:$0x3FA6]  }
0x31: {  	[smem:$0x3FAF] =	sst s10  }
0x32: {  	s10 =	sld [smem:$0x3FAD];
	_ =	sdelay $0x3  }
0x33: {  	p0 =	seq.s32 s10, $0x1;
	s10 =	sld [smem:$0x3FAF];
	_ =	sdelay $0x3  }
0x34: {  	[smem:$0x3FAF] =	sst s10  }
0x35: {  	s10 =	sld [smem:$0x3FAE];
	_ =	sdelay $0x3  }
0x36: {  	p1 =	seq.s32 s10, $0x1;
	s10 =	sld [smem:$0x3FAF];
	_ =	sdelay $0x3  }
0x37: {  	[smem:$0x3FAF] =	sst s10  }
0x38: {  	s10 =	sld [smem:$0x3FB0]  }
0x39: {  	_ = 	snop;
	(pc) =	sbr.ind lr, $3  }
0x3a: {  	_ = 	snop  }
0x3b: {  	_ = 	snop  }
0x3c: {  	p2 =	seq.s32 s10, $0x1;
	s10 =	sld [smem:$0x3FAF]  }
0x3d: {  	_ =	shalt  }
0x3e: {  	_ =	shalt  }
0x3f: {  	_ =	shalt  }
0x40: {  	_ =	shalt  }
0x41: {  	_ =	shalt  }
0x42: {  	_ =	shalt  }
0x43: {  	_ =	shalt  }
0x44: {  	_ =	shalt  }
0x45: {  	_ =	shalt  }
0x46: {  	_ =	shalt  }
0x47: {  	_ =	shalt  }
0x48: {  	_ =	shalt  }
0x49: {  	_ =	shalt  }
0x4a: {  	_ =	shalt  }
0x4b: {  	_ =	shalt  }
0x4c: {  	_ =	shalt  }
0x4d: {  	_ =	shalt  }
0x4e: {  	_ =	shalt  }
0x4f: {  	_ =	shalt  }
0x50: {  	_ =	shalt  }
0x51: {  	_ =	shalt  }
0x52: {  	_ =	shalt  }
0x53: {  	_ =	shalt  }
0x54: {  	_ =	shalt  }
0x55: {  	_ =	shalt  }
0x56: {  	_ =	shalt  }
0x57: {  	_ =	shalt  }
0x58: {  	_ =	shalt  }
0x59: {  	_ =	shalt  }
0x5a: {  	_ =	shalt  }
0x5b: {  	_ =	shalt  }
0x5c: {  	_ =	shalt  }
0x5d: {  	_ =	shalt  }
0x5e: {  	_ =	shalt  }
0x5f: {  	_ =	shalt  }
0x60: {  	_ =	shalt  }
0x61: {  	_ =	shalt  }
0x62: {  	_ =	shalt  }
0x63: {  	_ =	shalt  }
0x64: {  	_ =	shalt  }
0x65: {  	_ =	shalt  }
0x66: {  	_ =	shalt  }
0x67: {  	_ =	shalt  }
0x68: {  	_ =	shalt  }
0x69: {  	_ =	shalt  }
0x6a: {  	_ =	shalt  }
0x6b: {  	_ =	shalt  }
0x6c: {  	_ =	shalt  }
0x6d: {  	_ =	shalt  }
0x6e: {  	_ =	shalt  }
0x6f: {  	_ =	shalt  }
0x70: {  	_ =	shalt  }
0x71: {  	_ =	shalt  }
0x72: {  	_ =	shalt  }
0x73: {  	_ =	shalt  }
0x74: {  	_ =	shalt  }
0x75: {  	_ =	shalt  }
0x76: {  	_ =	shalt  }
0x77: {  	_ =	shalt  }
0x78: {  	_ =	shalt  }
0x79: {  	_ =	shalt  }
0x7a: {  	_ =	shalt  }
0x7b: {  	_ =	shalt  }
0x7c: {  	_ =	shalt  }
0x7d: {  	_ =	shalt  }
0x7e: {  	_ =	shalt  }
0x7f: {  	_ =	shalt  }
0x80: {  	_ =	shalt  }
0x81: {  	_ =	shalt  }
0x82: {  	_ =	shalt  }
0x83: {  	_ =	shalt  }
0x84: {  	_ =	shalt  }
0x85: {  	_ =	shalt  }
0x86: {  	_ =	shalt  }
0x87: {  	_ =	shalt  }
.Lfunc_end0:
.L_simem_size_0:
called_computation_lowered:
.L_overlay_start_0:
0x88: {  	s2 =	sld [smem:$0x3FD9]  }
0x89: {  	s3 =	sld [smem:$0x3FFE];
	_ =	sdelay $0x1  }
0x8a: {  	s1 =	srdreg.scid  }
0x8b: {  	s0 =	sand.u32 $0x1, s1  }
0x8c: {  	s17 =	sshll.u32 s0, $0xA;
	s2 =	sadd.s32 s3, s2  }
0x8d: {  	s2 =	sadd.s32 s2, s17  }
0x8e: {  	[smem:$0x3FBB] =	sst s2  }
0x8f: {  	_ = 	snop  }
0x90: {  	s2 =	sld [smem:$0x3FC9];
	(tm) =	ssettm $0x1  }
0x91: {  	s18 =	sld [smem:$0x3FFB];
	_ =	sdelay $0x3  }
0x92: {  	_ =	strace s18  }
0x93: {  	s3 =	sld [smem:$0x3FFC];
	_ =	sdelay $0x3  }
0x94: {  	_ =	strace s3  }
0x95: {  	s3 =	sld [smem:$0x3FFD];
	_ =	sdelay $0x3  }
0x96: {  	_ =	strace s3  }
0x97: {  	_ =	strace $0x8FFFFFFF  }
0x98: {  	s19 =	sld [smem:$0x3FDB];
	_ =	sdelay $0x1  }
0x99: {  	s4 =	simm.s32 $_scs_section_size  }
0x9a: {  	s5 =	simm.s32 $_size__tile_overlayer_lowered;
	s6 =	simm.s32 $_tile_overlayer_lowered  }
0x9b: {  	s22 =	simm.s32 $0x1BFF;
	s21 =	sshll.u32 s6, $0x1;
	s3 =	sadd.s32 s4, s19  }
0x9c: {  	s7 =	simm.s32 $0x0;
	s20 =	sshll.u32 s5, $0x1;
	s5 =	sadd.s32 s21, s3  }
0x9d: {  	[timem:s7], [sflag:s22] =	dma.local [hbm:s5], s20  }
0x9e: {  	_ =	swait.ge [sflag:s22], s20  }
0x9f: {  	s4 =	ssub.s32 $0x0, s20;
	[sflag:s22] =	ssyncset.done $0x0  }
0xa0: {  	[sflag:s22] =	ssyncadd.s32 s4;
	_ =	sdelay $0x1  }
0xa1: {  	s23 =	simm.s32 $0x1B8B  }
0xa2: {  	_ =	swait.ge [sflag:s23], $0x1  }
0xa3: {  	[sflag:s23] =	ssyncset.done $0x0  }
0xa4: {  	s25 =	simm.s32 $0x1B8E;
	s24 =	sld [smem:$0x3FFE];
	[sflag:s23] =	ssyncadd.s32 $0xFFFFFFFF  }
0xa5: {  	s26 =	simm.s32 $execute0_lowered;
	[smem:$0x3FD2] =	sst s25  }
0xa6: {  	s5 =	sshll.u32 s26, $0x1;
	_ =	strace $0x80000046;
	[dreg:$0x1] =	wrdreg $0xFFFFFFFF  }
0xa7: {  	s28 =	simm.s32 $_size_execute0_lowered;
	s3 =	sadd.s32 s3, s5;
	[dreg:$0x0] =	wrdreg $0x0  }
0xa8: {  	s5 =	sshll.u32 s28, $0x1;
	[dreg:$0x2] =	wrdreg s3  }
0xa9: {  	[dreg:$0x3] =	wrdreg s5  }
0xaa: {  	[dreg:$0x4] =	wrdreg $0xC0  }
0xab: {  	_ =	task [dreg:s7], $0x5FFFF  }
0xac: {  	[dreg:$0x1] =	wrdreg $0xFFFFFFFF  }
0xad: {  	[dreg:$0x0] =	wrdreg $0x60  }
0xae: {  	[dreg:$0x2] =	wrdreg s2  }
0xaf: {  	[dreg:$0x3] =	wrdreg s24  }
0xb0: {  	[dreg:$0x4] =	wrdreg $0x75000  }
0xb1: {  	[dreg:$0x5] =	wrdreg $0x1B5000  }
0xb2: {  	[dreg:$0x6] =	wrdreg $0x9  }
0xb3: {  	_ =	task.clear_ibuf [dreg:s7], $0x7FFFF;
	_ =	strace $0x90000046  }
0xb4: {  	s29 =	simm.s32 $0x9;
	_ =	strace $0x80000048  }
0xb5: {  	_ =	swait.ge [sflag:s29], $0x1  }
0xb6: {  	[sflag:s29] =	ssyncadd.s32 $0xFFFFFFFF  }
0xb7: {  	_ =	strace $0x90000048  }
0xb8: {  	_ =	sfence  }
0xb9: {  	s30 =	sld [smem:$0x0];
	_ =	sdelay $0x2  }
0xba: {  	s31 =	sshll.u32 s1, $0xD;
	s1 =	sshrl.u32 s1, $0x2  }
0xbb: {  	s3 =	sand.u32 $0x4000, s31;
	s1 =	sadd.s32 s1, s30  }
0xbc: {  	s0 =	sor.u32 s3, s0;
	s1 =	sshll.u32 s1, $0x11  }
0xbd: {  	s0 =	sor.u32 s1, s0  }
0xbe: {  	s0 =	sadd.s32 $0x8F2B, s0  }
0xbf: {  	[sflag:s0] =	ssyncadd.remote.s32 $0x1  }
0xc0: {  	_ =	sfence.sel $0xFFFF  }
0xc1: {  	[dreg:$0x0] =	wrdreg $0xFFFFFFFF;
	(pc) =	sbr.abs _section_cstart, $3  }
0xc2: {  	[dreg:$0x1] =	wrdreg $0xFFFFFFFF  }
0xc3: {  	_ =	task.clear_ibuf [dreg:s7], $0x2FFFF;
	_ =	strace $0x9FFFFFFF  }
0xc4: {  	(tm) =	ssettm $0x7FFFFFFF  }
0xc5: {  	_ =	shalt  }
tec
execute0_lowered:
.L_overlay_start_1:
0x0: {  	(tag) =	ssettag $0x1  }
0x1: {  	s1 =	rddreg [dreg:$0x0]  }
0x2: {  	s5 =	rddreg [dreg:$0x1]  }
0x3: {  	s2 =	rddreg [dreg:$0x2]  }
0x4: {  	s3 =	rddreg [dreg:$0x3];
	s4 =	simm.s32 $0x0;
	s0 =	srdreg.scid  }
0x5: {  	s15 =	stileid.u32;
	s30 =	simm.s32 $0x0;
	[smem:$0x7FF] =	sst s4  }
0x6: {  	s6 =	sadd.s32 $0xD200, s5;
	s7 =	sand.u32 $0x1, s0;
	s17 =	smul.u32 $0xA00, s15  }
0x7: {  	s8 =	sadd.s32 $0x3400, s5;
	s9 =	sadd.s32 $0x17000, s5;
	s18 =	smul.u32 $0x50000, s15  }
0x8: {  	s16 =	sadd.s32 $0x17600, s5;
	s10 =	sadd.s32 $0x17400, s5;
	s13 =	smul.u32 $0x4E20, s15  }
0x9: {  	s11 =	sadd.s32 $0x18200, s5;
	s5 =	sadd.s32 $0x17800, s5;
	s19 =	smul.u32 $0x270, s15  }
0xa: {  	s14 =	smul.u32 $0x4E000, s15;
	_ =	strace $0x80000047;
	[dreg:$0x5] =	wrdreg s9  }
0xb: {  	s31 =	smul.u32 $0x9C4, s15;
	p0 =	sne.s32 s15, $0x0;
	[dreg:$0x6] =	wrdreg s16  }
0xc: {  	s0 =	smul.u32 $0x2710, s7;
	[dreg:$0x7] =	wrdreg s10;
	s7 =	ssub.s32 $0x2, s7  }
0xd: {  	s12 =	sshrl.u32 s7, $0x1;
	s9 =	sshrl.u32 s17, $0x2;
	s10 =	sshrl.u32 s18, $0x2  }
0xe: {  	s20 =	sshrl.u32 s13, $0x3;
	s23 =	sshrl.u32 s14, $0x2;
	s14 =	sshll.u32 s15, $0x4  }
0xf: {  	s15 =	simm.s32 $0x100;
	s7 =	ssub.s32 s7, s12;
	s9 =	sadd.s32 s9, s3  }
0x10: {  	s16 =	sadd.s32 s10, s2;
	s21 =	sadd.s32 s6, s20;
	s22 =	sadd.s32 s19, s0  }
0x11: {  	s24 =	sadd.s32 s23, s2;
	s26 =	sadd.s32 $0x2700, s0;
	[dreg:$0x8] =	wrdreg s9  }
0x12: {  	s12 =	sadd.s32 s19, s3;
	s19 =	sadd.s32 s31, s8;
	[dreg:$0xa] =	wrdreg s21  }
0x13: {  	s9 =	sadd.s32 s8, s20;
	s25 =	sshll.u32 s22, $0x4;
	[dreg:$0xd] =	wrdreg s12  }
0x14: {  	s10 =	sshrl.u32 s22, $0x3;
	s28 =	sshll.u32 s26, $0x4;
	[dreg:$0x9] =	wrdreg s16  }
0x15: {  	s29 =	sshrl.u32 s26, $0x3;
	s17 =	smax.u32 s7, $0x1;
	[dreg:$0xb] =	wrdreg s9  }
0x16: {  	s12 =	sadd.s32 $0x138000, s2;
	s18 =	sshrl.u32 s24, $0x3;
	[dreg:$0x12] =	wrdreg s17  }
0x17: {  	s20 =	sadd.s32 s31, s6;
	s21 =	sadd.s32 $0x2000, s16;
	[dreg:$0x13] =	wrdreg s18  }
0x18: {  	s6 =	sadd.s32 $0x10, s14;
	s22 =	sadd.s32 $0x4000, s16;
	[dreg:$0x15] =	wrdreg s21  }
0x19: {  	s23 =	sadd.s32 $0x6000, s16;
	s24 =	sadd.s32 $0x8000, s16;
	[dreg:$0x16] =	wrdreg s22  }
0x1a: {  	s26 =	sadd.s32 $0xC000, s16;
	s31 =	sadd.s32 $0x12000, s16;
	[dreg:$0x17] =	wrdreg s23  }
0x1b: {  	s7 =	simm.s32 $0x5200;
	s8 =	simm.s32 $0x9;
	[dreg:$0x18] =	wrdreg s24  }
0x1c: {  	s14 =	simm.s32 $0x50;
	s13 =	sadd.s32 s11, s25;
	[dreg:$0x1a] =	wrdreg s26  }
0x1d: {  	s10 =	sadd.s32 s5, s10;
	s5 =	sadd.s32 s5, s29;
	[dreg:$0x1d] =	wrdreg s31  }
0x1e: {  	s25 =	sadd.s32 $0xA000, s16;
	s29 =	sadd.s32 $0x10000, s16;
	[dreg:$0xc] =	wrdreg s13  }
0x1f: {  	s9 =	simm.s32 $0x7200;
	s22 =	simm.s32 $0x7280;
	[dreg:$0xe] =	wrdreg s10  }
0x20: {  	s17 =	simm.s32 $0x2980;
	s18 =	simm.s32 $0x3;
	[dreg:$0x10] =	wrdreg s5  }
0x21: {  	s21 =	simm.s32 $0x2;
	s23 =	simm.s32 $0x2A00;
	[dreg:$0x19] =	wrdreg s25  }
0x22: {  	s24 =	simm.s32 $0x5;
	s10 =	sadd.s32 s11, s28;
	[dreg:$0x1c] =	wrdreg s29  }
0x23: {  	s26 =	simm.s32 $0x4;
	s13 =	sadd.s32 $0x2700, s3;
	[dreg:$0xf] =	wrdreg s10  }
0x24: {  	s5 =	sshrl.u32 @!p0 s12, $0x3;
	s28 =	sadd.s32 $0xE000, s16;
	[dreg:$0x11] =	wrdreg s13  }
0x25: {  	s12 =	simm.s32 $0x80;
	s16 =	simm.s32 $0x2900;
	[dreg:$0x14] =	wrdreg s5  }
0x26: {  	v1 =	vlaneseq.u32;
	v0 =	vmov s0;
	s25 =	simm.s32 $0x7;
	[dreg:$0x1b] =	wrdreg s28;
	s13 =	simm.s32 $0x1  }
.LBB2_1:
0x27: {  	s0 =	rddreg [dreg:$0x5]  }
0x28: {  	[tilespmem:s7], [sflag:$0x9] =	stream.linear.gather [hbm4b:s0+s4], $0x2000, $0x38;
	[tilespmem:$0x1B780] =	vst v63  }
0x29: {  	_ =	swait.ge [sflag:s8], $0x2000  }
0x2a: {  	[sflag:s8] =	ssyncset.done $0x0  }
0x2b: {  	s28 =	rddreg [dreg:$0x7];
	[sflag:s8] =	ssyncadd.s32 $0xFFFFE000  }
0x2c: {  	[tilespmem:s9], [sflag:$0x9] =	stream.linear.gather [hbm4b:s28+s4], $0x80, $0x38;
	[tilespmem:$0x1B780] =	vst v63  }
0x2d: {  	_ =	swait.ge [sflag:s8], $0x80  }
0x2e: {  	[sflag:s8] =	ssyncset.done $0x0  }
0x2f: {  	s29 =	rddreg [dreg:$0x6];
	[sflag:s8] =	ssyncadd.s32 $0xFFFFFF80  }
0x30: {  	[tilespmem:s22], [sflag:$0x9] =	stream.linear.gather [hbm4b:s29+s4], $0x280, $0x38;
	[tilespmem:$0x1B780] =	vst v63  }
0x31: {  	_ =	swait.ge [sflag:s8], $0x280  }
0x32: {  	[sflag:s8] =	ssyncset.done $0x0  }
0x33: {  	s5 =	rddreg [dreg:$0x8];
	[sflag:s8] =	ssyncadd.s32 $0xFFFFFD80  }
0x34: {  	[spmem:s5] =	stream.linear.scatter [tilespmem:s22], [sflag:$0x9], $0x280, $0x38;
	[tilespmem:$0x1B780] =	vst v63  }
0x35: {  	_ =	swait.ge [sflag:s8], $0x280  }
0x36: {  	[sflag:s8] =	ssyncset.done $0x0  }
0x37: {  	s10 =	rddreg [dreg:$0x9];
	[sflag:s8] =	ssyncadd.s32 $0xFFFFFD80  }
0x38: {  	[spmem:s10] =	stream.linear.scatter [tilespmem:s7], [sflag:$0x9], $0x2000, $0x38;
	[tilespmem:$0x1B780] =	vst v63  }
0x39: {  	_ =	swait.ge [sflag:s8], $0x2000  }
0x3a: {  	[sflag:s8] =	ssyncset.done $0x0  }
0x3b: {  	s11 =	rddreg [dreg:$0x15];
	[sflag:s8] =	ssyncadd.s32 $0xFFFFE000  }
0x3c: {  	[spmem:s11] =	stream.linear.scatter [tilespmem:s7], [sflag:$0x9], $0x2000, $0x38;
	[tilespmem:$0x1B780] =	vst v63  }
0x3d: {  	_ =	swait.ge [sflag:s8], $0x2000  }
0x3e: {  	[sflag:s8] =	ssyncset.done $0x0  }
0x3f: {  	s22 =	rddreg [dreg:$0x16];
	[sflag:s8] =	ssyncadd.s32 $0xFFFFE000  }
0x40: {  	[spmem:s22] =	stream.linear.scatter [tilespmem:s7], [sflag:$0x9], $0x2000, $0x38;
	[tilespmem:$0x1B780] =	vst v63  }
0x41: {  	_ =	swait.ge [sflag:s8], $0x2000  }
0x42: {  	[sflag:s8] =	ssyncset.done $0x0  }
0x43: {  	s28 =	rddreg [dreg:$0x17];
	[sflag:s8] =	ssyncadd.s32 $0xFFFFE000  }
0x44: {  	[spmem:s28] =	stream.linear.scatter [tilespmem:s7], [sflag:$0x9], $0x2000, $0x38;
	[tilespmem:$0x1B780] =	vst v63  }
0x45: {  	_ =	swait.ge [sflag:s8], $0x2000  }
0x46: {  	[sflag:s8] =	ssyncset.done $0x0  }
0x47: {  	s29 =	rddreg [dreg:$0x18];
	[sflag:s8] =	ssyncadd.s32 $0xFFFFE000  }
0x48: {  	[spmem:s29] =	stream.linear.scatter [tilespmem:s7], [sflag:$0x9], $0x2000, $0x38;
	[tilespmem:$0x1B780] =	vst v63  }
0x49: {  	_ =	swait.ge [sflag:s8], $0x2000  }
0x4a: {  	[sflag:s8] =	ssyncset.done $0x0  }
0x4b: {  	s5 =	rddreg [dreg:$0x19];
	[sflag:s8] =	ssyncadd.s32 $0xFFFFE000  }
0x4c: {  	[spmem:s5] =	stream.linear.scatter [tilespmem:s7], [sflag:$0x9], $0x2000, $0x38;
	[tilespmem:$0x1B780] =	vst v63  }
0x4d: {  	_ =	swait.ge [sflag:s8], $0x2000  }
0x4e: {  	[sflag:s8] =	ssyncset.done $0x0  }
0x4f: {  	s10 =	rddreg [dreg:$0x1a];
	[sflag:s8] =	ssyncadd.s32 $0xFFFFE000  }
0x50: {  	[spmem:s10] =	stream.linear.scatter [tilespmem:s7], [sflag:$0x9], $0x2000, $0x38;
	[tilespmem:$0x1B780] =	vst v63  }
0x51: {  	_ =	swait.ge [sflag:s8], $0x2000  }
0x52: {  	[sflag:s8] =	ssyncset.done $0x0  }
0x53: {  	s11 =	rddreg [dreg:$0x1b];
	[sflag:s8] =	ssyncadd.s32 $0xFFFFE000  }
0x54: {  	[spmem:s11] =	stream.linear.scatter [tilespmem:s7], [sflag:$0x9], $0x2000, $0x38;
	[tilespmem:$0x1B780] =	vst v63  }
0x55: {  	_ =	swait.ge [sflag:s8], $0x2000  }
0x56: {  	[sflag:s8] =	ssyncset.done $0x0  }
0x57: {  	s22 =	rddreg [dreg:$0x1c];
	[sflag:s8] =	ssyncadd.s32 $0xFFFFE000  }
0x58: {  	[spmem:s22] =	stream.linear.scatter [tilespmem:s7], [sflag:$0x9], $0x2000, $0x38;
	[tilespmem:$0x1B780] =	vst v63  }
0x59: {  	_ =	swait.ge [sflag:s8], $0x2000  }
0x5a: {  	[sflag:s8] =	ssyncset.done $0x0  }
0x5b: {  	s28 =	rddreg [dreg:$0x1d];
	[sflag:s8] =	ssyncadd.s32 $0xFFFFE000  }
0x5c: {  	[spmem:s28] =	stream.linear.scatter [tilespmem:s7], [sflag:$0x9], $0x2000, $0x38;
	[tilespmem:$0x1B780] =	vst v63  }
0x5d: {  	_ =	swait.ge [sflag:s8], $0x2000  }
0x5e: {  	[sflag:s8] =	ssyncset.done $0x0  }
0x5f: {  	[sflag:s8] =	ssyncadd.s32 $0xFFFFE000  }
0x60: {  	[bflag:$0x0] =	sbarrier.arrive $0xFFFF  }
0x61: {  	s29 =	rddreg [dreg:$0xa]  }
0x62: {  	[tilespmem:s4], [sflag:$0x1] =	stream.linear.gather [hbm4b:s29+s4], $0x50, $0x38;
	[tilespmem:$0x1B780] =	vst v63  }
0x63: {  	s5 =	rddreg [dreg:$0xb]  }
0x64: {  	[tilespmem:s12], [sflag:$0x1] =	stream.linear.gather [hbm4b:s5+s4], $0x50, $0x38;
	[tilespmem:$0x1B780] =	vst v63  }
0x65: {  	_ =	swait.ge [sflag:s13], $0x50  }
0x66: {  	[sflag:s13] =	ssyncset.done $0x0  }
0x67: {  	[sflag:s13] =	ssyncadd.s32 $0xFFFFFFB0  }
0x68: {  	_ =	swait.ge [sflag:s13], $0x50  }
0x69: {  	[sflag:s13] =	ssyncset.done $0x0  }
0x6a: {  	[sflag:s13] =	ssyncadd.s32 $0xFFFFFFB0  }
0x6b: {  	[tilespmem:s15], [sflag:$0x3] =	stream.indirect.gather [hbm4b:s1+s14], $0x80, s4, s14, $0xb8;
	[tilespmem:$0x1B780] =	vst v63  }
0x6c: {  	v2 =	vld [tilespmem:$0xB0]  }
0x6d: {  	v3 =	vld [tilespmem:$0xA0]  }
0x6e: {  	v5 =	vld [tilespmem:$0x90]  }
0x6f: {  	s10 =	sadd.s32 $0xFFFFFFF0, s6;
	v4 =	vld [tilespmem:$0xC0]  }
0x70: {  	s0 =	sand.u32 $0x70, s10;
	v6 =	vld [tilespmem:$0x80]  }
0x71: {  	s0 =	sadd.s32 $0x2710, s0;
	v2 =	vsub.s32 v2, v0  }
0x72: {  	v7 =	vor.u32 s0, v1;
	v3 =	vsub.s32 v3, v0;
	vm0 =	vgt.u32 v2, $0x270F  }
0x73: {  	v5 =	vsub.s32 v5, v0;
	vm1 =	vgt.u32 v3, $0x270F;
	v2 =	vsel vm0, v7, v2  }
0x74: {  	v4 =	vsub.s32 v4, v0;
	vm14 =	vgt.u32 v5, $0x270F;
	v3 =	vsel vm1, v7, v3;
	[tilespmem:$0xB0] =	vst v2  }
0x75: {  	vm13 =	vgt.u32 v4, $0x270F;
	v63 =	vsel vm14, v7, v5;
	v2 =	vsub.s32 v6, v0;
	[tilespmem:$0xA0] =	vst v3  }
0x76: {  	v3 =	vsel vm13, v7, v4;
	[tilespmem:$0x90] =	vst v63;
	vm15 =	vgt.u32 v2, $0x270F  }
0x77: {  	p1 =	por $0x1, $0x1;
	[tilespmem:$0xC0] =	vst v3;
	v2 =	vsel vm15, v7, v2  }
0x78: {  	s0 =	simm.s32 @!p1 $0x6;
	[tilespmem:$0x80] =	vst v2  }
0x79: {  	_ =	swait.ge @!p1 [sflag:s0], $0x2800  }
0x7a: {  	[sflag:s0] =	ssyncset.done @!p1 $0x0  }
0x7b: {  	[sflag:s0] =	ssyncadd.s32 @!p1 $0xFFFFD800;
	s0 =	simm.s32 @!p1 $0x8  }
0x7c: {  	_ =	swait.ge @!p1 [sflag:s0], $0x50  }
0x7d: {  	s5 =	sadd.s32 $0x0, s20;
	[sflag:s0] =	ssyncset.done @!p1 $0x0  }
0x7e: {  	s22 =	sadd.s32 $0x0, s19;
	s11 =	sadd.s32 $0xA, s5;
	[sflag:s0] =	ssyncadd.s32 @!p1 $0xFFFFFFB0  }
0x7f: {  	[tilespmem:s16], [sflag:$0x2] =	stream.linear.gather [hbm4b:s11+s4], $0x50, $0x38;
	[tilespmem:$0x1B780] =	vst v63  }
0x80: {  	s28 =	sadd.s32 $0xA, s22  }
0x81: {  	[tilespmem:s17], [sflag:$0x2] =	stream.linear.gather [hbm4b:s28+s4], $0x50, $0x38;
	[tilespmem:$0x1B780] =	vst v63  }
0x82: {  	_ =	swait.ge [sflag:s18], $0x2800  }
0x83: {  	[sflag:s18] =	ssyncset.done $0x0  }
0x84: {  	[sflag:s18] =	ssyncadd.s32 $0xFFFFD800  }
0x85: {  	[spmem:s2] =	stream.indirect.scatter.add.f32 [tilespmem:s15], [sflag:$0x5], $0x80, s12, s14, $0xb8;
	[tilespmem:$0x1B780] =	vst v63  }
0x86: {  	_ = 	snop  }
0x87: {  	[spmem:s3] =	stream.indirect.scatter.add.f32 [tilespmem:s9], [sflag:$0x7], $0x1, s12, s14, $0xb8;
	[tilespmem:$0x1B780] =	vst v63  }
0x88: {  	_ =	swait.ge [sflag:s21], $0x50  }
0x89: {  	[sflag:s21] =	ssyncset.done $0x0  }
0x8a: {  	[sflag:s21] =	ssyncadd.s32 $0xFFFFFFB0  }
0x8b: {  	s31 =	simm.s32 $0x0;
	_ =	swait.ge [sflag:s21], $0x50  }
0x8c: {  	s22 =	smov.u32 s6;
	s29 =	sand.u32 $0x70, s6;
	[sflag:s21] =	ssyncset.done $0x0  }
0x8d: {  	s5 =	simm.s32 $0x14;
	s0 =	sadd.s32 $0x2710, s29;
	[sflag:s21] =	ssyncadd.s32 $0xFFFFFFB0  }
0x8e: {  	[tilespmem:s23], [sflag:$0x4] =	stream.indirect.gather [hbm4b:s1+s14], $0x80, s16, s14, $0xb8;
	[tilespmem:$0x1B780] =	vst v63  }
.LBB2_2:
0x8f: {  	v2 =	vld [tilespmem:$0x29C0];
	s22 =	sadd.s32 $0x20, s22;
	s10 =	smov.u32 s5;
	s5 =	sadd.s32 $0x14, s5  }
0x90: {  	s28 =	sand.u32 $0x70, s22;
	p1 =	sne.s32 s5, $0x9C4;
	v3 =	vld [tilespmem:$0x29B0]  }
0x91: {  	s28 =	sadd.s32 $0x2710, s28;
	v4 =	vld [tilespmem:$0x29A0]  }
0x92: {  	v5 =	vld [tilespmem:$0x2990]  }
0x93: {  	v6 =	vld [tilespmem:$0x2980]  }
0x94: {  	v2 =	vsub.s32 v2, v0  }
0x95: {  	v7 =	vor.u32 s0, v1;
	s0 =	smov.u32 s28;
	v3 =	vsub.s32 v3, v0;
	vm0 =	vgt.u32 v2, $0x270F  }
0x96: {  	v4 =	vsub.s32 v4, v0;
	vm1 =	vgt.u32 v3, $0x270F;
	v2 =	vsel vm0, v7, v2  }
0x97: {  	v5 =	vsub.s32 v5, v0;
	vm0 =	vgt.u32 v4, $0x270F;
	v3 =	vsel vm1, v7, v3;
	[tilespmem:$0x29C0] =	vst v2  }
0x98: {  	v2 =	vsub.s32 v6, v0;
	vm1 =	vgt.u32 v5, $0x270F;
	v4 =	vsel vm0, v7, v4;
	[tilespmem:$0x29B0] =	vst v3  }
0x99: {  	vm0 =	vgt.u32 v2, $0x270F;
	v3 =	vsel vm1, v7, v5;
	[tilespmem:$0x29A0] =	vst v4  }
0x9a: {  	v2 =	vsel vm0, v7, v2;
	[tilespmem:$0x2990] =	vst v3  }
0x9b: {  	[tilespmem:$0x2980] =	vst v2  }
0x9c: {  	_ =	swait.ge [sflag:s24], $0x2800  }
0x9d: {  	[sflag:s24] =	ssyncset.done $0x0  }
0x9e: {  	[sflag:s24] =	ssyncadd.s32 $0xFFFFD800  }
0x9f: {  	p2 =	seq.s32 s31, $0x9B0;
	_ =	swait.ge [sflag:s25], $0x50  }
0xa0: {  	s28 =	sadd.s32 @!p2 s31, s20;
	s31 =	sadd.s32 @!p2 s31, s19;
	[sflag:s25] =	ssyncset.done $0x0  }
0xa1: {  	s29 =	simm.s32 @!p2 $0x0;
	s28 =	sadd.s32 @!p2 $0x14, s28;
	[sflag:s25] =	ssyncadd.s32 $0xFFFFFFB0  }
0xa2: {  	[tilespmem:s29], [sflag:$0x1] =	stream.linear.gather @!p2 [hbm4b:s28+s29], $0x50, $0x38;
	[tilespmem:$0x1B780] =	vst v63  }
0xa3: {  	s11 =	simm.s32 @!p2 $0x80;
	s28 =	sadd.s32 @!p2 $0x14, s31;
	s31 =	smov.u32 s10  }
0xa4: {  	[tilespmem:s11], [sflag:$0x1] =	stream.linear.gather @!p2 [hbm4b:s28+s29], $0x50, $0x38;
	[tilespmem:$0x1B780] =	vst v63  }
0xa5: {  	_ =	swait.ge [sflag:s26], $0x2800  }
0xa6: {  	[sflag:s26] =	ssyncset.done $0x0  }
0xa7: {  	[sflag:s26] =	ssyncadd.s32 $0xFFFFD800  }
0xa8: {  	[spmem:s2] =	stream.indirect.scatter.add.f32 [tilespmem:s23], [sflag:$0x6], $0x80, s17, s14, $0xb8;
	[tilespmem:$0x1B780] =	vst v63  }
0xa9: {  	_ = 	snop  }
0xaa: {  	[spmem:s3] =	stream.indirect.scatter.add.f32 [tilespmem:s9], [sflag:$0x8], $0x1, s17, s14, $0xb8;
	[tilespmem:$0x1B780] =	vst v63  }
0xab: {  	_ =	swait.ge [sflag:s13], $0x50  }
0xac: {  	[sflag:s13] =	ssyncset.done $0x0  }
0xad: {  	[sflag:s13] =	ssyncadd.s32 $0xFFFFFFB0  }
0xae: {  	_ =	swait.ge [sflag:s13], $0x50  }
0xaf: {  	[sflag:s13] =	ssyncset.done $0x0  }
0xb0: {  	[sflag:s13] =	ssyncadd.s32 $0xFFFFFFB0  }
0xb1: {  	[tilespmem:s15], [sflag:$0x3] =	stream.indirect.gather [hbm4b:s1+s14], $0x80, s4, s14, $0xb8;
	[tilespmem:$0x1B780] =	vst v63  }
0xb2: {  	v2 =	vld [tilespmem:$0xB0]  }
0xb3: {  	v3 =	vld [tilespmem:$0xA0]  }
0xb4: {  	v4 =	vld [tilespmem:$0xC0]  }
0xb5: {  	s10 =	sadd.s32 $0xFFFFFFF0, s22;
	v5 =	vld [tilespmem:$0x90]  }
0xb6: {  	s10 =	sand.u32 $0x70, s10;
	v6 =	vld [tilespmem:$0x80]  }
0xb7: {  	s10 =	sadd.s32 $0x2710, s10;
	v2 =	vsub.s32 v2, v0  }
0xb8: {  	v7 =	vor.u32 s10, v1;
	v3 =	vsub.s32 v3, v0;
	vm0 =	vgt.u32 v2, $0x270F  }
0xb9: {  	vm1 =	vgt.u32 v3, $0x270F;
	v2 =	vsel vm0, v7, v2;
	v4 =	vsub.s32 v4, v0  }
0xba: {  	v5 =	vsub.s32 v5, v0;
	v3 =	vsel vm1, v7, v3;
	[tilespmem:$0xB0] =	vst v2;
	vm0 =	vgt.u32 v4, $0x270F  }
0xbb: {  	v2 =	vsub.s32 v6, v0;
	vm1 =	vgt.u32 v5, $0x270F;
	[tilespmem:$0xA0] =	vst v3;
	v3 =	vsel vm0, v7, v4  }
0xbc: {  	vm0 =	vgt.u32 v2, $0x270F;
	v4 =	vsel vm1, v7, v5;
	[tilespmem:$0xC0] =	vst v3  }
0xbd: {  	p2 =	seq.s32 s31, $0x0;
	v2 =	vsel vm0, v7, v2;
	[tilespmem:$0x90] =	vst v4  }
0xbe: {  	s10 =	simm.s32 @!p2 $0x6;
	[tilespmem:$0x80] =	vst v2  }
0xbf: {  	_ =	swait.ge @!p2 [sflag:s10], $0x2800  }
0xc0: {  	[sflag:s10] =	ssyncset.done @!p2 $0x0  }
0xc1: {  	[sflag:s10] =	ssyncadd.s32 @!p2 $0xFFFFD800;
	s10 =	simm.s32 @!p2 $0x8  }
0xc2: {  	_ =	swait.ge @!p2 [sflag:s10], $0x50  }
0xc3: {  	s11 =	sadd.s32 s31, s20;
	[sflag:s10] =	ssyncset.done @!p2 $0x0  }
0xc4: {  	[sflag:s10] =	ssyncadd.s32 @!p2 $0xFFFFFFB0;
	s10 =	sadd.s32 $0xA, s11;
	s11 =	sadd.s32 s31, s19  }
0xc5: {  	[tilespmem:s16], [sflag:$0x2] =	stream.linear.gather [hbm4b:s10+s4], $0x50, $0x38;
	[tilespmem:$0x1B780] =	vst v63  }
0xc6: {  	s10 =	sadd.s32 $0xA, s11  }
0xc7: {  	[tilespmem:s17], [sflag:$0x2] =	stream.linear.gather [hbm4b:s10+s4], $0x50, $0x38;
	[tilespmem:$0x1B780] =	vst v63  }
0xc8: {  	_ =	swait.ge [sflag:s18], $0x2800  }
0xc9: {  	[sflag:s18] =	ssyncset.done $0x0  }
0xca: {  	[sflag:s18] =	ssyncadd.s32 $0xFFFFD800  }
0xcb: {  	[spmem:s2] =	stream.indirect.scatter.add.f32 [tilespmem:s15], [sflag:$0x5], $0x80, s12, s14, $0xb8;
	[tilespmem:$0x1B780] =	vst v63  }
0xcc: {  	_ = 	snop  }
0xcd: {  	[spmem:s3] =	stream.indirect.scatter.add.f32 [tilespmem:s9], [sflag:$0x7], $0x1, s12, s14, $0xb8;
	[tilespmem:$0x1B780] =	vst v63  }
0xce: {  	_ =	swait.ge [sflag:s21], $0x50  }
0xcf: {  	[sflag:s21] =	ssyncset.done $0x0  }
.Ltmp0:
0xd0: {  	[sflag:s21] =	ssyncadd.s32 $0xFFFFFFB0;
	(pc) =	sbr.rel @p1 .LBB2_2-.Ltmp0, $4  }
0xd1: {  	_ =	swait.ge [sflag:s21], $0x50  }
0xd2: {  	[sflag:s21] =	ssyncset.done $0x0  }
0xd3: {  	[sflag:s21] =	ssyncadd.s32 $0xFFFFFFB0  }
0xd4: {  	[tilespmem:s23], [sflag:$0x4] =	stream.indirect.gather [hbm4b:s1+s14], $0x80, s16, s14, $0xb8;
	[tilespmem:$0x1B780] =	vst v63  }
0xd5: {  	v2 =	vld [tilespmem:$0x29C0]  }
0xd6: {  	v3 =	vld [tilespmem:$0x29B0]  }
0xd7: {  	v4 =	vld [tilespmem:$0x29A0]  }
0xd8: {  	v5 =	vld [tilespmem:$0x2990]  }
0xd9: {  	v6 =	vld [tilespmem:$0x2980]  }
0xda: {  	v2 =	vsub.s32 v2, v0  }
0xdb: {  	v7 =	vor.u32 s0, v1;
	v3 =	vsub.s32 v3, v0;
	vm0 =	vgt.u32 v2, $0x270F  }
0xdc: {  	v4 =	vsub.s32 v4, v0;
	vm1 =	vgt.u32 v3, $0x270F;
	v2 =	vsel vm0, v7, v2  }
0xdd: {  	v5 =	vsub.s32 v5, v0;
	vm13 =	vgt.u32 v4, $0x270F;
	v3 =	vsel vm1, v7, v3;
	[tilespmem:$0x29C0] =	vst v2  }
0xde: {  	vm14 =	vgt.u32 v5, $0x270F;
	v4 =	vsel vm13, v7, v4;
	v2 =	vsub.s32 v6, v0;
	[tilespmem:$0x29B0] =	vst v3  }
0xdf: {  	v3 =	vsel vm14, v7, v5;
	[tilespmem:$0x29A0] =	vst v4;
	vm15 =	vgt.u32 v2, $0x270F  }
0xe0: {  	[tilespmem:$0x2990] =	vst v3;
	v2 =	vsel vm15, v7, v2  }
0xe1: {  	[tilespmem:$0x2980] =	vst v2  }
0xe2: {  	_ =	swait.ge [sflag:s24], $0x2800  }
0xe3: {  	[sflag:s24] =	ssyncset.done $0x0  }
0xe4: {  	[sflag:s24] =	ssyncadd.s32 $0xFFFFD800  }
0xe5: {  	p1 =	seq.s32 s31, $0x9B0;
	_ =	swait.ge [sflag:s25], $0x50  }
0xe6: {  	s0 =	sadd.s32 @!p1 s31, s20;
	s5 =	sadd.s32 @!p1 s31, s19;
	[sflag:s25] =	ssyncset.done $0x0  }
0xe7: {  	s10 =	simm.s32 @!p1 $0x0;
	s0 =	sadd.s32 @!p1 $0x14, s0;
	[sflag:s25] =	ssyncadd.s32 $0xFFFFFFB0  }
0xe8: {  	[tilespmem:s10], [sflag:$0x1] =	stream.linear.gather @!p1 [hbm4b:s0+s10], $0x50, $0x38;
	[tilespmem:$0x1B780] =	vst v63  }
0xe9: {  	s0 =	sadd.s32 @!p1 $0x14, s5;
	s5 =	simm.s32 @!p1 $0x80  }
0xea: {  	[tilespmem:s5], [sflag:$0x1] =	stream.linear.gather @!p1 [hbm4b:s0+s10], $0x50, $0x38;
	[tilespmem:$0x1B780] =	vst v63  }
0xeb: {  	_ =	swait.ge [sflag:s26], $0x2800  }
0xec: {  	[sflag:s26] =	ssyncset.done $0x0  }
0xed: {  	[sflag:s26] =	ssyncadd.s32 $0xFFFFD800  }
0xee: {  	[spmem:s2] =	stream.indirect.scatter.add.f32 [tilespmem:s23], [sflag:$0x6], $0x80, s17, s14, $0xb8;
	[tilespmem:$0x1B780] =	vst v63  }
0xef: {  	s31 =	simm.s32 $0x6  }
0xf0: {  	[spmem:s3] =	stream.indirect.scatter.add.f32 [tilespmem:s9], [sflag:$0x8], $0x1, s17, s14, $0xb8;
	[tilespmem:$0x1B780] =	vst v63  }
0xf1: {  	_ =	swait.ge [sflag:s31], $0x2800  }
0xf2: {  	[sflag:s31] =	ssyncset.done $0x0  }
0xf3: {  	s5 =	simm.s32 $0x8;
	[sflag:s31] =	ssyncadd.s32 $0xFFFFD800  }
0xf4: {  	_ =	swait.ge [sflag:s5], $0x50  }
0xf5: {  	[sflag:s5] =	ssyncset.done $0x0  }
0xf6: {  	[sflag:s5] =	ssyncadd.s32 $0xFFFFFFB0  }
0xf7: {  	s10 =	stileid.u32;
	[bflag:$0x0] =	sbarrier.arrive $0xFFFF  }
0xf8: {  	s0 =	sshll.u32 s10, $0x6;
	s11 =	rddreg [dreg:$0xc]  }
0xf9: {  	s0 =	sor.u32 $0x1C09, s0;
	s22 =	rddreg [dreg:$0x13]  }
0xfa: {  	[hbm:s11], [sflag:s0] =	dma.local [spmem:s22], $0x2700  }
0xfb: {  	_ =	swait.ge [sflag:s8], $0x2700  }
0xfc: {  	[sflag:s8] =	ssyncset.done $0x0  }
0xfd: {  	s22 =	simm.s32 $0x7280;
	s28 =	rddreg [dreg:$0xd];
	[sflag:s8] =	ssyncadd.s32 $0xFFFFD900  }
0xfe: {  	[tilespmem:s22], [sflag:$0x9] =	stream.linear.gather [spmem:s28], $0x270, $0x38;
	[tilespmem:$0x1B780] =	vst v63  }
0xff: {  	_ =	swait.ge [sflag:s8], $0x270  }
0x100: {  	[sflag:s8] =	ssyncset.done $0x0  }
0x101: {  	s29 =	rddreg [dreg:$0xe];
	[sflag:s8] =	ssyncadd.s32 $0xFFFFFD90  }
0x102: {  	[hbm4b:s29+s4] =	stream.linear.scatter [tilespmem:s22], [sflag:$0x9], $0x270, $0x38;
	[tilespmem:$0x1B780] =	vst v63  }
0x103: {  	_ =	swait.ge [sflag:s8], $0x270  }
0x104: {  	[sflag:s8] =	ssyncset.done $0x0;
	s5 =	rddreg [dreg:$0xf]  }
0x105: {  	s10 =	rddreg [dreg:$0x14];
	[sflag:s8] =	ssyncadd.s32 $0xFFFFFD90  }
0x106: {  	[hbm:s5], [sflag:s0] =	dma.local @!p0 [spmem:s10], $0x100  }
0x107: {  	s0 =	simm.s32 @!p0 $0x9  }
0x108: {  	_ =	swait.ge @!p0 [sflag:s0], $0x100  }
0x109: {  	[sflag:s0] =	ssyncset.done @!p0 $0x0  }
0x10a: {  	s5 =	simm.s32 @!p0 $0x7280;
	s10 =	rddreg [dreg:$0x11];
	[sflag:s0] =	ssyncadd.s32 @!p0 $0xFFFFFF00  }
0x10b: {  	[tilespmem:s5], [sflag:$0x9] =	stream.linear.gather @!p0 [spmem:s10], $0x10, $0x38;
	[tilespmem:$0x1B780] =	vst v63  }
0x10c: {  	_ =	swait.ge @!p0 [sflag:s0], $0x10  }
0x10d: {  	[sflag:s0] =	ssyncset.done @!p0 $0x0  }
0x10e: {  	s10 =	simm.s32 @!p0 $0x0;
	s11 =	rddreg [dreg:$0x10];
	[sflag:s0] =	ssyncadd.s32 @!p0 $0xFFFFFFF0  }
0x10f: {  	[hbm4b:s11+s10] =	stream.linear.scatter @!p0 [tilespmem:s5], [sflag:$0x9], $0x10, $0x38;
	[tilespmem:$0x1B780] =	vst v63  }
0x110: {  	_ =	swait.ge @!p0 [sflag:s0], $0x10  }
0x111: {  	s30 =	sadd.s32 $0x1, s30;
	s31 =	rddreg [dreg:$0x12]  }
0x112: {  	p1 =	sne.s32 s30, s31  }
.Ltmp1:
0x113: {  	_ = 	snop;
	(pc) =	sbr.rel @p1 .LBB2_1-.Ltmp1, $3  }
0x114: {  	_ =	sdelay $0x1  }
0x115: {  	[sflag:s0] =	ssyncset.done @!p0 $0x0  }
0x116: {  	[sflag:s0] =	ssyncadd.s32 @!p0 $0xFFFFFFF0  }
0x117: {  	_ =	sfence.sel $0x180000  }
0x118: {  	[bflag:$0x0] =	sbarrier.arrive $0xFFFF  }
0x119: {  	_ =	strace $0x90000047  }
0x11a: {  	[bflag:$0x2] =	sbarrier.arrive $0xFFFF  }
0x11b: {  	s0 =	rddreg [dreg:$0x4]  }
0x11c: {  	s0 =	sadd.s32 @!p0 $0x100000, s0  }
0x11d: {  	[sflag:s0] =	ssyncadd.tile.s32 @!p0 $0x1;
	_ =	shalt  }
.Lfunc_end2:
_tile_overlayer_lowered:
.L_overlay_start_2:
0x11e: {  	(tag) =	ssettag $0x2  }
0x11f: {  	s0 =	rddreg [dreg:$0x0];
	s2 =	stileid.u32  }
0x120: {  	s1 =	rddreg [dreg:$0x1];
	p0 =	sne.s32 s2, $0x0  }
0x121: {  	s3 =	rddreg [dreg:$0x2];
	[bflag:$0x3] =	sbarrier.arrive $0xFFFF;
	s2 =	simm.s32 @!p0 $0x1C09  }
0x122: {  	[timem:s3], [sflag:s2] =	dma.local @!p0 [hbm:s0], s1  }
0x123: {  	s0 =	simm.s32 @!p0 $0x9  }
0x124: {  	_ =	swait.ge @!p0 [sflag:s0], s1  }
0x125: {  	s1 =	ssub.s32 @!p0 $0x0, s1;
	[sflag:s0] =	ssyncset.done @!p0 $0x0  }
0x126: {  	[sflag:s0] =	ssyncadd.s32 @!p0 s1  }
0x127: {  	[bflag:$0x3] =	sbarrier.arrive $0xFFFF  }
0x128: {  	_ =	shalt  }

</sc_bundles>
